<compile_context>
chip_gen: v7x
topology: tpu7x:2x2x1
jax: 0.10.2.dev20260603
libtpu: 0.0.44.dev20260713+nightly
codegen_flags: <defaults>
</compile_context>

<pallas_src>
import functools

import jax
import jax.numpy as jnp
from jax import lax
from jax.experimental import pallas as pl
from jax.experimental.pallas import tpu as pltpu
from jax.experimental.pallas import tpu_sc as plsc

N = 8192
B = 8
K = 16
Q = 512
CT = 512
NBLK = N // Q
NT = N // CT
Q2 = 512
NBLK2 = N // Q2
INF = float("inf")
BIGF = float(2**24)

_HI = lax.Precision.DEFAULT


def _knn_kernel(pos_blk, batch_blk, posc, batchc, batch_row, idx_ref, dist_s):
    qx = pos_blk[:, 0:1]
    qy = pos_blk[:, 1:2]
    qz = pos_blk[:, 2:3]
    qb = batch_blk[:, 0:1]

    b_first = jnp.min(qb)
    b_last = jnp.max(qb)
    lo = jnp.sum((batch_row[:, :] < b_first).astype(jnp.int32))
    hi = jnp.sum((batch_row[:, :] <= b_last).astype(jnp.int32))
    tlo = lo // CT
    thi = (hi + CT - 1) // CT

    iota_f = lax.broadcasted_iota(jnp.int32, (Q, CT), 1).astype(jnp.float32)

    def dbody(t, _):
        cx = posc[t, 0:1, :]
        cy = posc[t, 1:2, :]
        cz = posc[t, 2:3, :]
        cb = batchc[t, 0:1, :]
        dx = qx - cx
        dy = qy - cy
        dz = qz - cz
        d = (dx * dx + dy * dy) + dz * dz
        d = jnp.where(qb != cb, INF, d)
        dist_s[t] = d
        return 0

    lax.fori_loop(tlo, thi, dbody, 0)

    idx_prev = None
    for k in range(K):
        def abody(t, carry, kill=idx_prev):
            m, idxf = carry
            base = (t * CT).astype(jnp.float32)
            tile = dist_s[t]
            if kill is not None:
                tile = jnp.where(iota_f == kill - base, INF, tile)
                dist_s[t] = tile
            tm = jnp.min(tile, axis=1, keepdims=True)
            lidx = jnp.min(jnp.where(tile == tm, iota_f, BIGF),
                           axis=1, keepdims=True) + base
            take = tm < m
            return jnp.where(take, tm, m), jnp.where(take, lidx, idxf)

        m0 = jnp.full((Q, 1), INF, jnp.float32)
        i0 = jnp.full((Q, 1), BIGF, jnp.float32)
        _, idx_prev = lax.fori_loop(tlo, thi, abody, (m0, i0))
        idx_ref[:, k:k + 1] = jnp.minimum(idx_prev, N - 1).astype(jnp.int32)


def _sc_gather_kernel(posx, posy, posz, idxT, out, posx_v, posy_v, posz_v,
                      idx_v, dx_v, dy_v, dz_v):
    wid = lax.axis_index("s") * 2 + lax.axis_index("c")
    k = wid // 2
    n0 = (wid % 2) * (N // 2)
    CH = N // 2

    pltpu.sync_copy(posx, posx_v)
    pltpu.sync_copy(posy, posy_v)
    pltpu.sync_copy(posz, posz_v)
    pltpu.sync_copy(idxT.at[pl.ds(k * N + n0, CH)], idx_v)

    def body(j, _):
        s = j * 16
        iv = idx_v[pl.ds(s, 16)]
        gx = plsc.load_gather(posx_v, [iv])
        gy = plsc.load_gather(posy_v, [iv])
        gz = plsc.load_gather(posz_v, [iv])
        dx_v[pl.ds(s, 16)] = posx_v[pl.ds(n0 + s, 16)] - gx
        dy_v[pl.ds(s, 16)] = posy_v[pl.ds(n0 + s, 16)] - gy
        dz_v[pl.ds(s, 16)] = posz_v[pl.ds(n0 + s, 16)] - gz
        return 0

    lax.fori_loop(0, CH // 16, body, 0)

    pltpu.sync_copy(dx_v, out.at[pl.ds((3 * k + 0) * N + n0, CH)])
    pltpu.sync_copy(dy_v, out.at[pl.ds((3 * k + 1) * N + n0, CH)])
    pltpu.sync_copy(dz_v, out.at[pl.ds((3 * k + 2) * N + n0, CH)])


def _sc_gather(posx, posy, posz, idxT_flat):
    kfn = functools.partial(
        pl.kernel,
        mesh=plsc.VectorSubcoreMesh(core_axis_name="c", subcore_axis_name="s"),
        out_type=jax.ShapeDtypeStruct((3 * K * N,), jnp.float32),
        compiler_params=pltpu.CompilerParams(needs_layout_passes=False),
        scratch_types=[
            pltpu.VMEM((N,), jnp.float32),
            pltpu.VMEM((N,), jnp.float32),
            pltpu.VMEM((N,), jnp.float32),
            pltpu.VMEM((N // 2,), jnp.int32),
            pltpu.VMEM((N // 2,), jnp.float32),
            pltpu.VMEM((N // 2,), jnp.float32),
            pltpu.VMEM((N // 2,), jnp.float32),
        ],
    )(_sc_gather_kernel)
    return kfn(posx, posy, posz, idxT_flat).reshape(3 * K, N)


def _mlp_kernel(pos_blk, batch_blk, d48_blk,
                W1p_ref, W1d_ref, b1_ref, W2_ref, b2_ref, W3_ref, b3_ref,
                seg_ref):
    i = pl.program_id(0)
    qb = batch_blk[:, 0:1]

    h1 = jnp.dot(pos_blk[:, :], W1p_ref[:, :], precision=_HI,
                 preferred_element_type=jnp.float32)
    h1 = h1 + lax.dot_general(
        d48_blk[:, :], W1d_ref[:, :], (((0,), (0,)), ((), ())),
        precision=_HI, preferred_element_type=jnp.float32)
    h1 = jnp.maximum(h1 + b1_ref[0:1, :], 0.0)
    h2 = jnp.maximum(
        jnp.dot(h1, W2_ref[:, :], precision=_HI,
                preferred_element_type=jnp.float32) + b2_ref[0:1, :], 0.0)
    x3 = jnp.dot(h2, W3_ref[:, :], precision=_HI,
                 preferred_element_type=jnp.float32) + b3_ref[0:1, :]
    lane = lax.broadcasted_iota(jnp.int32, (Q2, 128), 1)
    x3 = jnp.where(lane == 9, 1.0, x3)

    iota_b = lax.broadcasted_iota(jnp.int32, (1, B), 1)
    onehot_b = (qb == iota_b).astype(jnp.float32)
    seg_c = lax.dot_general(
        onehot_b, x3, (((0,), (0,)), ((), ())),
        precision=_HI, preferred_element_type=jnp.float32)

    @pl.when(i == 0)
    def _():
        seg_ref[:, :] = jnp.zeros_like(seg_ref)

    seg_ref[:, :] += seg_c


def _xform_kernel(pos_ref, batch_ref, seg_ref, out_ref):
    cnt = jnp.maximum(seg_ref[:, 9:10], 1.0)
    mean = seg_ref[:, 0:9] / cnt
    qb = batch_ref[:, 0:1]
    g = jnp.zeros((pos_ref.shape[0], 9), jnp.float32)
    for b in range(B):
        g = jnp.where(qb == b, mean[b:b + 1, :], g)
    px = pos_ref[:, 0:1]
    py = pos_ref[:, 1:2]
    pz = pos_ref[:, 2:3]
    out_ref[:, 0:1] = px * g[:, 0:1] + py * g[:, 3:4] + pz * g[:, 6:7]
    out_ref[:, 1:2] = px * g[:, 1:2] + py * g[:, 4:5] + pz * g[:, 7:8]
    out_ref[:, 2:3] = px * g[:, 2:3] + py * g[:, 5:6] + pz * g[:, 8:9]


def _knn_call(pos, batch_col, posc, batchc, batch_row, interpret=False):
    return pl.pallas_call(
        _knn_kernel,
        grid=(NBLK,),
        in_specs=[
            pl.BlockSpec((Q, 3), lambda i: (i, 0)),
            pl.BlockSpec((Q, 1), lambda i: (i, 0)),
            pl.BlockSpec((NT, 3, CT), lambda i: (0, 0, 0)),
            pl.BlockSpec((NT, 1, CT), lambda i: (0, 0, 0)),
            pl.BlockSpec((1, N), lambda i: (0, 0)),
        ],
        out_specs=pl.BlockSpec((Q, K), lambda i: (i, 0)),
        out_shape=jax.ShapeDtypeStruct((N, K), jnp.int32),
        scratch_shapes=[pltpu.VMEM((NT, Q, CT), jnp.float32)],
        interpret=interpret,
    )(pos, batch_col, posc, batchc, batch_row)


def _mlp_call(pos_pad, batch_col, d48, W1p, W1d, b1, W2, b2, W3p, b3p,
              interpret=False):
    return pl.pallas_call(
        _mlp_kernel,
        grid=(NBLK2,),
        in_specs=[
            pl.BlockSpec((Q2, 8), lambda i: (i, 0)),
            pl.BlockSpec((Q2, 1), lambda i: (i, 0)),
            pl.BlockSpec((3 * K, Q2), lambda i: (0, i)),
            pl.BlockSpec((8, 1024), lambda i: (0, 0)),
            pl.BlockSpec((3 * K, 1024), lambda i: (0, 0)),
            pl.BlockSpec((1, 1024), lambda i: (0, 0)),
            pl.BlockSpec((1024, 256), lambda i: (0, 0)),
            pl.BlockSpec((1, 256), lambda i: (0, 0)),
            pl.BlockSpec((256, 128), lambda i: (0, 0)),
            pl.BlockSpec((1, 128), lambda i: (0, 0)),
        ],
        out_specs=pl.BlockSpec((B, 128), lambda i: (0, 0)),
        out_shape=jax.ShapeDtypeStruct((B, 128), jnp.float32),
        interpret=interpret,
    )(pos_pad, batch_col, d48, W1p, W1d, b1, W2, b2, W3p, b3p)


def _xform_call(pos, batch_col, seg, interpret=False):
    return pl.pallas_call(
        _xform_kernel,
        out_shape=jax.ShapeDtypeStruct((N, 3), jnp.float32),
        interpret=interpret,
    )(pos, batch_col, seg)


@jax.jit
def _run(pos, batch, W1, b1, W2, b2, W3, b3):
    posc = pos.T.reshape(3, NT, CT).transpose(1, 0, 2)
    batchc = batch.reshape(NT, 1, CT)
    batch_row = batch.reshape(1, N)
    batch_col = batch.reshape(N, 1)
    pos_pad = jnp.zeros((N, 8), jnp.float32).at[:, 0:3].set(pos)
    W1r = W1.reshape(K, 6, 1024)
    W1p = jnp.zeros((8, 1024), jnp.float32).at[0:3].set(W1r[:, 0:3, :].sum(0))
    W1d = W1r[:, 3:6, :].reshape(3 * K, 1024)
    W3p = jnp.zeros((256, 128), jnp.float32).at[:, 0:9].set(W3)
    b3p = jnp.zeros((1, 128), jnp.float32).at[0, 0:9].set(b3)

    idx = _knn_call(pos, batch_col, posc, batchc, batch_row)
    d48 = _sc_gather(pos[:, 0], pos[:, 1], pos[:, 2], idx.T.reshape(-1))
    seg = _mlp_call(pos_pad, batch_col, d48, W1p, W1d,
                    b1.reshape(1, -1), W2, b2.reshape(1, -1), W3p, b3p)
    return _xform_call(pos, batch_col, seg)


def kernel(pos, batch, W1, b1, W2, b2, W3, b3):
    return _run(pos, batch, W1, b1, W2, b2, W3, b3)

# --- scband reference (transcript-rebuilt; emitter-appended) ---
"""Pipeline reference for scband-spatial-transformer-4234837753923 (READ-ONLY COPY).

The authoritative reference and input builder live on the scoring server;
editing this copy changes nothing except your own understanding.
"""

import jax, jax.numpy as jnp
import numpy as np

N = 8192
B = 8
K = 16

def setup_inputs(seed: int = 0) -> dict:
    key = jax.random.key(seed)
    ks = jax.random.split(key, 8)
    pos = jax.random.normal(ks[0], (N, 3), dtype=jnp.float32)
    batch = jnp.sort(jax.random.randint(ks[1], (N,), 0, B, dtype=jnp.int32))
    W1 = jax.random.normal(ks[2], (K * 6, 1024), dtype=jnp.float32) * (1.0 / np.sqrt(K * 6))
    b1 = jnp.zeros((1024,), dtype=jnp.float32)
    W2 = jax.random.normal(ks[3], (1024, 256), dtype=jnp.float32) * (1.0 / np.sqrt(1024))
    b2 = jnp.zeros((256,), dtype=jnp.float32)
    W3 = jax.random.normal(ks[4], (256, 9), dtype=jnp.float32) * (1.0 / np.sqrt(256))
    b3 = jnp.zeros((9,), dtype=jnp.float32)
    return {"pos": pos, "batch": batch, "W1": W1, "b1": b1, "W2": W2, "b2": b2, "W3": W3, "b3": b3}

def _knn_idx(pos, batch, k):
    # pairwise squared distances within each point cloud; cross-cloud masked to +inf
    d = jnp.sum((pos[:, None, :] - pos[None, :, :]) ** 2, axis=-1)  # [N, N]
    mask = batch[:, None] != batch[None, :]
    d = jnp.where(mask, jnp.inf, d)
    # loop=True: self-distance is 0 so self is included among the k nearest
    _, idx = jax.lax.top_k(-d, k)  # [N, k]
    return idx

def reference(pos, batch, W1, b1, W2, b2, W3, b3):
    n = pos.shape[0]
    idx = _knn_idx(pos, batch, K)            # [N, K]
    neighbours = pos[idx]                    # [N, K, 3] gather
    p = pos[:, None, :]                      # [N, 1, 3]
    x = jnp.concatenate([jnp.broadcast_to(p, (n, K, 3)), p - neighbours], axis=2)  # [N, K, 6]
    x = x.reshape(n, K * 6)
    x = jax.nn.relu(x @ W1 + b1)
    x = jax.nn.relu(x @ W2 + b2)
    x = x @ W3 + b3                          # [N, 9]
    sums = jax.ops.segment_sum(x, batch, num_segments=B)
    counts = jax.ops.segment_sum(jnp.ones((n,), dtype=x.dtype), batch, num_segments=B)
    mean = sums / jnp.maximum(counts, 1.0)[:, None]   # global_mean_pool -> [B, 9]
    g = mean[batch].reshape(-1, 3, 3)        # [N, 3, 3] gather back per point
    out = jnp.squeeze(jnp.matmul(p, g))      # [N, 3]
    return out

if False:  # reference __main__ guard neutralized (emitter)
    inp = setup_inputs()
    out = reference(**inp)
    print(out.shape, out.dtype)

if __name__ == "__main__":
    import jax
    _d = setup_inputs()
    print(jax.jit(kernel)(*tuple(_d.values())))

</pallas_src>

<mosaic_0001>
#map = affine_map<(d0, d1) -> (0)>
module attributes {stable_mosaic.version = 14 : i64} {
  func.func @_sc_gather_kernel(%arg0: i32, %arg1: i32, %arg2: memref<8192xf32, #tpu.memory_space<hbm>>, %arg3: memref<8192xf32, #tpu.memory_space<hbm>>, %arg4: memref<8192xf32, #tpu.memory_space<hbm>>, %arg5: memref<131072xi32, #tpu.memory_space<hbm>>, %arg6: memref<393216xf32, #tpu.memory_space<hbm>>, %arg7: memref<8192xf32, #tpu.memory_space<vmem>>, %arg8: memref<8192xf32, #tpu.memory_space<vmem>>, %arg9: memref<8192xf32, #tpu.memory_space<vmem>>, %arg10: memref<4096xi32, #tpu.memory_space<vmem>>, %arg11: memref<4096xf32, #tpu.memory_space<vmem>>, %arg12: memref<4096xf32, #tpu.memory_space<vmem>>, %arg13: memref<4096xf32, #tpu.memory_space<vmem>>) attributes {dimension_semantics = [#tpu.dimension_semantics<core_parallel>, #tpu.dimension_semantics<subcore_parallel>], iteration_bounds = array<i64: 2, 16>, scalar_prefetch = 0 : i64, scratch_operands = 7 : i64, tpu.core_type = #tpu.core_type<sc_vector_subcore>, window_params = [{transform_indices = #map}, {transform_indices = #map}, {transform_indices = #map}, {transform_indices = #map}, {transform_indices = #map}]} {
    %mul3A = arith.constant 2 : i32
    %mul3A_0 = arith.muli %arg1, %mul3A : i32
    %add3A = arith.addi %mul3A_0, %arg0 : i32
    %jit3A = arith.constant 2 : i32
    %div3A = arith.divsi %add3A, %jit3A : i32
    %sign3A = arith.constant 0 : i32
    %sign3A_1 = arith.cmpi sgt, %add3A, %sign3A : i32
    %sign3A_2 = arith.extui %sign3A_1 : i1 to i32
    %sign3A_3 = arith.constant 0 : i32
    %sign3A_4 = arith.cmpi slt, %add3A, %sign3A_3 : i32
    %sign3A_5 = arith.extui %sign3A_4 : i1 to i32
    %sign3A_6 = arith.subi %sign3A_2, %sign3A_5 : i32
    %sign3A_7 = arith.constant 0 : i32
    %sign3A_8 = arith.cmpi sgt, %jit3A, %sign3A_7 : i32
    %sign3A_9 = arith.extui %sign3A_8 : i1 to i32
    %sign3A_10 = arith.constant 0 : i32
    %sign3A_11 = arith.cmpi slt, %jit3A, %sign3A_10 : i32
    %sign3A_12 = arith.extui %sign3A_11 : i1 to i32
    %sign3A_13 = arith.subi %sign3A_9, %sign3A_12 : i32
    %ne3A = arith.cmpi ne, %sign3A_6, %sign3A_13 : i32
    %rem3A = arith.remsi %add3A, %jit3A : i32
    %ne3A_14 = arith.constant 0 : i32
    %ne3A_15 = arith.cmpi ne, %rem3A, %ne3A_14 : i32
    %and3A = arith.andi %ne3A, %ne3A_15 : i1
    %sub3A = arith.constant 1 : i32
    %sub3A_16 = arith.subi %div3A, %sub3A : i32
    %select_n3A = arith.select %and3A, %sub3A_16, %div3A : i32
    %jit3A_17 = arith.constant 2 : i32
    %eq3A = arith.constant 0 : i32
    %eq3A_18 = arith.cmpi eq, %jit3A_17, %eq3A : i32
    %jit3A_19 = arith.constant 1 : i32
    %select_n3A_20 = arith.select %eq3A_18, %jit3A_19, %jit3A_17 : i32
    %rem3A_21 = arith.remsi %add3A, %select_n3A_20 : i32
    %ne3A_22 = arith.constant 0 : i32
    %ne3A_23 = arith.cmpi ne, %rem3A_21, %ne3A_22 : i32
    %lt3A = arith.constant 0 : i32
    %lt3A_24 = arith.cmpi slt, %rem3A_21, %lt3A : i32
    %lt3A_25 = arith.constant 0 : i32
    %lt3A_26 = arith.cmpi slt, %select_n3A_20, %lt3A_25 : i32
    %ne3A_27 = arith.xori %lt3A_24, %lt3A_26 : i1
    %and3A_28 = arith.andi %ne3A_27, %ne3A_23 : i1
    %add3A_29 = arith.addi %rem3A_21, %select_n3A_20 : i32
    %select_n3A_30 = arith.select %and3A_28, %add3A_29, %rem3A_21 : i32
    %mul3A_31 = arith.constant 4096 : i32
    %mul3A_32 = arith.muli %select_n3A_30, %mul3A_31 : i32
    "tpu.region"() ({
      %run_scoped3A = tpu.sem_alloc : memref<!tpu.dma_semaphore, #tpu.memory_space<semaphore_mem>>
      tpu.enqueue_dma source(%arg2 : memref<8192xf32, #tpu.memory_space<hbm>>) target(%arg7 : memref<8192xf32, #tpu.memory_space<vmem>>) target_semaphore(%run_scoped3A : memref<!tpu.dma_semaphore, #tpu.memory_space<semaphore_mem>>)
      tpu.wait_dma2 semaphore(%run_scoped3A : memref<!tpu.dma_semaphore, #tpu.memory_space<semaphore_mem>>) src(%arg2 : memref<8192xf32, #tpu.memory_space<hbm>>) dst(%arg7 : memref<8192xf32, #tpu.memory_space<vmem>>)
      tpu.yield
    }) : () -> ()
    "tpu.region"() ({
      %run_scoped3A = tpu.sem_alloc : memref<!tpu.dma_semaphore, #tpu.memory_space<semaphore_mem>>
      tpu.enqueue_dma source(%arg3 : memref<8192xf32, #tpu.memory_space<hbm>>) target(%arg8 : memref<8192xf32, #tpu.memory_space<vmem>>) target_semaphore(%run_scoped3A : memref<!tpu.dma_semaphore, #tpu.memory_space<semaphore_mem>>)
      tpu.wait_dma2 semaphore(%run_scoped3A : memref<!tpu.dma_semaphore, #tpu.memory_space<semaphore_mem>>) src(%arg3 : memref<8192xf32, #tpu.memory_space<hbm>>) dst(%arg8 : memref<8192xf32, #tpu.memory_space<vmem>>)
      tpu.yield
    }) : () -> ()
    "tpu.region"() ({
      %run_scoped3A = tpu.sem_alloc : memref<!tpu.dma_semaphore, #tpu.memory_space<semaphore_mem>>
      tpu.enqueue_dma source(%arg4 : memref<8192xf32, #tpu.memory_space<hbm>>) target(%arg9 : memref<8192xf32, #tpu.memory_space<vmem>>) target_semaphore(%run_scoped3A : memref<!tpu.dma_semaphore, #tpu.memory_space<semaphore_mem>>)
      tpu.wait_dma2 semaphore(%run_scoped3A : memref<!tpu.dma_semaphore, #tpu.memory_space<semaphore_mem>>) src(%arg4 : memref<8192xf32, #tpu.memory_space<hbm>>) dst(%arg9 : memref<8192xf32, #tpu.memory_space<vmem>>)
      tpu.yield
    }) : () -> ()
    %mul3A_33 = arith.constant 8192 : i32
    %mul3A_34 = arith.muli %select_n3A, %mul3A_33 : i32
    %add3A_35 = arith.addi %mul3A_34, %mul3A_32 : i32
    "tpu.region"() ({
      %run_scoped3A = tpu.sem_alloc : memref<!tpu.dma_semaphore, #tpu.memory_space<semaphore_mem>>
      %dma_start3A = tpu.memref_slice %arg5[%add3A_35] : memref<131072xi32, #tpu.memory_space<hbm>> -> memref<4096xi32, #tpu.memory_space<hbm>>
      %dma_start3A_63 = tpu.memref_slice %arg5[%add3A_35] : memref<131072xi32, #tpu.memory_space<hbm>> -> memref<4096xi32, #tpu.memory_space<hbm>>
      tpu.enqueue_dma source(%dma_start3A_63 : memref<4096xi32, #tpu.memory_space<hbm>>) target(%arg10 : memref<4096xi32, #tpu.memory_space<vmem>>) target_semaphore(%run_scoped3A : memref<!tpu.dma_semaphore, #tpu.memory_space<semaphore_mem>>)
      %dma_wait3A = tpu.memref_slice %arg5[%add3A_35] : memref<131072xi32, #tpu.memory_space<hbm>> -> memref<4096xi32, #tpu.memory_space<hbm>>
      %dma_wait3A_64 = tpu.memref_slice %arg5[%add3A_35] : memref<131072xi32, #tpu.memory_space<hbm>> -> memref<4096xi32, #tpu.memory_space<hbm>>
      tpu.wait_dma2 semaphore(%run_scoped3A : memref<!tpu.dma_semaphore, #tpu.memory_space<semaphore_mem>>) src(%dma_wait3A_64 : memref<4096xi32, #tpu.memory_space<hbm>>) dst(%arg10 : memref<4096xi32, #tpu.memory_space<vmem>>)
      tpu.yield
    }) : () -> ()
    %scan3A = arith.constant 0 : i32
    %scan3A_36 = arith.constant 0 : i32
    %scan3A_37 = arith.constant 256 : i32
    %scan3A_38 = arith.addi %scan3A_36, %scan3A_37 : i32
    %scan3A_39 = arith.constant 1 : i32
    %scan3A_40 = scf.for %scan3A_63 = %scan3A_36 to %scan3A_38 step %scan3A_39 iter_args(%scan3A_64 = %scan3A) -> (i32)  : i32 {
      %mul3A_65 = arith.constant 16 : i32
      %mul3A_66 = arith.muli %scan3A_63, %mul3A_65 : i32
      %get3A = arith.index_cast %mul3A_66 : i32 to index
      %get3A_67 = tpu.vector_load %arg10[%get3A] {strides = array<i32>} : memref<4096xi32, #tpu.memory_space<vmem>>, vector<16xi32>,
      %gather3A = tpu.vector_load_idx %arg7[%get3A_67] : memref<8192xf32, #tpu.memory_space<vmem>>[vector<16xi32>], vector<16xf32>,
      %gather3A_68 = tpu.vector_load_idx %arg8[%get3A_67] : memref<8192xf32, #tpu.memory_space<vmem>>[vector<16xi32>], vector<16xf32>,
      %gather3A_69 = tpu.vector_load_idx %arg9[%get3A_67] : memref<8192xf32, #tpu.memory_space<vmem>>[vector<16xi32>], vector<16xf32>,
      %add3A_70 = arith.addi %mul3A_32, %mul3A_66 : i32
      %get3A_71 = arith.index_cast %add3A_70 : i32 to index
      %get3A_72 = tpu.vector_load %arg7[%get3A_71] {strides = array<i32>} : memref<8192xf32, #tpu.memory_space<vmem>>, vector<16xf32>,
      %sub3A_73 = arith.subf %get3A_72, %gather3A : vector<16xf32>
      %swap3A = arith.index_cast %mul3A_66 : i32 to index
      %swap3A_74 = tpu.vector_load %arg11[%swap3A] {strides = array<i32>} : memref<4096xf32, #tpu.memory_space<vmem>>, vector<16xf32>,
      tpu.vector_store %arg11[%swap3A], %sub3A_73 {strides = array<i32>} : memref<4096xf32, #tpu.memory_space<vmem>>, vector<16xf32>,
      %add3A_75 = arith.addi %mul3A_32, %mul3A_66 : i32
      %get3A_76 = arith.index_cast %add3A_75 : i32 to index
      %get3A_77 = tpu.vector_load %arg8[%get3A_76] {strides = array<i32>} : memref<8192xf32, #tpu.memory_space<vmem>>, vector<16xf32>,
      %sub3A_78 = arith.subf %get3A_77, %gather3A_68 : vector<16xf32>
      %swap3A_79 = arith.index_cast %mul3A_66 : i32 to index
      %swap3A_80 = tpu.vector_load %arg12[%swap3A_79] {strides = array<i32>} : memref<4096xf32, #tpu.memory_space<vmem>>, vector<16xf32>,
      tpu.vector_store %arg12[%swap3A_79], %sub3A_78 {strides = array<i32>} : memref<4096xf32, #tpu.memory_space<vmem>>, vector<16xf32>,
      %add3A_81 = arith.addi %mul3A_32, %mul3A_66 : i32
      %get3A_82 = arith.index_cast %add3A_81 : i32 to index
      %get3A_83 = tpu.vector_load %arg9[%get3A_82] {strides = array<i32>} : memref<8192xf32, #tpu.memory_space<vmem>>, vector<16xf32>,
      %sub3A_84 = arith.subf %get3A_83, %gather3A_69 : vector<16xf32>
      %swap3A_85 = arith.index_cast %mul3A_66 : i32 to index
      %swap3A_86 = tpu.vector_load %arg13[%swap3A_85] {strides = array<i32>} : memref<4096xf32, #tpu.memory_space<vmem>>, vector<16xf32>,
      tpu.vector_store %arg13[%swap3A_85], %sub3A_84 {strides = array<i32>} : memref<4096xf32, #tpu.memory_space<vmem>>, vector<16xf32>,
      %scan3A_87 = arith.constant 0 : i32
      scf.yield %scan3A_87 : i32
    }
    %scan3A_41 = arith.constant 256 : i32
    %mul3A_42 = arith.constant 3 : i32
    %mul3A_43 = arith.muli %mul3A_42, %select_n3A : i32
    %add3A_44 = arith.constant 0 : i32
    %add3A_45 = arith.addi %mul3A_43, %add3A_44 : i32
    %mul3A_46 = arith.constant 8192 : i32
    %mul3A_47 = arith.muli %add3A_45, %mul3A_46 : i32
    %add3A_48 = arith.addi %mul3A_47, %mul3A_32 : i32
    "tpu.region"() ({
      %run_scoped3A = tpu.sem_alloc : memref<!tpu.dma_semaphore, #tpu.memory_space<semaphore_mem>>
      %dma_start3A = tpu.memref_slice %arg6[%add3A_48] : memref<393216xf32, #tpu.memory_space<hbm>> -> memref<4096xf32, #tpu.memory_space<hbm>>
      %dma_start3A_63 = tpu.memref_slice %arg6[%add3A_48] : memref<393216xf32, #tpu.memory_space<hbm>> -> memref<4096xf32, #tpu.memory_space<hbm>>
      tpu.enqueue_dma source(%arg11 : memref<4096xf32, #tpu.memory_space<vmem>>) target(%dma_start3A_63 : memref<4096xf32, #tpu.memory_space<hbm>>) target_semaphore(%run_scoped3A : memref<!tpu.dma_semaphore, #tpu.memory_space<semaphore_mem>>)
      %dma_wait3A = tpu.memref_slice %arg6[%add3A_48] : memref<393216xf32, #tpu.memory_space<hbm>> -> memref<4096xf32, #tpu.memory_space<hbm>>
      %dma_wait3A_64 = tpu.memref_slice %arg6[%add3A_48] : memref<393216xf32, #tpu.memory_space<hbm>> -> memref<4096xf32, #tpu.memory_space<hbm>>
      tpu.wait_dma2 semaphore(%run_scoped3A : memref<!tpu.dma_semaphore, #tpu.memory_space<semaphore_mem>>) src(%arg11 : memref<4096xf32, #tpu.memory_space<vmem>>) dst(%dma_wait3A_64 : memref<4096xf32, #tpu.memory_space<hbm>>)
      tpu.yield
    }) : () -> ()
    %mul3A_49 = arith.constant 3 : i32
    %mul3A_50 = arith.muli %mul3A_49, %select_n3A : i32
    %add3A_51 = arith.constant 1 : i32
    %add3A_52 = arith.addi %mul3A_50, %add3A_51 : i32
    %mul3A_53 = arith.constant 8192 : i32
    %mul3A_54 = arith.muli %add3A_52, %mul3A_53 : i32
    %add3A_55 = arith.addi %mul3A_54, %mul3A_32 : i32
    "tpu.region"() ({
      %run_scoped3A = tpu.sem_alloc : memref<!tpu.dma_semaphore, #tpu.memory_space<semaphore_mem>>
      %dma_start3A = tpu.memref_slice %arg6[%add3A_55] : memref<393216xf32, #tpu.memory_space<hbm>> -> memref<4096xf32, #tpu.memory_space<hbm>>
      %dma_start3A_63 = tpu.memref_slice %arg6[%add3A_55] : memref<393216xf32, #tpu.memory_space<hbm>> -> memref<4096xf32, #tpu.memory_space<hbm>>
      tpu.enqueue_dma source(%arg12 : memref<4096xf32, #tpu.memory_space<vmem>>) target(%dma_start3A_63 : memref<4096xf32, #tpu.memory_space<hbm>>) target_semaphore(%run_scoped3A : memref<!tpu.dma_semaphore, #tpu.memory_space<semaphore_mem>>)
      %dma_wait3A = tpu.memref_slice %arg6[%add3A_55] : memref<393216xf32, #tpu.memory_space<hbm>> -> memref<4096xf32, #tpu.memory_space<hbm>>
      %dma_wait3A_64 = tpu.memref_slice %arg6[%add3A_55] : memref<393216xf32, #tpu.memory_space<hbm>> -> memref<4096xf32, #tpu.memory_space<hbm>>
      tpu.wait_dma2 semaphore(%run_scoped3A : memref<!tpu.dma_semaphore, #tpu.memory_space<semaphore_mem>>) src(%arg12 : memref<4096xf32, #tpu.memory_space<vmem>>) dst(%dma_wait3A_64 : memref<4096xf32, #tpu.memory_space<hbm>>)
      tpu.yield
    }) : () -> ()
    %mul3A_56 = arith.constant 3 : i32
    %mul3A_57 = arith.muli %mul3A_56, %select_n3A : i32
    %add3A_58 = arith.constant 2 : i32
    %add3A_59 = arith.addi %mul3A_57, %add3A_58 : i32
    %mul3A_60 = arith.constant 8192 : i32
    %mul3A_61 = arith.muli %add3A_59, %mul3A_60 : i32
    %add3A_62 = arith.addi %mul3A_61, %mul3A_32 : i32
    "tpu.region"() ({
      %run_scoped3A = tpu.sem_alloc : memref<!tpu.dma_semaphore, #tpu.memory_space<semaphore_mem>>
      %dma_start3A = tpu.memref_slice %arg6[%add3A_62] : memref<393216xf32, #tpu.memory_space<hbm>> -> memref<4096xf32, #tpu.memory_space<hbm>>
      %dma_start3A_63 = tpu.memref_slice %arg6[%add3A_62] : memref<393216xf32, #tpu.memory_space<hbm>> -> memref<4096xf32, #tpu.memory_space<hbm>>
      tpu.enqueue_dma source(%arg13 : memref<4096xf32, #tpu.memory_space<vmem>>) target(%dma_start3A_63 : memref<4096xf32, #tpu.memory_space<hbm>>) target_semaphore(%run_scoped3A : memref<!tpu.dma_semaphore, #tpu.memory_space<semaphore_mem>>)
      %dma_wait3A = tpu.memref_slice %arg6[%add3A_62] : memref<393216xf32, #tpu.memory_space<hbm>> -> memref<4096xf32, #tpu.memory_space<hbm>>
      %dma_wait3A_64 = tpu.memref_slice %arg6[%add3A_62] : memref<393216xf32, #tpu.memory_space<hbm>> -> memref<4096xf32, #tpu.memory_space<hbm>>
      tpu.wait_dma2 semaphore(%run_scoped3A : memref<!tpu.dma_semaphore, #tpu.memory_space<semaphore_mem>>) src(%arg13 : memref<4096xf32, #tpu.memory_space<vmem>>) dst(%dma_wait3A_64 : memref<4096xf32, #tpu.memory_space<hbm>>)
      tpu.yield
    }) : () -> ()
    return
  }
}

module attributes {stable_mosaic.version = 14 : i64} {
  func.func @_knn_kernel(%arg0: i32, %arg1: memref<512x3xf32, #tpu.memory_space<vmem>>, %arg2: memref<512x1xi32, #tpu.memory_space<vmem>>, %arg3: memref<16x3x512xf32, #tpu.memory_space<vmem>>, %arg4: memref<16x1x512xi32, #tpu.memory_space<vmem>>, %arg5: memref<1x8192xi32, #tpu.memory_space<vmem>>, %arg6: memref<512x16xi32, #tpu.memory_space<vmem>>, %arg7: memref<16x512x512xf32, #tpu.memory_space<vmem>>) attributes {dimension_semantics = [#tpu.dimension_semantics<arbitrary>], iteration_bounds = array<i64: 16>, scalar_prefetch = 0 : i64, scratch_operands = 1 : i64, tpu.core_type = #tpu.core_type<tc>, window_params = [{transform_indices = @transform_0, window_bounds = array<i64: 512, 3>}, {transform_indices = @transform_1, window_bounds = array<i64: 512, 1>}, {pipeline_mode = #tpu.pipeline_mode<synchronous>, transform_indices = @transform_2, window_bounds = array<i64: 16, 3, 512>}, {pipeline_mode = #tpu.pipeline_mode<synchronous>, transform_indices = @transform_3, window_bounds = array<i64: 16, 1, 512>}, {pipeline_mode = #tpu.pipeline_mode<synchronous>, transform_indices = @transform_4, window_bounds = array<i64: 1, 8192>}, {transform_indices = @transform_5, window_bounds = array<i64: 512, 16>}]} {
    %get3A = arith.constant 0 : index
    %get3A_0 = arith.constant 0 : index
    %get3A_1 = vector.load %arg1[%get3A, %get3A_0] : memref<512x3xf32, #tpu.memory_space<vmem>>, vector<512x1xf32>
    %get3A_2 = arith.constant 0 : index
    %get3A_3 = arith.constant 1 : index
    %get3A_4 = vector.load %arg1[%get3A_2, %get3A_3] : memref<512x3xf32, #tpu.memory_space<vmem>>, vector<512x1xf32>
    %get3A_5 = arith.constant 0 : index
    %get3A_6 = arith.constant 2 : index
    %get3A_7 = vector.load %arg1[%get3A_5, %get3A_6] : memref<512x3xf32, #tpu.memory_space<vmem>>, vector<512x1xf32>
    %get3A_8 = arith.constant 0 : index
    %get3A_9 = arith.constant 0 : index
    %get3A_10 = vector.load %arg2[%get3A_8, %get3A_9] : memref<512x1xi32, #tpu.memory_space<vmem>>, vector<512x1xi32>
    %reduce_min3A = vector.shape_cast %get3A_10 : vector<512x1xi32> to vector<1x512x1xi32>
    %reduce_min3A_11 = arith.constant dense<2147483647> : vector<1xi32>
    %reduce_min3A_12 = vector.multi_reduction <minsi>, %reduce_min3A, %reduce_min3A_11 [1, 2] : vector<1x512x1xi32> to vector<1xi32>
    %reduce_min3A_13 = vector.shape_cast %reduce_min3A_12 : vector<1xi32> to vector<1x1x1xi32>
    %reduce_min3A_14 = vector.extract %reduce_min3A_13[0, 0, 0] : i32 from vector<1x1x1xi32>
    %reduce_max3A = vector.shape_cast %get3A_10 : vector<512x1xi32> to vector<1x512x1xi32>
    %reduce_max3A_15 = arith.constant dense<-2147483648> : vector<1xi32>
    %reduce_max3A_16 = vector.multi_reduction <maxsi>, %reduce_max3A, %reduce_max3A_15 [1, 2] : vector<1x512x1xi32> to vector<1xi32>
    %reduce_max3A_17 = vector.shape_cast %reduce_max3A_16 : vector<1xi32> to vector<1x1x1xi32>
    %reduce_max3A_18 = vector.extract %reduce_max3A_17[0, 0, 0] : i32 from vector<1x1x1xi32>
    %get3A_19 = arith.constant 0 : index
    %get3A_20 = arith.constant 0 : index
    %get3A_21 = vector.load %arg5[%get3A_19, %get3A_20] : memref<1x8192xi32, #tpu.memory_space<vmem>>, vector<1x8192xi32>
    %lt3A = vector.broadcast %reduce_min3A_14 : i32 to vector<1x8192xi32>
    %lt3A_22 = arith.cmpi slt, %get3A_21, %lt3A : vector<1x8192xi32>
    %convert_element_type3A = arith.extui %lt3A_22 : vector<1x8192xi1> to vector<1x8192xi32>
    %reduce_sum3A = vector.shape_cast %convert_element_type3A : vector<1x8192xi32> to vector<1x1x8192xi32>
    %reduce_sum3A_23 = arith.constant dense<0> : vector<1xi32>
    %reduce_sum3A_24 = vector.multi_reduction <add>, %reduce_sum3A, %reduce_sum3A_23 [1, 2] : vector<1x1x8192xi32> to vector<1xi32>
    %reduce_sum3A_25 = vector.shape_cast %reduce_sum3A_24 : vector<1xi32> to vector<1x1x1xi32>
    %reduce_sum3A_26 = vector.extract %reduce_sum3A_25[0, 0, 0] : i32 from vector<1x1x1xi32>
    %get3A_27 = arith.constant 0 : index
    %get3A_28 = arith.constant 0 : index
    %get3A_29 = vector.load %arg5[%get3A_27, %get3A_28] : memref<1x8192xi32, #tpu.memory_space<vmem>>, vector<1x8192xi32>
    %le3A = vector.broadcast %reduce_max3A_18 : i32 to vector<1x8192xi32>
    %le3A_30 = arith.cmpi sle, %get3A_29, %le3A : vector<1x8192xi32>
    %convert_element_type3A_31 = arith.extui %le3A_30 : vector<1x8192xi1> to vector<1x8192xi32>
    %reduce_sum3A_32 = vector.shape_cast %convert_element_type3A_31 : vector<1x8192xi32> to vector<1x1x8192xi32>
    %reduce_sum3A_33 = arith.constant dense<0> : vector<1xi32>
    %reduce_sum3A_34 = vector.multi_reduction <add>, %reduce_sum3A_32, %reduce_sum3A_33 [1, 2] : vector<1x1x8192xi32> to vector<1xi32>
    %reduce_sum3A_35 = vector.shape_cast %reduce_sum3A_34 : vector<1xi32> to vector<1x1x1xi32>
    %reduce_sum3A_36 = vector.extract %reduce_sum3A_35[0, 0, 0] : i32 from vector<1x1x1xi32>
    %jit3A = arith.constant 512 : i32
    %div3A = arith.divsi %reduce_sum3A_26, %jit3A : i32
    %sign3A = arith.constant 0 : i32
    %sign3A_37 = arith.cmpi sgt, %reduce_sum3A_26, %sign3A : i32
    %sign3A_38 = arith.extui %sign3A_37 : i1 to i32
    %sign3A_39 = arith.constant 0 : i32
    %sign3A_40 = arith.cmpi slt, %reduce_sum3A_26, %sign3A_39 : i32
    %sign3A_41 = arith.extui %sign3A_40 : i1 to i32
    %sign3A_42 = arith.subi %sign3A_38, %sign3A_41 : i32
    %sign3A_43 = arith.constant 0 : i32
    %sign3A_44 = arith.cmpi sgt, %jit3A, %sign3A_43 : i32
    %sign3A_45 = arith.extui %sign3A_44 : i1 to i32
    %sign3A_46 = arith.constant 0 : i32
    %sign3A_47 = arith.cmpi slt, %jit3A, %sign3A_46 : i32
    %sign3A_48 = arith.extui %sign3A_47 : i1 to i32
    %sign3A_49 = arith.subi %sign3A_45, %sign3A_48 : i32
    %ne3A = arith.cmpi ne, %sign3A_42, %sign3A_49 : i32
    %rem3A = arith.remsi %reduce_sum3A_26, %jit3A : i32
    %ne3A_50 = arith.constant 0 : i32
    %ne3A_51 = arith.cmpi ne, %rem3A, %ne3A_50 : i32
    %and3A = arith.andi %ne3A, %ne3A_51 : i1
    %sub3A = arith.constant 1 : i32
    %sub3A_52 = arith.subi %div3A, %sub3A : i32
    %select_n3A = arith.select %and3A, %sub3A_52, %div3A : i32
    %add3A = arith.constant 512 : i32
    %add3A_53 = arith.addi %reduce_sum3A_36, %add3A : i32
    %sub3A_54 = arith.constant 1 : i32
    %sub3A_55 = arith.subi %add3A_53, %sub3A_54 : i32
    %jit3A_56 = arith.constant 512 : i32
    %div3A_57 = arith.divsi %sub3A_55, %jit3A_56 : i32
    %sign3A_58 = arith.constant 0 : i32
    %sign3A_59 = arith.cmpi sgt, %sub3A_55, %sign3A_58 : i32
    %sign3A_60 = arith.extui %sign3A_59 : i1 to i32
    %sign3A_61 = arith.constant 0 : i32
    %sign3A_62 = arith.cmpi slt, %sub3A_55, %sign3A_61 : i32
    %sign3A_63 = arith.extui %sign3A_62 : i1 to i32
    %sign3A_64 = arith.subi %sign3A_60, %sign3A_63 : i32
    %sign3A_65 = arith.constant 0 : i32
    %sign3A_66 = arith.cmpi sgt, %jit3A_56, %sign3A_65 : i32
    %sign3A_67 = arith.extui %sign3A_66 : i1 to i32
    %sign3A_68 = arith.constant 0 : i32
    %sign3A_69 = arith.cmpi slt, %jit3A_56, %sign3A_68 : i32
    %sign3A_70 = arith.extui %sign3A_69 : i1 to i32
    %sign3A_71 = arith.subi %sign3A_67, %sign3A_70 : i32
    %ne3A_72 = arith.cmpi ne, %sign3A_64, %sign3A_71 : i32
    %rem3A_73 = arith.remsi %sub3A_55, %jit3A_56 : i32
    %ne3A_74 = arith.constant 0 : i32
    %ne3A_75 = arith.cmpi ne, %rem3A_73, %ne3A_74 : i32
    %and3A_76 = arith.andi %ne3A_72, %ne3A_75 : i1
    %sub3A_77 = arith.constant 1 : i32
    %sub3A_78 = arith.subi %div3A_57, %sub3A_77 : i32
    %select_n3A_79 = arith.select %and3A_76, %sub3A_78, %div3A_57 : i32
    %iota3A = tpu.iota {dimensions = array<i32: 1>} : vector<512x512xi32>
    %convert_element_type3A_80 = arith.sitofp %iota3A : vector<512x512xi32> to vector<512x512xf32>
    %while3A = arith.constant 0 : i32
    %while3A_81 = arith.subi %select_n3A_79, %select_n3A : i32
    %while3A_82 = arith.addi %select_n3A, %while3A_81 : i32
    %while3A_83 = arith.constant 1 : i32
    %while3A_84 = arith.divsi %while3A_81, %while3A_83 : i32
    %while3A_85 = arith.muli %while3A_84, %while3A_83 : i32
    %while3A_86 = arith.addi %select_n3A, %while3A_85 : i32
    %while3A_87 = arith.constant 1 : i32
    %while3A_88 = scf.for %while3A_424 = %select_n3A to %while3A_86 step %while3A_87 iter_args(%while3A_425 = %while3A) -> (i32)  : i32 {
      %get3A_426 = arith.index_cast %while3A_424 : i32 to index
      %get3A_427 = arith.constant 0 : index
      %get3A_428 = arith.constant 0 : index
      %get3A_429 = vector.load %arg3[%get3A_426, %get3A_427, %get3A_428] : memref<16x3x512xf32, #tpu.memory_space<vmem>>, vector<1x1x512xf32>
      %get3A_430 = vector.shape_cast %get3A_429 : vector<1x1x512xf32> to vector<1x512xf32>
      %get3A_431 = arith.index_cast %while3A_424 : i32 to index
      %get3A_432 = arith.constant 1 : index
      %get3A_433 = arith.constant 0 : index
      %get3A_434 = vector.load %arg3[%get3A_431, %get3A_432, %get3A_433] : memref<16x3x512xf32, #tpu.memory_space<vmem>>, vector<1x1x512xf32>
      %get3A_435 = vector.shape_cast %get3A_434 : vector<1x1x512xf32> to vector<1x512xf32>
      %get3A_436 = arith.index_cast %while3A_424 : i32 to index
      %get3A_437 = arith.constant 2 : index
      %get3A_438 = arith.constant 0 : index
      %get3A_439 = vector.load %arg3[%get3A_436, %get3A_437, %get3A_438] : memref<16x3x512xf32, #tpu.memory_space<vmem>>, vector<1x1x512xf32>
      %get3A_440 = vector.shape_cast %get3A_439 : vector<1x1x512xf32> to vector<1x512xf32>
      %get3A_441 = arith.index_cast %while3A_424 : i32 to index
      %get3A_442 = arith.constant 0 : index
      %get3A_443 = arith.constant 0 : index
      %get3A_444 = vector.load %arg4[%get3A_441, %get3A_442, %get3A_443] : memref<16x1x512xi32, #tpu.memory_space<vmem>>, vector<1x1x512xi32>
      %get3A_445 = vector.shape_cast %get3A_444 : vector<1x1x512xi32> to vector<1x512xi32>
      %sub3A_446 = vector.broadcast %get3A_1 : vector<512x1xf32> to vector<512x512xf32>
      %sub3A_447 = vector.broadcast %get3A_430 : vector<1x512xf32> to vector<512x512xf32>
      %sub3A_448 = arith.subf %sub3A_446, %sub3A_447 : vector<512x512xf32>
      %sub3A_449 = vector.broadcast %get3A_4 : vector<512x1xf32> to vector<512x512xf32>
      %sub3A_450 = vector.broadcast %get3A_435 : vector<1x512xf32> to vector<512x512xf32>
      %sub3A_451 = arith.subf %sub3A_449, %sub3A_450 : vector<512x512xf32>
      %sub3A_452 = vector.broadcast %get3A_7 : vector<512x1xf32> to vector<512x512xf32>
      %sub3A_453 = vector.broadcast %get3A_440 : vector<1x512xf32> to vector<512x512xf32>
      %sub3A_454 = arith.subf %sub3A_452, %sub3A_453 : vector<512x512xf32>
      %mul3A = arith.mulf %sub3A_448, %sub3A_448 : vector<512x512xf32>
      %mul3A_455 = arith.mulf %sub3A_451, %sub3A_451 : vector<512x512xf32>
      %add3A_456 = arith.addf %mul3A, %mul3A_455 : vector<512x512xf32>
      %mul3A_457 = arith.mulf %sub3A_454, %sub3A_454 : vector<512x512xf32>
      %add3A_458 = arith.addf %add3A_456, %mul3A_457 : vector<512x512xf32>
      %ne3A_459 = vector.broadcast %get3A_10 : vector<512x1xi32> to vector<512x512xi32>
      %ne3A_460 = vector.broadcast %get3A_445 : vector<1x512xi32> to vector<512x512xi32>
      %ne3A_461 = arith.cmpi ne, %ne3A_459, %ne3A_460 : vector<512x512xi32>
      %jit3A_462 = arith.constant 0x7F800000 : f32
      %broadcast_in_dim3A_463 = vector.broadcast %jit3A_462 : f32 to vector<512x512xf32>
      %select_n3A_464 = arith.select %ne3A_461, %broadcast_in_dim3A_463, %add3A_458 : vector<512x512xi1>, vector<512x512xf32>
      %swap3A_465 = arith.index_cast %while3A_424 : i32 to index
      %swap3A_466 = arith.constant 0 : index
      %swap3A_467 = arith.constant 0 : index
      %swap3A_468 = vector.load %arg7[%swap3A_465, %swap3A_466, %swap3A_467] : memref<16x512x512xf32, #tpu.memory_space<vmem>>, vector<1x512x512xf32>
      %swap3A_469 = vector.shape_cast %swap3A_468 : vector<1x512x512xf32> to vector<512x512xf32>
      %swap3A_470 = vector.shape_cast %select_n3A_464 : vector<512x512xf32> to vector<1x512x512xf32>
      tpu.vector_store %arg7[%swap3A_465, %swap3A_466, %swap3A_467], %swap3A_470 {strides = array<i32>} : memref<16x512x512xf32, #tpu.memory_space<vmem>>, vector<1x512x512xf32>,
      %while3A_471 = arith.constant 0 : i32
      scf.yield %while3A_471 : i32
    }
    %while3A_89 = arith.constant 1 : i32
    %while3A_90 = scf.for %while3A_424 = %while3A_86 to %while3A_82 step %while3A_89 iter_args(%while3A_425 = %while3A_88) -> (i32)  : i32 {
      %get3A_426 = arith.index_cast %while3A_424 : i32 to index
      %get3A_427 = arith.constant 0 : index
      %get3A_428 = arith.constant 0 : index
      %get3A_429 = vector.load %arg3[%get3A_426, %get3A_427, %get3A_428] : memref<16x3x512xf32, #tpu.memory_space<vmem>>, vector<1x1x512xf32>
      %get3A_430 = vector.shape_cast %get3A_429 : vector<1x1x512xf32> to vector<1x512xf32>
      %get3A_431 = arith.index_cast %while3A_424 : i32 to index
      %get3A_432 = arith.constant 1 : index
      %get3A_433 = arith.constant 0 : index
      %get3A_434 = vector.load %arg3[%get3A_431, %get3A_432, %get3A_433] : memref<16x3x512xf32, #tpu.memory_space<vmem>>, vector<1x1x512xf32>
      %get3A_435 = vector.shape_cast %get3A_434 : vector<1x1x512xf32> to vector<1x512xf32>
      %get3A_436 = arith.index_cast %while3A_424 : i32 to index
      %get3A_437 = arith.constant 2 : index
      %get3A_438 = arith.constant 0 : index
      %get3A_439 = vector.load %arg3[%get3A_436, %get3A_437, %get3A_438] : memref<16x3x512xf32, #tpu.memory_space<vmem>>, vector<1x1x512xf32>
      %get3A_440 = vector.shape_cast %get3A_439 : vector<1x1x512xf32> to vector<1x512xf32>
      %get3A_441 = arith.index_cast %while3A_424 : i32 to index
      %get3A_442 = arith.constant 0 : index
      %get3A_443 = arith.constant 0 : index
      %get3A_444 = vector.load %arg4[%get3A_441, %get3A_442, %get3A_443] : memref<16x1x512xi32, #tpu.memory_space<vmem>>, vector<1x1x512xi32>
      %get3A_445 = vector.shape_cast %get3A_444 : vector<1x1x512xi32> to vector<1x512xi32>
      %sub3A_446 = vector.broadcast %get3A_1 : vector<512x1xf32> to vector<512x512xf32>
      %sub3A_447 = vector.broadcast %get3A_430 : vector<1x512xf32> to vector<512x512xf32>
      %sub3A_448 = arith.subf %sub3A_446, %sub3A_447 : vector<512x512xf32>
      %sub3A_449 = vector.broadcast %get3A_4 : vector<512x1xf32> to vector<512x512xf32>
      %sub3A_450 = vector.broadcast %get3A_435 : vector<1x512xf32> to vector<512x512xf32>
      %sub3A_451 = arith.subf %sub3A_449, %sub3A_450 : vector<512x512xf32>
      %sub3A_452 = vector.broadcast %get3A_7 : vector<512x1xf32> to vector<512x512xf32>
      %sub3A_453 = vector.broadcast %get3A_440 : vector<1x512xf32> to vector<512x512xf32>
      %sub3A_454 = arith.subf %sub3A_452, %sub3A_453 : vector<512x512xf32>
      %mul3A = arith.mulf %sub3A_448, %sub3A_448 : vector<512x512xf32>
      %mul3A_455 = arith.mulf %sub3A_451, %sub3A_451 : vector<512x512xf32>
      %add3A_456 = arith.addf %mul3A, %mul3A_455 : vector<512x512xf32>
      %mul3A_457 = arith.mulf %sub3A_454, %sub3A_454 : vector<512x512xf32>
      %add3A_458 = arith.addf %add3A_456, %mul3A_457 : vector<512x512xf32>
      %ne3A_459 = vector.broadcast %get3A_10 : vector<512x1xi32> to vector<512x512xi32>
      %ne3A_460 = vector.broadcast %get3A_445 : vector<1x512xi32> to vector<512x512xi32>
      %ne3A_461 = arith.cmpi ne, %ne3A_459, %ne3A_460 : vector<512x512xi32>
      %jit3A_462 = arith.constant 0x7F800000 : f32
      %broadcast_in_dim3A_463 = vector.broadcast %jit3A_462 : f32 to vector<512x512xf32>
      %select_n3A_464 = arith.select %ne3A_461, %broadcast_in_dim3A_463, %add3A_458 : vector<512x512xi1>, vector<512x512xf32>
      %swap3A_465 = arith.index_cast %while3A_424 : i32 to index
      %swap3A_466 = arith.constant 0 : index
      %swap3A_467 = arith.constant 0 : index
      %swap3A_468 = vector.load %arg7[%swap3A_465, %swap3A_466, %swap3A_467] : memref<16x512x512xf32, #tpu.memory_space<vmem>>, vector<1x512x512xf32>
      %swap3A_469 = vector.shape_cast %swap3A_468 : vector<1x512x512xf32> to vector<512x512xf32>
      %swap3A_470 = vector.shape_cast %select_n3A_464 : vector<512x512xf32> to vector<1x512x512xf32>
      tpu.vector_store %arg7[%swap3A_465, %swap3A_466, %swap3A_467], %swap3A_470 {strides = array<i32>} : memref<16x512x512xf32, #tpu.memory_space<vmem>>, vector<1x512x512xf32>,
      %while3A_471 = arith.constant 0 : i32
      scf.yield %while3A_471 : i32
    }
    %broadcast_in_dim3A = arith.constant 0x7F800000 : f32
    %broadcast_in_dim3A_91 = vector.broadcast %broadcast_in_dim3A : f32 to vector<512x1xf32>
    %broadcast_in_dim3A_92 = arith.constant 0x4B800000 : f32
    %broadcast_in_dim3A_93 = vector.broadcast %broadcast_in_dim3A_92 : f32 to vector<512x1xf32>
    %while3A_94 = arith.subi %select_n3A_79, %select_n3A : i32
    %while3A_95 = arith.addi %select_n3A, %while3A_94 : i32
    %while3A_96 = arith.constant 1 : i32
    %while3A_97 = arith.divsi %while3A_94, %while3A_96 : i32
    %while3A_98 = arith.muli %while3A_97, %while3A_96 : i32
    %while3A_99 = arith.addi %select_n3A, %while3A_98 : i32
    %while3A_100 = arith.constant 1 : i32
    %while3A_101:2 = scf.for %while3A_424 = %select_n3A to %while3A_99 step %while3A_100 iter_args(%while3A_425 = %broadcast_in_dim3A_91, %while3A_426 = %broadcast_in_dim3A_93) -> (vector<512x1xf32>, vector<512x1xf32>)  : i32 {
      %mul3A = arith.constant 512 : i32
      %mul3A_427 = arith.muli %while3A_424, %mul3A : i32
      %convert_element_type3A_428 = arith.sitofp %mul3A_427 : i32 to f32
      %get3A_429 = arith.index_cast %while3A_424 : i32 to index
      %get3A_430 = arith.constant 0 : index
      %get3A_431 = arith.constant 0 : index
      %get3A_432 = vector.load %arg7[%get3A_429, %get3A_430, %get3A_431] : memref<16x512x512xf32, #tpu.memory_space<vmem>>, vector<1x512x512xf32>
      %get3A_433 = vector.shape_cast %get3A_432 : vector<1x512x512xf32> to vector<512x512xf32>
      %reduce_min3A_434 = arith.constant dense<0x7F800000> : vector<512xf32>
      %reduce_min3A_435 = vector.multi_reduction <minimumf>, %get3A_433, %reduce_min3A_434 [1] : vector<512x512xf32> to vector<512xf32>
      %broadcast_in_dim3A_436 = vector.shape_cast %reduce_min3A_435 : vector<512xf32> to vector<512x1xf32>
      %eq3A = vector.broadcast %broadcast_in_dim3A_436 : vector<512x1xf32> to vector<512x512xf32>
      %eq3A_437 = arith.cmpf oeq, %get3A_433, %eq3A : vector<512x512xf32>
      %jit3A_438 = arith.constant 0x4B800000 : f32
      %broadcast_in_dim3A_439 = vector.broadcast %jit3A_438 : f32 to vector<512x512xf32>
      %select_n3A_440 = arith.select %eq3A_437, %convert_element_type3A_80, %broadcast_in_dim3A_439 : vector<512x512xi1>, vector<512x512xf32>
      %reduce_min3A_441 = arith.constant dense<0x7F800000> : vector<512xf32>
      %reduce_min3A_442 = vector.multi_reduction <minimumf>, %select_n3A_440, %reduce_min3A_441 [1] : vector<512x512xf32> to vector<512xf32>
      %broadcast_in_dim3A_443 = vector.shape_cast %reduce_min3A_442 : vector<512xf32> to vector<512x1xf32>
      %add3A_444 = vector.broadcast %convert_element_type3A_428 : f32 to vector<512x1xf32>
      %add3A_445 = arith.addf %broadcast_in_dim3A_443, %add3A_444 : vector<512x1xf32>
      %lt3A_446 = arith.cmpf olt, %broadcast_in_dim3A_436, %while3A_425 : vector<512x1xf32>
      %select_n3A_447 = arith.select %lt3A_446, %broadcast_in_dim3A_436, %while3A_425 : vector<512x1xi1>, vector<512x1xf32>
      %select_n3A_448 = arith.select %lt3A_446, %add3A_445, %while3A_426 : vector<512x1xi1>, vector<512x1xf32>
      scf.yield %select_n3A_447, %select_n3A_448 : vector<512x1xf32>, vector<512x1xf32>
    }
    %while3A_102 = arith.constant 1 : i32
    %while3A_103:2 = scf.for %while3A_424 = %while3A_99 to %while3A_95 step %while3A_102 iter_args(%while3A_425 = %while3A_101#0, %while3A_426 = %while3A_101#1) -> (vector<512x1xf32>, vector<512x1xf32>)  : i32 {
      %mul3A = arith.constant 512 : i32
      %mul3A_427 = arith.muli %while3A_424, %mul3A : i32
      %convert_element_type3A_428 = arith.sitofp %mul3A_427 : i32 to f32
      %get3A_429 = arith.index_cast %while3A_424 : i32 to index
      %get3A_430 = arith.constant 0 : index
      %get3A_431 = arith.constant 0 : index
      %get3A_432 = vector.load %arg7[%get3A_429, %get3A_430, %get3A_431] : memref<16x512x512xf32, #tpu.memory_space<vmem>>, vector<1x512x512xf32>
      %get3A_433 = vector.shape_cast %get3A_432 : vector<1x512x512xf32> to vector<512x512xf32>
      %reduce_min3A_434 = arith.constant dense<0x7F800000> : vector<512xf32>
      %reduce_min3A_435 = vector.multi_reduction <minimumf>, %get3A_433, %reduce_min3A_434 [1] : vector<512x512xf32> to vector<512xf32>
      %broadcast_in_dim3A_436 = vector.shape_cast %reduce_min3A_435 : vector<512xf32> to vector<512x1xf32>
      %eq3A = vector.broadcast %broadcast_in_dim3A_436 : vector<512x1xf32> to vector<512x512xf32>
      %eq3A_437 = arith.cmpf oeq, %get3A_433, %eq3A : vector<512x512xf32>
      %jit3A_438 = arith.constant 0x4B800000 : f32
      %broadcast_in_dim3A_439 = vector.broadcast %jit3A_438 : f32 to vector<512x512xf32>
      %select_n3A_440 = arith.select %eq3A_437, %convert_element_type3A_80, %broadcast_in_dim3A_439 : vector<512x512xi1>, vector<512x512xf32>
      %reduce_min3A_441 = arith.constant dense<0x7F800000> : vector<512xf32>
      %reduce_min3A_442 = vector.multi_reduction <minimumf>, %select_n3A_440, %reduce_min3A_441 [1] : vector<512x512xf32> to vector<512xf32>
      %broadcast_in_dim3A_443 = vector.shape_cast %reduce_min3A_442 : vector<512xf32> to vector<512x1xf32>
      %add3A_444 = vector.broadcast %convert_element_type3A_428 : f32 to vector<512x1xf32>
      %add3A_445 = arith.addf %broadcast_in_dim3A_443, %add3A_444 : vector<512x1xf32>
      %lt3A_446 = arith.cmpf olt, %broadcast_in_dim3A_436, %while3A_425 : vector<512x1xf32>
      %select_n3A_447 = arith.select %lt3A_446, %broadcast_in_dim3A_436, %while3A_425 : vector<512x1xi1>, vector<512x1xf32>
      %select_n3A_448 = arith.select %lt3A_446, %add3A_445, %while3A_426 : vector<512x1xi1>, vector<512x1xf32>
      scf.yield %select_n3A_447, %select_n3A_448 : vector<512x1xf32>, vector<512x1xf32>
    }
    %min3A = arith.constant 8.191000e+03 : f32
    %min3A_104 = vector.broadcast %min3A : f32 to vector<512x1xf32>
    %min3A_105 = arith.minimumf %while3A_103#1, %min3A_104 : vector<512x1xf32>
    %convert_element_type3A_106 = arith.fptosi %min3A_105 : vector<512x1xf32> to vector<512x1xi32>
    %swap3A = arith.constant 0 : index
    %swap3A_107 = arith.constant 0 : index
    %swap3A_108 = vector.load %arg6[%swap3A, %swap3A_107] : memref<512x16xi32, #tpu.memory_space<vmem>>, vector<512x1xi32>
    tpu.vector_store %arg6[%swap3A, %swap3A_107], %convert_element_type3A_106 {strides = array<i32>} : memref<512x16xi32, #tpu.memory_space<vmem>>, vector<512x1xi32>,
    %broadcast_in_dim3A_109 = arith.constant 0x7F800000 : f32
    %broadcast_in_dim3A_110 = vector.broadcast %broadcast_in_dim3A_109 : f32 to vector<512x1xf32>
    %broadcast_in_dim3A_111 = arith.constant 0x4B800000 : f32
    %broadcast_in_dim3A_112 = vector.broadcast %broadcast_in_dim3A_111 : f32 to vector<512x1xf32>
    %while3A_113 = arith.subi %select_n3A_79, %select_n3A : i32
    %while3A_114 = arith.addi %select_n3A, %while3A_113 : i32
    %while3A_115 = arith.constant 1 : i32
    %while3A_116 = arith.divsi %while3A_113, %while3A_115 : i32
    %while3A_117 = arith.muli %while3A_116, %while3A_115 : i32
    %while3A_118 = arith.addi %select_n3A, %while3A_117 : i32
    %while3A_119 = arith.constant 1 : i32
    %while3A_120:2 = scf.for %while3A_424 = %select_n3A to %while3A_118 step %while3A_119 iter_args(%while3A_425 = %broadcast_in_dim3A_110, %while3A_426 = %broadcast_in_dim3A_112) -> (vector<512x1xf32>, vector<512x1xf32>)  : i32 {
      %mul3A = arith.constant 512 : i32
      %mul3A_427 = arith.muli %while3A_424, %mul3A : i32
      %convert_element_type3A_428 = arith.sitofp %mul3A_427 : i32 to f32
      %get3A_429 = arith.index_cast %while3A_424 : i32 to index
      %get3A_430 = arith.constant 0 : index
      %get3A_431 = arith.constant 0 : index
      %get3A_432 = vector.load %arg7[%get3A_429, %get3A_430, %get3A_431] : memref<16x512x512xf32, #tpu.memory_space<vmem>>, vector<1x512x512xf32>
      %get3A_433 = vector.shape_cast %get3A_432 : vector<1x512x512xf32> to vector<512x512xf32>
      %sub3A_434 = vector.broadcast %convert_element_type3A_428 : f32 to vector<512x1xf32>
      %sub3A_435 = arith.subf %while3A_103#1, %sub3A_434 : vector<512x1xf32>
      %eq3A = vector.broadcast %sub3A_435 : vector<512x1xf32> to vector<512x512xf32>
      %eq3A_436 = arith.cmpf oeq, %convert_element_type3A_80, %eq3A : vector<512x512xf32>
      %jit3A_437 = arith.constant 0x7F800000 : f32
      %broadcast_in_dim3A_438 = vector.broadcast %jit3A_437 : f32 to vector<512x512xf32>
      %select_n3A_439 = arith.select %eq3A_436, %broadcast_in_dim3A_438, %get3A_433 : vector<512x512xi1>, vector<512x512xf32>
      %swap3A_440 = arith.index_cast %while3A_424 : i32 to index
      %swap3A_441 = arith.constant 0 : index
      %swap3A_442 = arith.constant 0 : index
      %swap3A_443 = vector.load %arg7[%swap3A_440, %swap3A_441, %swap3A_442] : memref<16x512x512xf32, #tpu.memory_space<vmem>>, vector<1x512x512xf32>
      %swap3A_444 = vector.shape_cast %swap3A_443 : vector<1x512x512xf32> to vector<512x512xf32>
      %swap3A_445 = vector.shape_cast %select_n3A_439 : vector<512x512xf32> to vector<1x512x512xf32>
      tpu.vector_store %arg7[%swap3A_440, %swap3A_441, %swap3A_442], %swap3A_445 {strides = array<i32>} : memref<16x512x512xf32, #tpu.memory_space<vmem>>, vector<1x512x512xf32>,
      %reduce_min3A_446 = arith.constant dense<0x7F800000> : vector<512xf32>
      %reduce_min3A_447 = vector.multi_reduction <minimumf>, %select_n3A_439, %reduce_min3A_446 [1] : vector<512x512xf32> to vector<512xf32>
      %broadcast_in_dim3A_448 = vector.shape_cast %reduce_min3A_447 : vector<512xf32> to vector<512x1xf32>
      %eq3A_449 = vector.broadcast %broadcast_in_dim3A_448 : vector<512x1xf32> to vector<512x512xf32>
      %eq3A_450 = arith.cmpf oeq, %select_n3A_439, %eq3A_449 : vector<512x512xf32>
      %jit3A_451 = arith.constant 0x4B800000 : f32
      %broadcast_in_dim3A_452 = vector.broadcast %jit3A_451 : f32 to vector<512x512xf32>
      %select_n3A_453 = arith.select %eq3A_450, %convert_element_type3A_80, %broadcast_in_dim3A_452 : vector<512x512xi1>, vector<512x512xf32>
      %reduce_min3A_454 = arith.constant dense<0x7F800000> : vector<512xf32>
      %reduce_min3A_455 = vector.multi_reduction <minimumf>, %select_n3A_453, %reduce_min3A_454 [1] : vector<512x512xf32> to vector<512xf32>
      %broadcast_in_dim3A_456 = vector.shape_cast %reduce_min3A_455 : vector<512xf32> to vector<512x1xf32>
      %add3A_457 = vector.broadcast %convert_element_type3A_428 : f32 to vector<512x1xf32>
      %add3A_458 = arith.addf %broadcast_in_dim3A_456, %add3A_457 : vector<512x1xf32>
      %lt3A_459 = arith.cmpf olt, %broadcast_in_dim3A_448, %while3A_425 : vector<512x1xf32>
      %select_n3A_460 = arith.select %lt3A_459, %broadcast_in_dim3A_448, %while3A_425 : vector<512x1xi1>, vector<512x1xf32>
      %select_n3A_461 = arith.select %lt3A_459, %add3A_458, %while3A_426 : vector<512x1xi1>, vector<512x1xf32>
      scf.yield %select_n3A_460, %select_n3A_461 : vector<512x1xf32>, vector<512x1xf32>
    }
    %while3A_121 = arith.constant 1 : i32
    %while3A_122:2 = scf.for %while3A_424 = %while3A_118 to %while3A_114 step %while3A_121 iter_args(%while3A_425 = %while3A_120#0, %while3A_426 = %while3A_120#1) -> (vector<512x1xf32>, vector<512x1xf32>)  : i32 {
      %mul3A = arith.constant 512 : i32
      %mul3A_427 = arith.muli %while3A_424, %mul3A : i32
      %convert_element_type3A_428 = arith.sitofp %mul3A_427 : i32 to f32
      %get3A_429 = arith.index_cast %while3A_424 : i32 to index
      %get3A_430 = arith.constant 0 : index
      %get3A_431 = arith.constant 0 : index
      %get3A_432 = vector.load %arg7[%get3A_429, %get3A_430, %get3A_431] : memref<16x512x512xf32, #tpu.memory_space<vmem>>, vector<1x512x512xf32>
      %get3A_433 = vector.shape_cast %get3A_432 : vector<1x512x512xf32> to vector<512x512xf32>
      %sub3A_434 = vector.broadcast %convert_element_type3A_428 : f32 to vector<512x1xf32>
      %sub3A_435 = arith.subf %while3A_103#1, %sub3A_434 : vector<512x1xf32>
      %eq3A = vector.broadcast %sub3A_435 : vector<512x1xf32> to vector<512x512xf32>
      %eq3A_436 = arith.cmpf oeq, %convert_element_type3A_80, %eq3A : vector<512x512xf32>
      %jit3A_437 = arith.constant 0x7F800000 : f32
      %broadcast_in_dim3A_438 = vector.broadcast %jit3A_437 : f32 to vector<512x512xf32>
      %select_n3A_439 = arith.select %eq3A_436, %broadcast_in_dim3A_438, %get3A_433 : vector<512x512xi1>, vector<512x512xf32>
      %swap3A_440 = arith.index_cast %while3A_424 : i32 to index
      %swap3A_441 = arith.constant 0 : index
      %swap3A_442 = arith.constant 0 : index
      %swap3A_443 = vector.load %arg7[%swap3A_440, %swap3A_441, %swap3A_442] : memref<16x512x512xf32, #tpu.memory_space<vmem>>, vector<1x512x512xf32>
      %swap3A_444 = vector.shape_cast %swap3A_443 : vector<1x512x512xf32> to vector<512x512xf32>
      %swap3A_445 = vector.shape_cast %select_n3A_439 : vector<512x512xf32> to vector<1x512x512xf32>
      tpu.vector_store %arg7[%swap3A_440, %swap3A_441, %swap3A_442], %swap3A_445 {strides = array<i32>} : memref<16x512x512xf32, #tpu.memory_space<vmem>>, vector<1x512x512xf32>,
      %reduce_min3A_446 = arith.constant dense<0x7F800000> : vector<512xf32>
      %reduce_min3A_447 = vector.multi_reduction <minimumf>, %select_n3A_439, %reduce_min3A_446 [1] : vector<512x512xf32> to vector<512xf32>
      %broadcast_in_dim3A_448 = vector.shape_cast %reduce_min3A_447 : vector<512xf32> to vector<512x1xf32>
      %eq3A_449 = vector.broadcast %broadcast_in_dim3A_448 : vector<512x1xf32> to vector<512x512xf32>
      %eq3A_450 = arith.cmpf oeq, %select_n3A_439, %eq3A_449 : vector<512x512xf32>
      %jit3A_451 = arith.constant 0x4B800000 : f32
      %broadcast_in_dim3A_452 = vector.broadcast %jit3A_451 : f32 to vector<512x512xf32>
      %select_n3A_453 = arith.select %eq3A_450, %convert_element_type3A_80, %broadcast_in_dim3A_452 : vector<512x512xi1>, vector<512x512xf32>
      %reduce_min3A_454 = arith.constant dense<0x7F800000> : vector<512xf32>
      %reduce_min3A_455 = vector.multi_reduction <minimumf>, %select_n3A_453, %reduce_min3A_454 [1] : vector<512x512xf32> to vector<512xf32>
      %broadcast_in_dim3A_456 = vector.shape_cast %reduce_min3A_455 : vector<512xf32> to vector<512x1xf32>
      %add3A_457 = vector.broadcast %convert_element_type3A_428 : f32 to vector<512x1xf32>
      %add3A_458 = arith.addf %broadcast_in_dim3A_456, %add3A_457 : vector<512x1xf32>
      %lt3A_459 = arith.cmpf olt, %broadcast_in_dim3A_448, %while3A_425 : vector<512x1xf32>
      %select_n3A_460 = arith.select %lt3A_459, %broadcast_in_dim3A_448, %while3A_425 : vector<512x1xi1>, vector<512x1xf32>
      %select_n3A_461 = arith.select %lt3A_459, %add3A_458, %while3A_426 : vector<512x1xi1>, vector<512x1xf32>
      scf.yield %select_n3A_460, %select_n3A_461 : vector<512x1xf32>, vector<512x1xf32>
    }
    %min3A_123 = arith.constant 8.191000e+03 : f32
    %min3A_124 = vector.broadcast %min3A_123 : f32 to vector<512x1xf32>
    %min3A_125 = arith.minimumf %while3A_122#1, %min3A_124 : vector<512x1xf32>
    %convert_element_type3A_126 = arith.fptosi %min3A_125 : vector<512x1xf32> to vector<512x1xi32>
    %swap3A_127 = arith.constant 0 : index
    %swap3A_128 = arith.constant 1 : index
    %swap3A_129 = vector.load %arg6[%swap3A_127, %swap3A_128] : memref<512x16xi32, #tpu.memory_space<vmem>>, vector<512x1xi32>
    tpu.vector_store %arg6[%swap3A_127, %swap3A_128], %convert_element_type3A_126 {strides = array<i32>} : memref<512x16xi32, #tpu.memory_space<vmem>>, vector<512x1xi32>,
    %broadcast_in_dim3A_130 = arith.constant 0x7F800000 : f32
    %broadcast_in_dim3A_131 = vector.broadcast %broadcast_in_dim3A_130 : f32 to vector<512x1xf32>
    %broadcast_in_dim3A_132 = arith.constant 0x4B800000 : f32
    %broadcast_in_dim3A_133 = vector.broadcast %broadcast_in_dim3A_132 : f32 to vector<512x1xf32>
    %while3A_134 = arith.subi %select_n3A_79, %select_n3A : i32
    %while3A_135 = arith.addi %select_n3A, %while3A_134 : i32
    %while3A_136 = arith.constant 1 : i32
    %while3A_137 = arith.divsi %while3A_134, %while3A_136 : i32
    %while3A_138 = arith.muli %while3A_137, %while3A_136 : i32
    %while3A_139 = arith.addi %select_n3A, %while3A_138 : i32
    %while3A_140 = arith.constant 1 : i32
    %while3A_141:2 = scf.for %while3A_424 = %select_n3A to %while3A_139 step %while3A_140 iter_args(%while3A_425 = %broadcast_in_dim3A_131, %while3A_426 = %broadcast_in_dim3A_133) -> (vector<512x1xf32>, vector<512x1xf32>)  : i32 {
      %mul3A = arith.constant 512 : i32
      %mul3A_427 = arith.muli %while3A_424, %mul3A : i32
      %convert_element_type3A_428 = arith.sitofp %mul3A_427 : i32 to f32
      %get3A_429 = arith.index_cast %while3A_424 : i32 to index
      %get3A_430 = arith.constant 0 : index
      %get3A_431 = arith.constant 0 : index
      %get3A_432 = vector.load %arg7[%get3A_429, %get3A_430, %get3A_431] : memref<16x512x512xf32, #tpu.memory_space<vmem>>, vector<1x512x512xf32>
      %get3A_433 = vector.shape_cast %get3A_432 : vector<1x512x512xf32> to vector<512x512xf32>
      %sub3A_434 = vector.broadcast %convert_element_type3A_428 : f32 to vector<512x1xf32>
      %sub3A_435 = arith.subf %while3A_122#1, %sub3A_434 : vector<512x1xf32>
      %eq3A = vector.broadcast %sub3A_435 : vector<512x1xf32> to vector<512x512xf32>
      %eq3A_436 = arith.cmpf oeq, %convert_element_type3A_80, %eq3A : vector<512x512xf32>
      %jit3A_437 = arith.constant 0x7F800000 : f32
      %broadcast_in_dim3A_438 = vector.broadcast %jit3A_437 : f32 to vector<512x512xf32>
      %select_n3A_439 = arith.select %eq3A_436, %broadcast_in_dim3A_438, %get3A_433 : vector<512x512xi1>, vector<512x512xf32>
      %swap3A_440 = arith.index_cast %while3A_424 : i32 to index
      %swap3A_441 = arith.constant 0 : index
      %swap3A_442 = arith.constant 0 : index
      %swap3A_443 = vector.load %arg7[%swap3A_440, %swap3A_441, %swap3A_442] : memref<16x512x512xf32, #tpu.memory_space<vmem>>, vector<1x512x512xf32>
      %swap3A_444 = vector.shape_cast %swap3A_443 : vector<1x512x512xf32> to vector<512x512xf32>
      %swap3A_445 = vector.shape_cast %select_n3A_439 : vector<512x512xf32> to vector<1x512x512xf32>
      tpu.vector_store %arg7[%swap3A_440, %swap3A_441, %swap3A_442], %swap3A_445 {strides = array<i32>} : memref<16x512x512xf32, #tpu.memory_space<vmem>>, vector<1x512x512xf32>,
      %reduce_min3A_446 = arith.constant dense<0x7F800000> : vector<512xf32>
      %reduce_min3A_447 = vector.multi_reduction <minimumf>, %select_n3A_439, %reduce_min3A_446 [1] : vector<512x512xf32> to vector<512xf32>
      %broadcast_in_dim3A_448 = vector.shape_cast %reduce_min3A_447 : vector<512xf32> to vector<512x1xf32>
      %eq3A_449 = vector.broadcast %broadcast_in_dim3A_448 : vector<512x1xf32> to vector<512x512xf32>
      %eq3A_450 = arith.cmpf oeq, %select_n3A_439, %eq3A_449 : vector<512x512xf32>
      %jit3A_451 = arith.constant 0x4B800000 : f32
      %broadcast_in_dim3A_452 = vector.broadcast %jit3A_451 : f32 to vector<512x512xf32>
      %select_n3A_453 = arith.select %eq3A_450, %convert_element_type3A_80, %broadcast_in_dim3A_452 : vector<512x512xi1>, vector<512x512xf32>
      %reduce_min3A_454 = arith.constant dense<0x7F800000> : vector<512xf32>
      %reduce_min3A_455 = vector.multi_reduction <minimumf>, %select_n3A_453, %reduce_min3A_454 [1] : vector<512x512xf32> to vector<512xf32>
      %broadcast_in_dim3A_456 = vector.shape_cast %reduce_min3A_455 : vector<512xf32> to vector<512x1xf32>
      %add3A_457 = vector.broadcast %convert_element_type3A_428 : f32 to vector<512x1xf32>
      %add3A_458 = arith.addf %broadcast_in_dim3A_456, %add3A_457 : vector<512x1xf32>
      %lt3A_459 = arith.cmpf olt, %broadcast_in_dim3A_448, %while3A_425 : vector<512x1xf32>
      %select_n3A_460 = arith.select %lt3A_459, %broadcast_in_dim3A_448, %while3A_425 : vector<512x1xi1>, vector<512x1xf32>
      %select_n3A_461 = arith.select %lt3A_459, %add3A_458, %while3A_426 : vector<512x1xi1>, vector<512x1xf32>
      scf.yield %select_n3A_460, %select_n3A_461 : vector<512x1xf32>, vector<512x1xf32>
    }
    %while3A_142 = arith.constant 1 : i32
    %while3A_143:2 = scf.for %while3A_424 = %while3A_139 to %while3A_135 step %while3A_142 iter_args(%while3A_425 = %while3A_141#0, %while3A_426 = %while3A_141#1) -> (vector<512x1xf32>, vector<512x1xf32>)  : i32 {
      %mul3A = arith.constant 512 : i32
      %mul3A_427 = arith.muli %while3A_424, %mul3A : i32
      %convert_element_type3A_428 = arith.sitofp %mul3A_427 : i32 to f32
      %get3A_429 = arith.index_cast %while3A_424 : i32 to index
      %get3A_430 = arith.constant 0 : index
      %get3A_431 = arith.constant 0 : index
      %get3A_432 = vector.load %arg7[%get3A_429, %get3A_430, %get3A_431] : memref<16x512x512xf32, #tpu.memory_space<vmem>>, vector<1x512x512xf32>
      %get3A_433 = vector.shape_cast %get3A_432 : vector<1x512x512xf32> to vector<512x512xf32>
      %sub3A_434 = vector.broadcast %convert_element_type3A_428 : f32 to vector<512x1xf32>
      %sub3A_435 = arith.subf %while3A_122#1, %sub3A_434 : vector<512x1xf32>
      %eq3A = vector.broadcast %sub3A_435 : vector<512x1xf32> to vector<512x512xf32>
      %eq3A_436 = arith.cmpf oeq, %convert_element_type3A_80, %eq3A : vector<512x512xf32>
      %jit3A_437 = arith.constant 0x7F800000 : f32
      %broadcast_in_dim3A_438 = vector.broadcast %jit3A_437 : f32 to vector<512x512xf32>
      %select_n3A_439 = arith.select %eq3A_436, %broadcast_in_dim3A_438, %get3A_433 : vector<512x512xi1>, vector<512x512xf32>
      %swap3A_440 = arith.index_cast %while3A_424 : i32 to index
      %swap3A_441 = arith.constant 0 : index
      %swap3A_442 = arith.constant 0 : index
      %swap3A_443 = vector.load %arg7[%swap3A_440, %swap3A_441, %swap3A_442] : memref<16x512x512xf32, #tpu.memory_space<vmem>>, vector<1x512x512xf32>
      %swap3A_444 = vector.shape_cast %swap3A_443 : vector<1x512x512xf32> to vector<512x512xf32>
      %swap3A_445 = vector.shape_cast %select_n3A_439 : vector<512x512xf32> to vector<1x512x512xf32>
      tpu.vector_store %arg7[%swap3A_440, %swap3A_441, %swap3A_442], %swap3A_445 {strides = array<i32>} : memref<16x512x512xf32, #tpu.memory_space<vmem>>, vector<1x512x512xf32>,
      %reduce_min3A_446 = arith.constant dense<0x7F800000> : vector<512xf32>
      %reduce_min3A_447 = vector.multi_reduction <minimumf>, %select_n3A_439, %reduce_min3A_446 [1] : vector<512x512xf32> to vector<512xf32>
      %broadcast_in_dim3A_448 = vector.shape_cast %reduce_min3A_447 : vector<512xf32> to vector<512x1xf32>
      %eq3A_449 = vector.broadcast %broadcast_in_dim3A_448 : vector<512x1xf32> to vector<512x512xf32>
      %eq3A_450 = arith.cmpf oeq, %select_n3A_439, %eq3A_449 : vector<512x512xf32>
      %jit3A_451 = arith.constant 0x4B800000 : f32
      %broadcast_in_dim3A_452 = vector.broadcast %jit3A_451 : f32 to vector<512x512xf32>
      %select_n3A_453 = arith.select %eq3A_450, %convert_element_type3A_80, %broadcast_in_dim3A_452 : vector<512x512xi1>, vector<512x512xf32>
      %reduce_min3A_454 = arith.constant dense<0x7F800000> : vector<512xf32>
      %reduce_min3A_455 = vector.multi_reduction <minimumf>, %select_n3A_453, %reduce_min3A_454 [1] : vector<512x512xf32> to vector<512xf32>
      %broadcast_in_dim3A_456 = vector.shape_cast %reduce_min3A_455 : vector<512xf32> to vector<512x1xf32>
      %add3A_457 = vector.broadcast %convert_element_type3A_428 : f32 to vector<512x1xf32>
      %add3A_458 = arith.addf %broadcast_in_dim3A_456, %add3A_457 : vector<512x1xf32>
      %lt3A_459 = arith.cmpf olt, %broadcast_in_dim3A_448, %while3A_425 : vector<512x1xf32>
      %select_n3A_460 = arith.select %lt3A_459, %broadcast_in_dim3A_448, %while3A_425 : vector<512x1xi1>, vector<512x1xf32>
      %select_n3A_461 = arith.select %lt3A_459, %add3A_458, %while3A_426 : vector<512x1xi1>, vector<512x1xf32>
      scf.yield %select_n3A_460, %select_n3A_461 : vector<512x1xf32>, vector<512x1xf32>
    }
    %min3A_144 = arith.constant 8.191000e+03 : f32
    %min3A_145 = vector.broadcast %min3A_144 : f32 to vector<512x1xf32>
    %min3A_146 = arith.minimumf %while3A_143#1, %min3A_145 : vector<512x1xf32>
    %convert_element_type3A_147 = arith.fptosi %min3A_146 : vector<512x1xf32> to vector<512x1xi32>
    %swap3A_148 = arith.constant 0 : index
    %swap3A_149 = arith.constant 2 : index
    %swap3A_150 = vector.load %arg6[%swap3A_148, %swap3A_149] : memref<512x16xi32, #tpu.memory_space<vmem>>, vector<512x1xi32>
    tpu.vector_store %arg6[%swap3A_148, %swap3A_149], %convert_element_type3A_147 {strides = array<i32>} : memref<512x16xi32, #tpu.memory_space<vmem>>, vector<512x1xi32>,
    %broadcast_in_dim3A_151 = arith.constant 0x7F800000 : f32
    %broadcast_in_dim3A_152 = vector.broadcast %broadcast_in_dim3A_151 : f32 to vector<512x1xf32>
    %broadcast_in_dim3A_153 = arith.constant 0x4B800000 : f32
    %broadcast_in_dim3A_154 = vector.broadcast %broadcast_in_dim3A_153 : f32 to vector<512x1xf32>
    %while3A_155 = arith.subi %select_n3A_79, %select_n3A : i32
    %while3A_156 = arith.addi %select_n3A, %while3A_155 : i32
    %while3A_157 = arith.constant 1 : i32
    %while3A_158 = arith.divsi %while3A_155, %while3A_157 : i32
    %while3A_159 = arith.muli %while3A_158, %while3A_157 : i32
    %while3A_160 = arith.addi %select_n3A, %while3A_159 : i32
    %while3A_161 = arith.constant 1 : i32
    %while3A_162:2 = scf.for %while3A_424 = %select_n3A to %while3A_160 step %while3A_161 iter_args(%while3A_425 = %broadcast_in_dim3A_152, %while3A_426 = %broadcast_in_dim3A_154) -> (vector<512x1xf32>, vector<512x1xf32>)  : i32 {
      %mul3A = arith.constant 512 : i32
      %mul3A_427 = arith.muli %while3A_424, %mul3A : i32
      %convert_element_type3A_428 = arith.sitofp %mul3A_427 : i32 to f32
      %get3A_429 = arith.index_cast %while3A_424 : i32 to index
      %get3A_430 = arith.constant 0 : index
      %get3A_431 = arith.constant 0 : index
      %get3A_432 = vector.load %arg7[%get3A_429, %get3A_430, %get3A_431] : memref<16x512x512xf32, #tpu.memory_space<vmem>>, vector<1x512x512xf32>
      %get3A_433 = vector.shape_cast %get3A_432 : vector<1x512x512xf32> to vector<512x512xf32>
      %sub3A_434 = vector.broadcast %convert_element_type3A_428 : f32 to vector<512x1xf32>
      %sub3A_435 = arith.subf %while3A_143#1, %sub3A_434 : vector<512x1xf32>
      %eq3A = vector.broadcast %sub3A_435 : vector<512x1xf32> to vector<512x512xf32>
      %eq3A_436 = arith.cmpf oeq, %convert_element_type3A_80, %eq3A : vector<512x512xf32>
      %jit3A_437 = arith.constant 0x7F800000 : f32
      %broadcast_in_dim3A_438 = vector.broadcast %jit3A_437 : f32 to vector<512x512xf32>
      %select_n3A_439 = arith.select %eq3A_436, %broadcast_in_dim3A_438, %get3A_433 : vector<512x512xi1>, vector<512x512xf32>
      %swap3A_440 = arith.index_cast %while3A_424 : i32 to index
      %swap3A_441 = arith.constant 0 : index
      %swap3A_442 = arith.constant 0 : index
      %swap3A_443 = vector.load %arg7[%swap3A_440, %swap3A_441, %swap3A_442] : memref<16x512x512xf32, #tpu.memory_space<vmem>>, vector<1x512x512xf32>
      %swap3A_444 = vector.shape_cast %swap3A_443 : vector<1x512x512xf32> to vector<512x512xf32>
      %swap3A_445 = vector.shape_cast %select_n3A_439 : vector<512x512xf32> to vector<1x512x512xf32>
      tpu.vector_store %arg7[%swap3A_440, %swap3A_441, %swap3A_442], %swap3A_445 {strides = array<i32>} : memref<16x512x512xf32, #tpu.memory_space<vmem>>, vector<1x512x512xf32>,
      %reduce_min3A_446 = arith.constant dense<0x7F800000> : vector<512xf32>
      %reduce_min3A_447 = vector.multi_reduction <minimumf>, %select_n3A_439, %reduce_min3A_446 [1] : vector<512x512xf32> to vector<512xf32>
      %broadcast_in_dim3A_448 = vector.shape_cast %reduce_min3A_447 : vector<512xf32> to vector<512x1xf32>
      %eq3A_449 = vector.broadcast %broadcast_in_dim3A_448 : vector<512x1xf32> to vector<512x512xf32>
      %eq3A_450 = arith.cmpf oeq, %select_n3A_439, %eq3A_449 : vector<512x512xf32>
      %jit3A_451 = arith.constant 0x4B800000 : f32
      %broadcast_in_dim3A_452 = vector.broadcast %jit3A_451 : f32 to vector<512x512xf32>
      %select_n3A_453 = arith.select %eq3A_450, %convert_element_type3A_80, %broadcast_in_dim3A_452 : vector<512x512xi1>, vector<512x512xf32>
      %reduce_min3A_454 = arith.constant dense<0x7F800000> : vector<512xf32>
      %reduce_min3A_455 = vector.multi_reduction <minimumf>, %select_n3A_453, %reduce_min3A_454 [1] : vector<512x512xf32> to vector<512xf32>
      %broadcast_in_dim3A_456 = vector.shape_cast %reduce_min3A_455 : vector<512xf32> to vector<512x1xf32>
      %add3A_457 = vector.broadcast %convert_element_type3A_428 : f32 to vector<512x1xf32>
      %add3A_458 = arith.addf %broadcast_in_dim3A_456, %add3A_457 : vector<512x1xf32>
      %lt3A_459 = arith.cmpf olt, %broadcast_in_dim3A_448, %while3A_425 : vector<512x1xf32>
      %select_n3A_460 = arith.select %lt3A_459, %broadcast_in_dim3A_448, %while3A_425 : vector<512x1xi1>, vector<512x1xf32>
      %select_n3A_461 = arith.select %lt3A_459, %add3A_458, %while3A_426 : vector<512x1xi1>, vector<512x1xf32>
      scf.yield %select_n3A_460, %select_n3A_461 : vector<512x1xf32>, vector<512x1xf32>
    }
    %while3A_163 = arith.constant 1 : i32
    %while3A_164:2 = scf.for %while3A_424 = %while3A_160 to %while3A_156 step %while3A_163 iter_args(%while3A_425 = %while3A_162#0, %while3A_426 = %while3A_162#1) -> (vector<512x1xf32>, vector<512x1xf32>)  : i32 {
      %mul3A = arith.constant 512 : i32
      %mul3A_427 = arith.muli %while3A_424, %mul3A : i32
      %convert_element_type3A_428 = arith.sitofp %mul3A_427 : i32 to f32
      %get3A_429 = arith.index_cast %while3A_424 : i32 to index
      %get3A_430 = arith.constant 0 : index
      %get3A_431 = arith.constant 0 : index
      %get3A_432 = vector.load %arg7[%get3A_429, %get3A_430, %get3A_431] : memref<16x512x512xf32, #tpu.memory_space<vmem>>, vector<1x512x512xf32>
      %get3A_433 = vector.shape_cast %get3A_432 : vector<1x512x512xf32> to vector<512x512xf32>
      %sub3A_434 = vector.broadcast %convert_element_type3A_428 : f32 to vector<512x1xf32>
      %sub3A_435 = arith.subf %while3A_143#1, %sub3A_434 : vector<512x1xf32>
      %eq3A = vector.broadcast %sub3A_435 : vector<512x1xf32> to vector<512x512xf32>
      %eq3A_436 = arith.cmpf oeq, %convert_element_type3A_80, %eq3A : vector<512x512xf32>
      %jit3A_437 = arith.constant 0x7F800000 : f32
      %broadcast_in_dim3A_438 = vector.broadcast %jit3A_437 : f32 to vector<512x512xf32>
      %select_n3A_439 = arith.select %eq3A_436, %broadcast_in_dim3A_438, %get3A_433 : vector<512x512xi1>, vector<512x512xf32>
      %swap3A_440 = arith.index_cast %while3A_424 : i32 to index
      %swap3A_441 = arith.constant 0 : index
      %swap3A_442 = arith.constant 0 : index
      %swap3A_443 = vector.load %arg7[%swap3A_440, %swap3A_441, %swap3A_442] : memref<16x512x512xf32, #tpu.memory_space<vmem>>, vector<1x512x512xf32>
      %swap3A_444 = vector.shape_cast %swap3A_443 : vector<1x512x512xf32> to vector<512x512xf32>
      %swap3A_445 = vector.shape_cast %select_n3A_439 : vector<512x512xf32> to vector<1x512x512xf32>
      tpu.vector_store %arg7[%swap3A_440, %swap3A_441, %swap3A_442], %swap3A_445 {strides = array<i32>} : memref<16x512x512xf32, #tpu.memory_space<vmem>>, vector<1x512x512xf32>,
      %reduce_min3A_446 = arith.constant dense<0x7F800000> : vector<512xf32>
      %reduce_min3A_447 = vector.multi_reduction <minimumf>, %select_n3A_439, %reduce_min3A_446 [1] : vector<512x512xf32> to vector<512xf32>
      %broadcast_in_dim3A_448 = vector.shape_cast %reduce_min3A_447 : vector<512xf32> to vector<512x1xf32>
      %eq3A_449 = vector.broadcast %broadcast_in_dim3A_448 : vector<512x1xf32> to vector<512x512xf32>
      %eq3A_450 = arith.cmpf oeq, %select_n3A_439, %eq3A_449 : vector<512x512xf32>
      %jit3A_451 = arith.constant 0x4B800000 : f32
      %broadcast_in_dim3A_452 = vector.broadcast %jit3A_451 : f32 to vector<512x512xf32>
      %select_n3A_453 = arith.select %eq3A_450, %convert_element_type3A_80, %broadcast_in_dim3A_452 : vector<512x512xi1>, vector<512x512xf32>
      %reduce_min3A_454 = arith.constant dense<0x7F800000> : vector<512xf32>
      %reduce_min3A_455 = vector.multi_reduction <minimumf>, %select_n3A_453, %reduce_min3A_454 [1] : vector<512x512xf32> to vector<512xf32>
      %broadcast_in_dim3A_456 = vector.shape_cast %reduce_min3A_455 : vector<512xf32> to vector<512x1xf32>
      %add3A_457 = vector.broadcast %convert_element_type3A_428 : f32 to vector<512x1xf32>
      %add3A_458 = arith.addf %broadcast_in_dim3A_456, %add3A_457 : vector<512x1xf32>
      %lt3A_459 = arith.cmpf olt, %broadcast_in_dim3A_448, %while3A_425 : vector<512x1xf32>
      %select_n3A_460 = arith.select %lt3A_459, %broadcast_in_dim3A_448, %while3A_425 : vector<512x1xi1>, vector<512x1xf32>
      %select_n3A_461 = arith.select %lt3A_459, %add3A_458, %while3A_426 : vector<512x1xi1>, vector<512x1xf32>
      scf.yield %select_n3A_460, %select_n3A_461 : vector<512x1xf32>, vector<512x1xf32>
    }
    %min3A_165 = arith.constant 8.191000e+03 : f32
    %min3A_166 = vector.broadcast %min3A_165 : f32 to vector<512x1xf32>
    %min3A_167 = arith.minimumf %while3A_164#1, %min3A_166 : vector<512x1xf32>
    %convert_element_type3A_168 = arith.fptosi %min3A_167 : vector<512x1xf32> to vector<512x1xi32>
    %swap3A_169 = arith.constant 0 : index
    %swap3A_170 = arith.constant 3 : index
    %swap3A_171 = vector.load %arg6[%swap3A_169, %swap3A_170] : memref<512x16xi32, #tpu.memory_space<vmem>>, vector<512x1xi32>
    tpu.vector_store %arg6[%swap3A_169, %swap3A_170], %convert_element_type3A_168 {strides = array<i32>} : memref<512x16xi32, #tpu.memory_space<vmem>>, vector<512x1xi32>,
    %broadcast_in_dim3A_172 = arith.constant 0x7F800000 : f32
    %broadcast_in_dim3A_173 = vector.broadcast %broadcast_in_dim3A_172 : f32 to vector<512x1xf32>
    %broadcast_in_dim3A_174 = arith.constant 0x4B800000 : f32
    %broadcast_in_dim3A_175 = vector.broadcast %broadcast_in_dim3A_174 : f32 to vector<512x1xf32>
    %while3A_176 = arith.subi %select_n3A_79, %select_n3A : i32
    %while3A_177 = arith.addi %select_n3A, %while3A_176 : i32
    %while3A_178 = arith.constant 1 : i32
    %while3A_179 = arith.divsi %while3A_176, %while3A_178 : i32
    %while3A_180 = arith.muli %while3A_179, %while3A_178 : i32
    %while3A_181 = arith.addi %select_n3A, %while3A_180 : i32
    %while3A_182 = arith.constant 1 : i32
    %while3A_183:2 = scf.for %while3A_424 = %select_n3A to %while3A_181 step %while3A_182 iter_args(%while3A_425 = %broadcast_in_dim3A_173, %while3A_426 = %broadcast_in_dim3A_175) -> (vector<512x1xf32>, vector<512x1xf32>)  : i32 {
      %mul3A = arith.constant 512 : i32
      %mul3A_427 = arith.muli %while3A_424, %mul3A : i32
      %convert_element_type3A_428 = arith.sitofp %mul3A_427 : i32 to f32
      %get3A_429 = arith.index_cast %while3A_424 : i32 to index
      %get3A_430 = arith.constant 0 : index
      %get3A_431 = arith.constant 0 : index
      %get3A_432 = vector.load %arg7[%get3A_429, %get3A_430, %get3A_431] : memref<16x512x512xf32, #tpu.memory_space<vmem>>, vector<1x512x512xf32>
      %get3A_433 = vector.shape_cast %get3A_432 : vector<1x512x512xf32> to vector<512x512xf32>
      %sub3A_434 = vector.broadcast %convert_element_type3A_428 : f32 to vector<512x1xf32>
      %sub3A_435 = arith.subf %while3A_164#1, %sub3A_434 : vector<512x1xf32>
      %eq3A = vector.broadcast %sub3A_435 : vector<512x1xf32> to vector<512x512xf32>
      %eq3A_436 = arith.cmpf oeq, %convert_element_type3A_80, %eq3A : vector<512x512xf32>
      %jit3A_437 = arith.constant 0x7F800000 : f32
      %broadcast_in_dim3A_438 = vector.broadcast %jit3A_437 : f32 to vector<512x512xf32>
      %select_n3A_439 = arith.select %eq3A_436, %broadcast_in_dim3A_438, %get3A_433 : vector<512x512xi1>, vector<512x512xf32>
      %swap3A_440 = arith.index_cast %while3A_424 : i32 to index
      %swap3A_441 = arith.constant 0 : index
      %swap3A_442 = arith.constant 0 : index
      %swap3A_443 = vector.load %arg7[%swap3A_440, %swap3A_441, %swap3A_442] : memref<16x512x512xf32, #tpu.memory_space<vmem>>, vector<1x512x512xf32>
      %swap3A_444 = vector.shape_cast %swap3A_443 : vector<1x512x512xf32> to vector<512x512xf32>
      %swap3A_445 = vector.shape_cast %select_n3A_439 : vector<512x512xf32> to vector<1x512x512xf32>
      tpu.vector_store %arg7[%swap3A_440, %swap3A_441, %swap3A_442], %swap3A_445 {strides = array<i32>} : memref<16x512x512xf32, #tpu.memory_space<vmem>>, vector<1x512x512xf32>,
      %reduce_min3A_446 = arith.constant dense<0x7F800000> : vector<512xf32>
      %reduce_min3A_447 = vector.multi_reduction <minimumf>, %select_n3A_439, %reduce_min3A_446 [1] : vector<512x512xf32> to vector<512xf32>
      %broadcast_in_dim3A_448 = vector.shape_cast %reduce_min3A_447 : vector<512xf32> to vector<512x1xf32>
      %eq3A_449 = vector.broadcast %broadcast_in_dim3A_448 : vector<512x1xf32> to vector<512x512xf32>
      %eq3A_450 = arith.cmpf oeq, %select_n3A_439, %eq3A_449 : vector<512x512xf32>
      %jit3A_451 = arith.constant 0x4B800000 : f32
      %broadcast_in_dim3A_452 = vector.broadcast %jit3A_451 : f32 to vector<512x512xf32>
      %select_n3A_453 = arith.select %eq3A_450, %convert_element_type3A_80, %broadcast_in_dim3A_452 : vector<512x512xi1>, vector<512x512xf32>
      %reduce_min3A_454 = arith.constant dense<0x7F800000> : vector<512xf32>
      %reduce_min3A_455 = vector.multi_reduction <minimumf>, %select_n3A_453, %reduce_min3A_454 [1] : vector<512x512xf32> to vector<512xf32>
      %broadcast_in_dim3A_456 = vector.shape_cast %reduce_min3A_455 : vector<512xf32> to vector<512x1xf32>
      %add3A_457 = vector.broadcast %convert_element_type3A_428 : f32 to vector<512x1xf32>
      %add3A_458 = arith.addf %broadcast_in_dim3A_456, %add3A_457 : vector<512x1xf32>
      %lt3A_459 = arith.cmpf olt, %broadcast_in_dim3A_448, %while3A_425 : vector<512x1xf32>
      %select_n3A_460 = arith.select %lt3A_459, %broadcast_in_dim3A_448, %while3A_425 : vector<512x1xi1>, vector<512x1xf32>
      %select_n3A_461 = arith.select %lt3A_459, %add3A_458, %while3A_426 : vector<512x1xi1>, vector<512x1xf32>
      scf.yield %select_n3A_460, %select_n3A_461 : vector<512x1xf32>, vector<512x1xf32>
    }
    %while3A_184 = arith.constant 1 : i32
    %while3A_185:2 = scf.for %while3A_424 = %while3A_181 to %while3A_177 step %while3A_184 iter_args(%while3A_425 = %while3A_183#0, %while3A_426 = %while3A_183#1) -> (vector<512x1xf32>, vector<512x1xf32>)  : i32 {
      %mul3A = arith.constant 512 : i32
      %mul3A_427 = arith.muli %while3A_424, %mul3A : i32
      %convert_element_type3A_428 = arith.sitofp %mul3A_427 : i32 to f32
      %get3A_429 = arith.index_cast %while3A_424 : i32 to index
      %get3A_430 = arith.constant 0 : index
      %get3A_431 = arith.constant 0 : index
      %get3A_432 = vector.load %arg7[%get3A_429, %get3A_430, %get3A_431] : memref<16x512x512xf32, #tpu.memory_space<vmem>>, vector<1x512x512xf32>
      %get3A_433 = vector.shape_cast %get3A_432 : vector<1x512x512xf32> to vector<512x512xf32>
      %sub3A_434 = vector.broadcast %convert_element_type3A_428 : f32 to vector<512x1xf32>
      %sub3A_435 = arith.subf %while3A_164#1, %sub3A_434 : vector<512x1xf32>
      %eq3A = vector.broadcast %sub3A_435 : vector<512x1xf32> to vector<512x512xf32>
      %eq3A_436 = arith.cmpf oeq, %convert_element_type3A_80, %eq3A : vector<512x512xf32>
      %jit3A_437 = arith.constant 0x7F800000 : f32
      %broadcast_in_dim3A_438 = vector.broadcast %jit3A_437 : f32 to vector<512x512xf32>
      %select_n3A_439 = arith.select %eq3A_436, %broadcast_in_dim3A_438, %get3A_433 : vector<512x512xi1>, vector<512x512xf32>
      %swap3A_440 = arith.index_cast %while3A_424 : i32 to index
      %swap3A_441 = arith.constant 0 : index
      %swap3A_442 = arith.constant 0 : index
      %swap3A_443 = vector.load %arg7[%swap3A_440, %swap3A_441, %swap3A_442] : memref<16x512x512xf32, #tpu.memory_space<vmem>>, vector<1x512x512xf32>
      %swap3A_444 = vector.shape_cast %swap3A_443 : vector<1x512x512xf32> to vector<512x512xf32>
      %swap3A_445 = vector.shape_cast %select_n3A_439 : vector<512x512xf32> to vector<1x512x512xf32>
      tpu.vector_store %arg7[%swap3A_440, %swap3A_441, %swap3A_442], %swap3A_445 {strides = array<i32>} : memref<16x512x512xf32, #tpu.memory_space<vmem>>, vector<1x512x512xf32>,
      %reduce_min3A_446 = arith.constant dense<0x7F800000> : vector<512xf32>
      %reduce_min3A_447 = vector.multi_reduction <minimumf>, %select_n3A_439, %reduce_min3A_446 [1] : vector<512x512xf32> to vector<512xf32>
      %broadcast_in_dim3A_448 = vector.shape_cast %reduce_min3A_447 : vector<512xf32> to vector<512x1xf32>
      %eq3A_449 = vector.broadcast %broadcast_in_dim3A_448 : vector<512x1xf32> to vector<512x512xf32>
      %eq3A_450 = arith.cmpf oeq, %select_n3A_439, %eq3A_449 : vector<512x512xf32>
      %jit3A_451 = arith.constant 0x4B800000 : f32
      %broadcast_in_dim3A_452 = vector.broadcast %jit3A_451 : f32 to vector<512x512xf32>
      %select_n3A_453 = arith.select %eq3A_450, %convert_element_type3A_80, %broadcast_in_dim3A_452 : vector<512x512xi1>, vector<512x512xf32>
      %reduce_min3A_454 = arith.constant dense<0x7F800000> : vector<512xf32>
      %reduce_min3A_455 = vector.multi_reduction <minimumf>, %select_n3A_453, %reduce_min3A_454 [1] : vector<512x512xf32> to vector<512xf32>
      %broadcast_in_dim3A_456 = vector.shape_cast %reduce_min3A_455 : vector<512xf32> to vector<512x1xf32>
      %add3A_457 = vector.broadcast %convert_element_type3A_428 : f32 to vector<512x1xf32>
      %add3A_458 = arith.addf %broadcast_in_dim3A_456, %add3A_457 : vector<512x1xf32>
      %lt3A_459 = arith.cmpf olt, %broadcast_in_dim3A_448, %while3A_425 : vector<512x1xf32>
      %select_n3A_460 = arith.select %lt3A_459, %broadcast_in_dim3A_448, %while3A_425 : vector<512x1xi1>, vector<512x1xf32>
      %select_n3A_461 = arith.select %lt3A_459, %add3A_458, %while3A_426 : vector<512x1xi1>, vector<512x1xf32>
      scf.yield %select_n3A_460, %select_n3A_461 : vector<512x1xf32>, vector<512x1xf32>
    }
    %min3A_186 = arith.constant 8.191000e+03 : f32
    %min3A_187 = vector.broadcast %min3A_186 : f32 to vector<512x1xf32>
    %min3A_188 = arith.minimumf %while3A_185#1, %min3A_187 : vector<512x1xf32>
    %convert_element_type3A_189 = arith.fptosi %min3A_188 : vector<512x1xf32> to vector<512x1xi32>
    %swap3A_190 = arith.constant 0 : index
    %swap3A_191 = arith.constant 4 : index
    %swap3A_192 = vector.load %arg6[%swap3A_190, %swap3A_191] : memref<512x16xi32, #tpu.memory_space<vmem>>, vector<512x1xi32>
    tpu.vector_store %arg6[%swap3A_190, %swap3A_191], %convert_element_type3A_189 {strides = array<i32>} : memref<512x16xi32, #tpu.memory_space<vmem>>, vector<512x1xi32>,
    %broadcast_in_dim3A_193 = arith.constant 0x7F800000 : f32
    %broadcast_in_dim3A_194 = vector.broadcast %broadcast_in_dim3A_193 : f32 to vector<512x1xf32>
    %broadcast_in_dim3A_195 = arith.constant 0x4B800000 : f32
    %broadcast_in_dim3A_196 = vector.broadcast %broadcast_in_dim3A_195 : f32 to vector<512x1xf32>
    %while3A_197 = arith.subi %select_n3A_79, %select_n3A : i32
    %while3A_198 = arith.addi %select_n3A, %while3A_197 : i32
    %while3A_199 = arith.constant 1 : i32
    %while3A_200 = arith.divsi %while3A_197, %while3A_199 : i32
    %while3A_201 = arith.muli %while3A_200, %while3A_199 : i32
    %while3A_202 = arith.addi %select_n3A, %while3A_201 : i32
    %while3A_203 = arith.constant 1 : i32
    %while3A_204:2 = scf.for %while3A_424 = %select_n3A to %while3A_202 step %while3A_203 iter_args(%while3A_425 = %broadcast_in_dim3A_194, %while3A_426 = %broadcast_in_dim3A_196) -> (vector<512x1xf32>, vector<512x1xf32>)  : i32 {
      %mul3A = arith.constant 512 : i32
      %mul3A_427 = arith.muli %while3A_424, %mul3A : i32
      %convert_element_type3A_428 = arith.sitofp %mul3A_427 : i32 to f32
      %get3A_429 = arith.index_cast %while3A_424 : i32 to index
      %get3A_430 = arith.constant 0 : index
      %get3A_431 = arith.constant 0 : index
      %get3A_432 = vector.load %arg7[%get3A_429, %get3A_430, %get3A_431] : memref<16x512x512xf32, #tpu.memory_space<vmem>>, vector<1x512x512xf32>
      %get3A_433 = vector.shape_cast %get3A_432 : vector<1x512x512xf32> to vector<512x512xf32>
      %sub3A_434 = vector.broadcast %convert_element_type3A_428 : f32 to vector<512x1xf32>
      %sub3A_435 = arith.subf %while3A_185#1, %sub3A_434 : vector<512x1xf32>
      %eq3A = vector.broadcast %sub3A_435 : vector<512x1xf32> to vector<512x512xf32>
      %eq3A_436 = arith.cmpf oeq, %convert_element_type3A_80, %eq3A : vector<512x512xf32>
      %jit3A_437 = arith.constant 0x7F800000 : f32
      %broadcast_in_dim3A_438 = vector.broadcast %jit3A_437 : f32 to vector<512x512xf32>
      %select_n3A_439 = arith.select %eq3A_436, %broadcast_in_dim3A_438, %get3A_433 : vector<512x512xi1>, vector<512x512xf32>
      %swap3A_440 = arith.index_cast %while3A_424 : i32 to index
      %swap3A_441 = arith.constant 0 : index
      %swap3A_442 = arith.constant 0 : index
      %swap3A_443 = vector.load %arg7[%swap3A_440, %swap3A_441, %swap3A_442] : memref<16x512x512xf32, #tpu.memory_space<vmem>>, vector<1x512x512xf32>
      %swap3A_444 = vector.shape_cast %swap3A_443 : vector<1x512x512xf32> to vector<512x512xf32>
      %swap3A_445 = vector.shape_cast %select_n3A_439 : vector<512x512xf32> to vector<1x512x512xf32>
      tpu.vector_store %arg7[%swap3A_440, %swap3A_441, %swap3A_442], %swap3A_445 {strides = array<i32>} : memref<16x512x512xf32, #tpu.memory_space<vmem>>, vector<1x512x512xf32>,
      %reduce_min3A_446 = arith.constant dense<0x7F800000> : vector<512xf32>
      %reduce_min3A_447 = vector.multi_reduction <minimumf>, %select_n3A_439, %reduce_min3A_446 [1] : vector<512x512xf32> to vector<512xf32>
      %broadcast_in_dim3A_448 = vector.shape_cast %reduce_min3A_447 : vector<512xf32> to vector<512x1xf32>
      %eq3A_449 = vector.broadcast %broadcast_in_dim3A_448 : vector<512x1xf32> to vector<512x512xf32>
      %eq3A_450 = arith.cmpf oeq, %select_n3A_439, %eq3A_449 : vector<512x512xf32>
      %jit3A_451 = arith.constant 0x4B800000 : f32
      %broadcast_in_dim3A_452 = vector.broadcast %jit3A_451 : f32 to vector<512x512xf32>
      %select_n3A_453 = arith.select %eq3A_450, %convert_element_type3A_80, %broadcast_in_dim3A_452 : vector<512x512xi1>, vector<512x512xf32>
      %reduce_min3A_454 = arith.constant dense<0x7F800000> : vector<512xf32>
      %reduce_min3A_455 = vector.multi_reduction <minimumf>, %select_n3A_453, %reduce_min3A_454 [1] : vector<512x512xf32> to vector<512xf32>
      %broadcast_in_dim3A_456 = vector.shape_cast %reduce_min3A_455 : vector<512xf32> to vector<512x1xf32>
      %add3A_457 = vector.broadcast %convert_element_type3A_428 : f32 to vector<512x1xf32>
      %add3A_458 = arith.addf %broadcast_in_dim3A_456, %add3A_457 : vector<512x1xf32>
      %lt3A_459 = arith.cmpf olt, %broadcast_in_dim3A_448, %while3A_425 : vector<512x1xf32>
      %select_n3A_460 = arith.select %lt3A_459, %broadcast_in_dim3A_448, %while3A_425 : vector<512x1xi1>, vector<512x1xf32>
      %select_n3A_461 = arith.select %lt3A_459, %add3A_458, %while3A_426 : vector<512x1xi1>, vector<512x1xf32>
      scf.yield %select_n3A_460, %select_n3A_461 : vector<512x1xf32>, vector<512x1xf32>
    }
    %while3A_205 = arith.constant 1 : i32
    %while3A_206:2 = scf.for %while3A_424 = %while3A_202 to %while3A_198 step %while3A_205 iter_args(%while3A_425 = %while3A_204#0, %while3A_426 = %while3A_204#1) -> (vector<512x1xf32>, vector<512x1xf32>)  : i32 {
      %mul3A = arith.constant 512 : i32
      %mul3A_427 = arith.muli %while3A_424, %mul3A : i32
      %convert_element_type3A_428 = arith.sitofp %mul3A_427 : i32 to f32
      %get3A_429 = arith.index_cast %while3A_424 : i32 to index
      %get3A_430 = arith.constant 0 : index
      %get3A_431 = arith.constant 0 : index
      %get3A_432 = vector.load %arg7[%get3A_429, %get3A_430, %get3A_431] : memref<16x512x512xf32, #tpu.memory_space<vmem>>, vector<1x512x512xf32>
      %get3A_433 = vector.shape_cast %get3A_432 : vector<1x512x512xf32> to vector<512x512xf32>
      %sub3A_434 = vector.broadcast %convert_element_type3A_428 : f32 to vector<512x1xf32>
      %sub3A_435 = arith.subf %while3A_185#1, %sub3A_434 : vector<512x1xf32>
      %eq3A = vector.broadcast %sub3A_435 : vector<512x1xf32> to vector<512x512xf32>
      %eq3A_436 = arith.cmpf oeq, %convert_element_type3A_80, %eq3A : vector<512x512xf32>
      %jit3A_437 = arith.constant 0x7F800000 : f32
      %broadcast_in_dim3A_438 = vector.broadcast %jit3A_437 : f32 to vector<512x512xf32>
      %select_n3A_439 = arith.select %eq3A_436, %broadcast_in_dim3A_438, %get3A_433 : vector<512x512xi1>, vector<512x512xf32>
      %swap3A_440 = arith.index_cast %while3A_424 : i32 to index
      %swap3A_441 = arith.constant 0 : index
      %swap3A_442 = arith.constant 0 : index
      %swap3A_443 = vector.load %arg7[%swap3A_440, %swap3A_441, %swap3A_442] : memref<16x512x512xf32, #tpu.memory_space<vmem>>, vector<1x512x512xf32>
      %swap3A_444 = vector.shape_cast %swap3A_443 : vector<1x512x512xf32> to vector<512x512xf32>
      %swap3A_445 = vector.shape_cast %select_n3A_439 : vector<512x512xf32> to vector<1x512x512xf32>
      tpu.vector_store %arg7[%swap3A_440, %swap3A_441, %swap3A_442], %swap3A_445 {strides = array<i32>} : memref<16x512x512xf32, #tpu.memory_space<vmem>>, vector<1x512x512xf32>,
      %reduce_min3A_446 = arith.constant dense<0x7F800000> : vector<512xf32>
      %reduce_min3A_447 = vector.multi_reduction <minimumf>, %select_n3A_439, %reduce_min3A_446 [1] : vector<512x512xf32> to vector<512xf32>
      %broadcast_in_dim3A_448 = vector.shape_cast %reduce_min3A_447 : vector<512xf32> to vector<512x1xf32>
      %eq3A_449 = vector.broadcast %broadcast_in_dim3A_448 : vector<512x1xf32> to vector<512x512xf32>
      %eq3A_450 = arith.cmpf oeq, %select_n3A_439, %eq3A_449 : vector<512x512xf32>
      %jit3A_451 = arith.constant 0x4B800000 : f32
      %broadcast_in_dim3A_452 = vector.broadcast %jit3A_451 : f32 to vector<512x512xf32>
      %select_n3A_453 = arith.select %eq3A_450, %convert_element_type3A_80, %broadcast_in_dim3A_452 : vector<512x512xi1>, vector<512x512xf32>
      %reduce_min3A_454 = arith.constant dense<0x7F800000> : vector<512xf32>
      %reduce_min3A_455 = vector.multi_reduction <minimumf>, %select_n3A_453, %reduce_min3A_454 [1] : vector<512x512xf32> to vector<512xf32>
      %broadcast_in_dim3A_456 = vector.shape_cast %reduce_min3A_455 : vector<512xf32> to vector<512x1xf32>
      %add3A_457 = vector.broadcast %convert_element_type3A_428 : f32 to vector<512x1xf32>
      %add3A_458 = arith.addf %broadcast_in_dim3A_456, %add3A_457 : vector<512x1xf32>
      %lt3A_459 = arith.cmpf olt, %broadcast_in_dim3A_448, %while3A_425 : vector<512x1xf32>
      %select_n3A_460 = arith.select %lt3A_459, %broadcast_in_dim3A_448, %while3A_425 : vector<512x1xi1>, vector<512x1xf32>
      %select_n3A_461 = arith.select %lt3A_459, %add3A_458, %while3A_426 : vector<512x1xi1>, vector<512x1xf32>
      scf.yield %select_n3A_460, %select_n3A_461 : vector<512x1xf32>, vector<512x1xf32>
    }
    %min3A_207 = arith.constant 8.191000e+03 : f32
    %min3A_208 = vector.broadcast %min3A_207 : f32 to vector<512x1xf32>
    %min3A_209 = arith.minimumf %while3A_206#1, %min3A_208 : vector<512x1xf32>
    %convert_element_type3A_210 = arith.fptosi %min3A_209 : vector<512x1xf32> to vector<512x1xi32>
    %swap3A_211 = arith.constant 0 : index
    %swap3A_212 = arith.constant 5 : index
    %swap3A_213 = vector.load %arg6[%swap3A_211, %swap3A_212] : memref<512x16xi32, #tpu.memory_space<vmem>>, vector<512x1xi32>
    tpu.vector_store %arg6[%swap3A_211, %swap3A_212], %convert_element_type3A_210 {strides = array<i32>} : memref<512x16xi32, #tpu.memory_space<vmem>>, vector<512x1xi32>,
    %broadcast_in_dim3A_214 = arith.constant 0x7F800000 : f32
    %broadcast_in_dim3A_215 = vector.broadcast %broadcast_in_dim3A_214 : f32 to vector<512x1xf32>
    %broadcast_in_dim3A_216 = arith.constant 0x4B800000 : f32
    %broadcast_in_dim3A_217 = vector.broadcast %broadcast_in_dim3A_216 : f32 to vector<512x1xf32>
    %while3A_218 = arith.subi %select_n3A_79, %select_n3A : i32
    %while3A_219 = arith.addi %select_n3A, %while3A_218 : i32
    %while3A_220 = arith.constant 1 : i32
    %while3A_221 = arith.divsi %while3A_218, %while3A_220 : i32
    %while3A_222 = arith.muli %while3A_221, %while3A_220 : i32
    %while3A_223 = arith.addi %select_n3A, %while3A_222 : i32
    %while3A_224 = arith.constant 1 : i32
    %while3A_225:2 = scf.for %while3A_424 = %select_n3A to %while3A_223 step %while3A_224 iter_args(%while3A_425 = %broadcast_in_dim3A_215, %while3A_426 = %broadcast_in_dim3A_217) -> (vector<512x1xf32>, vector<512x1xf32>)  : i32 {
      %mul3A = arith.constant 512 : i32
      %mul3A_427 = arith.muli %while3A_424, %mul3A : i32
      %convert_element_type3A_428 = arith.sitofp %mul3A_427 : i32 to f32
      %get3A_429 = arith.index_cast %while3A_424 : i32 to index
      %get3A_430 = arith.constant 0 : index
      %get3A_431 = arith.constant 0 : index
      %get3A_432 = vector.load %arg7[%get3A_429, %get3A_430, %get3A_431] : memref<16x512x512xf32, #tpu.memory_space<vmem>>, vector<1x512x512xf32>
      %get3A_433 = vector.shape_cast %get3A_432 : vector<1x512x512xf32> to vector<512x512xf32>
      %sub3A_434 = vector.broadcast %convert_element_type3A_428 : f32 to vector<512x1xf32>
      %sub3A_435 = arith.subf %while3A_206#1, %sub3A_434 : vector<512x1xf32>
      %eq3A = vector.broadcast %sub3A_435 : vector<512x1xf32> to vector<512x512xf32>
      %eq3A_436 = arith.cmpf oeq, %convert_element_type3A_80, %eq3A : vector<512x512xf32>
      %jit3A_437 = arith.constant 0x7F800000 : f32
      %broadcast_in_dim3A_438 = vector.broadcast %jit3A_437 : f32 to vector<512x512xf32>
      %select_n3A_439 = arith.select %eq3A_436, %broadcast_in_dim3A_438, %get3A_433 : vector<512x512xi1>, vector<512x512xf32>
      %swap3A_440 = arith.index_cast %while3A_424 : i32 to index
      %swap3A_441 = arith.constant 0 : index
      %swap3A_442 = arith.constant 0 : index
      %swap3A_443 = vector.load %arg7[%swap3A_440, %swap3A_441, %swap3A_442] : memref<16x512x512xf32, #tpu.memory_space<vmem>>, vector<1x512x512xf32>
      %swap3A_444 = vector.shape_cast %swap3A_443 : vector<1x512x512xf32> to vector<512x512xf32>
      %swap3A_445 = vector.shape_cast %select_n3A_439 : vector<512x512xf32> to vector<1x512x512xf32>
      tpu.vector_store %arg7[%swap3A_440, %swap3A_441, %swap3A_442], %swap3A_445 {strides = array<i32>} : memref<16x512x512xf32, #tpu.memory_space<vmem>>, vector<1x512x512xf32>,
      %reduce_min3A_446 = arith.constant dense<0x7F800000> : vector<512xf32>
      %reduce_min3A_447 = vector.multi_reduction <minimumf>, %select_n3A_439, %reduce_min3A_446 [1] : vector<512x512xf32> to vector<512xf32>
      %broadcast_in_dim3A_448 = vector.shape_cast %reduce_min3A_447 : vector<512xf32> to vector<512x1xf32>
      %eq3A_449 = vector.broadcast %broadcast_in_dim3A_448 : vector<512x1xf32> to vector<512x512xf32>
      %eq3A_450 = arith.cmpf oeq, %select_n3A_439, %eq3A_449 : vector<512x512xf32>
      %jit3A_451 = arith.constant 0x4B800000 : f32
      %broadcast_in_dim3A_452 = vector.broadcast %jit3A_451 : f32 to vector<512x512xf32>
      %select_n3A_453 = arith.select %eq3A_450, %convert_element_type3A_80, %broadcast_in_dim3A_452 : vector<512x512xi1>, vector<512x512xf32>
      %reduce_min3A_454 = arith.constant dense<0x7F800000> : vector<512xf32>
      %reduce_min3A_455 = vector.multi_reduction <minimumf>, %select_n3A_453, %reduce_min3A_454 [1] : vector<512x512xf32> to vector<512xf32>
      %broadcast_in_dim3A_456 = vector.shape_cast %reduce_min3A_455 : vector<512xf32> to vector<512x1xf32>
      %add3A_457 = vector.broadcast %convert_element_type3A_428 : f32 to vector<512x1xf32>
      %add3A_458 = arith.addf %broadcast_in_dim3A_456, %add3A_457 : vector<512x1xf32>
      %lt3A_459 = arith.cmpf olt, %broadcast_in_dim3A_448, %while3A_425 : vector<512x1xf32>
      %select_n3A_460 = arith.select %lt3A_459, %broadcast_in_dim3A_448, %while3A_425 : vector<512x1xi1>, vector<512x1xf32>
      %select_n3A_461 = arith.select %lt3A_459, %add3A_458, %while3A_426 : vector<512x1xi1>, vector<512x1xf32>
      scf.yield %select_n3A_460, %select_n3A_461 : vector<512x1xf32>, vector<512x1xf32>
    }
    %while3A_226 = arith.constant 1 : i32
    %while3A_227:2 = scf.for %while3A_424 = %while3A_223 to %while3A_219 step %while3A_226 iter_args(%while3A_425 = %while3A_225#0, %while3A_426 = %while3A_225#1) -> (vector<512x1xf32>, vector<512x1xf32>)  : i32 {
      %mul3A = arith.constant 512 : i32
      %mul3A_427 = arith.muli %while3A_424, %mul3A : i32
      %convert_element_type3A_428 = arith.sitofp %mul3A_427 : i32 to f32
      %get3A_429 = arith.index_cast %while3A_424 : i32 to index
      %get3A_430 = arith.constant 0 : index
      %get3A_431 = arith.constant 0 : index
      %get3A_432 = vector.load %arg7[%get3A_429, %get3A_430, %get3A_431] : memref<16x512x512xf32, #tpu.memory_space<vmem>>, vector<1x512x512xf32>
      %get3A_433 = vector.shape_cast %get3A_432 : vector<1x512x512xf32> to vector<512x512xf32>
      %sub3A_434 = vector.broadcast %convert_element_type3A_428 : f32 to vector<512x1xf32>
      %sub3A_435 = arith.subf %while3A_206#1, %sub3A_434 : vector<512x1xf32>
      %eq3A = vector.broadcast %sub3A_435 : vector<512x1xf32> to vector<512x512xf32>
      %eq3A_436 = arith.cmpf oeq, %convert_element_type3A_80, %eq3A : vector<512x512xf32>
      %jit3A_437 = arith.constant 0x7F800000 : f32
      %broadcast_in_dim3A_438 = vector.broadcast %jit3A_437 : f32 to vector<512x512xf32>
      %select_n3A_439 = arith.select %eq3A_436, %broadcast_in_dim3A_438, %get3A_433 : vector<512x512xi1>, vector<512x512xf32>
      %swap3A_440 = arith.index_cast %while3A_424 : i32 to index
      %swap3A_441 = arith.constant 0 : index
      %swap3A_442 = arith.constant 0 : index
      %swap3A_443 = vector.load %arg7[%swap3A_440, %swap3A_441, %swap3A_442] : memref<16x512x512xf32, #tpu.memory_space<vmem>>, vector<1x512x512xf32>
      %swap3A_444 = vector.shape_cast %swap3A_443 : vector<1x512x512xf32> to vector<512x512xf32>
      %swap3A_445 = vector.shape_cast %select_n3A_439 : vector<512x512xf32> to vector<1x512x512xf32>
      tpu.vector_store %arg7[%swap3A_440, %swap3A_441, %swap3A_442], %swap3A_445 {strides = array<i32>} : memref<16x512x512xf32, #tpu.memory_space<vmem>>, vector<1x512x512xf32>,
      %reduce_min3A_446 = arith.constant dense<0x7F800000> : vector<512xf32>
      %reduce_min3A_447 = vector.multi_reduction <minimumf>, %select_n3A_439, %reduce_min3A_446 [1] : vector<512x512xf32> to vector<512xf32>
      %broadcast_in_dim3A_448 = vector.shape_cast %reduce_min3A_447 : vector<512xf32> to vector<512x1xf32>
      %eq3A_449 = vector.broadcast %broadcast_in_dim3A_448 : vector<512x1xf32> to vector<512x512xf32>
      %eq3A_450 = arith.cmpf oeq, %select_n3A_439, %eq3A_449 : vector<512x512xf32>
      %jit3A_451 = arith.constant 0x4B800000 : f32
      %broadcast_in_dim3A_452 = vector.broadcast %jit3A_451 : f32 to vector<512x512xf32>
      %select_n3A_453 = arith.select %eq3A_450, %convert_element_type3A_80, %broadcast_in_dim3A_452 : vector<512x512xi1>, vector<512x512xf32>
      %reduce_min3A_454 = arith.constant dense<0x7F800000> : vector<512xf32>
      %reduce_min3A_455 = vector.multi_reduction <minimumf>, %select_n3A_453, %reduce_min3A_454 [1] : vector<512x512xf32> to vector<512xf32>
      %broadcast_in_dim3A_456 = vector.shape_cast %reduce_min3A_455 : vector<512xf32> to vector<512x1xf32>
      %add3A_457 = vector.broadcast %convert_element_type3A_428 : f32 to vector<512x1xf32>
      %add3A_458 = arith.addf %broadcast_in_dim3A_456, %add3A_457 : vector<512x1xf32>
      %lt3A_459 = arith.cmpf olt, %broadcast_in_dim3A_448, %while3A_425 : vector<512x1xf32>
      %select_n3A_460 = arith.select %lt3A_459, %broadcast_in_dim3A_448, %while3A_425 : vector<512x1xi1>, vector<512x1xf32>
      %select_n3A_461 = arith.select %lt3A_459, %add3A_458, %while3A_426 : vector<512x1xi1>, vector<512x1xf32>
      scf.yield %select_n3A_460, %select_n3A_461 : vector<512x1xf32>, vector<512x1xf32>
    }
    %min3A_228 = arith.constant 8.191000e+03 : f32
    %min3A_229 = vector.broadcast %min3A_228 : f32 to vector<512x1xf32>
    %min3A_230 = arith.minimumf %while3A_227#1, %min3A_229 : vector<512x1xf32>
    %convert_element_type3A_231 = arith.fptosi %min3A_230 : vector<512x1xf32> to vector<512x1xi32>
    %swap3A_232 = arith.constant 0 : index
    %swap3A_233 = arith.constant 6 : index
    %swap3A_234 = vector.load %arg6[%swap3A_232, %swap3A_233] : memref<512x16xi32, #tpu.memory_space<vmem>>, vector<512x1xi32>
    tpu.vector_store %arg6[%swap3A_232, %swap3A_233], %convert_element_type3A_231 {strides = array<i32>} : memref<512x16xi32, #tpu.memory_space<vmem>>, vector<512x1xi32>,
    %broadcast_in_dim3A_235 = arith.constant 0x7F800000 : f32
    %broadcast_in_dim3A_236 = vector.broadcast %broadcast_in_dim3A_235 : f32 to vector<512x1xf32>
    %broadcast_in_dim3A_237 = arith.constant 0x4B800000 : f32
    %broadcast_in_dim3A_238 = vector.broadcast %broadcast_in_dim3A_237 : f32 to vector<512x1xf32>
    %while3A_239 = arith.subi %select_n3A_79, %select_n3A : i32
    %while3A_240 = arith.addi %select_n3A, %while3A_239 : i32
    %while3A_241 = arith.constant 1 : i32
    %while3A_242 = arith.divsi %while3A_239, %while3A_241 : i32
    %while3A_243 = arith.muli %while3A_242, %while3A_241 : i32
    %while3A_244 = arith.addi %select_n3A, %while3A_243 : i32
    %while3A_245 = arith.constant 1 : i32
    %while3A_246:2 = scf.for %while3A_424 = %select_n3A to %while3A_244 step %while3A_245 iter_args(%while3A_425 = %broadcast_in_dim3A_236, %while3A_426 = %broadcast_in_dim3A_238) -> (vector<512x1xf32>, vector<512x1xf32>)  : i32 {
      %mul3A = arith.constant 512 : i32
      %mul3A_427 = arith.muli %while3A_424, %mul3A : i32
      %convert_element_type3A_428 = arith.sitofp %mul3A_427 : i32 to f32
      %get3A_429 = arith.index_cast %while3A_424 : i32 to index
      %get3A_430 = arith.constant 0 : index
      %get3A_431 = arith.constant 0 : index
      %get3A_432 = vector.load %arg7[%get3A_429, %get3A_430, %get3A_431] : memref<16x512x512xf32, #tpu.memory_space<vmem>>, vector<1x512x512xf32>
      %get3A_433 = vector.shape_cast %get3A_432 : vector<1x512x512xf32> to vector<512x512xf32>
      %sub3A_434 = vector.broadcast %convert_element_type3A_428 : f32 to vector<512x1xf32>
      %sub3A_435 = arith.subf %while3A_227#1, %sub3A_434 : vector<512x1xf32>
      %eq3A = vector.broadcast %sub3A_435 : vector<512x1xf32> to vector<512x512xf32>
      %eq3A_436 = arith.cmpf oeq, %convert_element_type3A_80, %eq3A : vector<512x512xf32>
      %jit3A_437 = arith.constant 0x7F800000 : f32
      %broadcast_in_dim3A_438 = vector.broadcast %jit3A_437 : f32 to vector<512x512xf32>
      %select_n3A_439 = arith.select %eq3A_436, %broadcast_in_dim3A_438, %get3A_433 : vector<512x512xi1>, vector<512x512xf32>
      %swap3A_440 = arith.index_cast %while3A_424 : i32 to index
      %swap3A_441 = arith.constant 0 : index
      %swap3A_442 = arith.constant 0 : index
      %swap3A_443 = vector.load %arg7[%swap3A_440, %swap3A_441, %swap3A_442] : memref<16x512x512xf32, #tpu.memory_space<vmem>>, vector<1x512x512xf32>
      %swap3A_444 = vector.shape_cast %swap3A_443 : vector<1x512x512xf32> to vector<512x512xf32>
      %swap3A_445 = vector.shape_cast %select_n3A_439 : vector<512x512xf32> to vector<1x512x512xf32>
      tpu.vector_store %arg7[%swap3A_440, %swap3A_441, %swap3A_442], %swap3A_445 {strides = array<i32>} : memref<16x512x512xf32, #tpu.memory_space<vmem>>, vector<1x512x512xf32>,
      %reduce_min3A_446 = arith.constant dense<0x7F800000> : vector<512xf32>
      %reduce_min3A_447 = vector.multi_reduction <minimumf>, %select_n3A_439, %reduce_min3A_446 [1] : vector<512x512xf32> to vector<512xf32>
      %broadcast_in_dim3A_448 = vector.shape_cast %reduce_min3A_447 : vector<512xf32> to vector<512x1xf32>
      %eq3A_449 = vector.broadcast %broadcast_in_dim3A_448 : vector<512x1xf32> to vector<512x512xf32>
      %eq3A_450 = arith.cmpf oeq, %select_n3A_439, %eq3A_449 : vector<512x512xf32>
      %jit3A_451 = arith.constant 0x4B800000 : f32
      %broadcast_in_dim3A_452 = vector.broadcast %jit3A_451 : f32 to vector<512x512xf32>
      %select_n3A_453 = arith.select %eq3A_450, %convert_element_type3A_80, %broadcast_in_dim3A_452 : vector<512x512xi1>, vector<512x512xf32>
      %reduce_min3A_454 = arith.constant dense<0x7F800000> : vector<512xf32>
      %reduce_min3A_455 = vector.multi_reduction <minimumf>, %select_n3A_453, %reduce_min3A_454 [1] : vector<512x512xf32> to vector<512xf32>
      %broadcast_in_dim3A_456 = vector.shape_cast %reduce_min3A_455 : vector<512xf32> to vector<512x1xf32>
      %add3A_457 = vector.broadcast %convert_element_type3A_428 : f32 to vector<512x1xf32>
      %add3A_458 = arith.addf %broadcast_in_dim3A_456, %add3A_457 : vector<512x1xf32>
      %lt3A_459 = arith.cmpf olt, %broadcast_in_dim3A_448, %while3A_425 : vector<512x1xf32>
      %select_n3A_460 = arith.select %lt3A_459, %broadcast_in_dim3A_448, %while3A_425 : vector<512x1xi1>, vector<512x1xf32>
      %select_n3A_461 = arith.select %lt3A_459, %add3A_458, %while3A_426 : vector<512x1xi1>, vector<512x1xf32>
      scf.yield %select_n3A_460, %select_n3A_461 : vector<512x1xf32>, vector<512x1xf32>
    }
    %while3A_247 = arith.constant 1 : i32
    %while3A_248:2 = scf.for %while3A_424 = %while3A_244 to %while3A_240 step %while3A_247 iter_args(%while3A_425 = %while3A_246#0, %while3A_426 = %while3A_246#1) -> (vector<512x1xf32>, vector<512x1xf32>)  : i32 {
      %mul3A = arith.constant 512 : i32
      %mul3A_427 = arith.muli %while3A_424, %mul3A : i32
      %convert_element_type3A_428 = arith.sitofp %mul3A_427 : i32 to f32
      %get3A_429 = arith.index_cast %while3A_424 : i32 to index
      %get3A_430 = arith.constant 0 : index
      %get3A_431 = arith.constant 0 : index
      %get3A_432 = vector.load %arg7[%get3A_429, %get3A_430, %get3A_431] : memref<16x512x512xf32, #tpu.memory_space<vmem>>, vector<1x512x512xf32>
      %get3A_433 = vector.shape_cast %get3A_432 : vector<1x512x512xf32> to vector<512x512xf32>
      %sub3A_434 = vector.broadcast %convert_element_type3A_428 : f32 to vector<512x1xf32>
      %sub3A_435 = arith.subf %while3A_227#1, %sub3A_434 : vector<512x1xf32>
      %eq3A = vector.broadcast %sub3A_435 : vector<512x1xf32> to vector<512x512xf32>
      %eq3A_436 = arith.cmpf oeq, %convert_element_type3A_80, %eq3A : vector<512x512xf32>
      %jit3A_437 = arith.constant 0x7F800000 : f32
      %broadcast_in_dim3A_438 = vector.broadcast %jit3A_437 : f32 to vector<512x512xf32>
      %select_n3A_439 = arith.select %eq3A_436, %broadcast_in_dim3A_438, %get3A_433 : vector<512x512xi1>, vector<512x512xf32>
      %swap3A_440 = arith.index_cast %while3A_424 : i32 to index
      %swap3A_441 = arith.constant 0 : index
      %swap3A_442 = arith.constant 0 : index
      %swap3A_443 = vector.load %arg7[%swap3A_440, %swap3A_441, %swap3A_442] : memref<16x512x512xf32, #tpu.memory_space<vmem>>, vector<1x512x512xf32>
      %swap3A_444 = vector.shape_cast %swap3A_443 : vector<1x512x512xf32> to vector<512x512xf32>
      %swap3A_445 = vector.shape_cast %select_n3A_439 : vector<512x512xf32> to vector<1x512x512xf32>
      tpu.vector_store %arg7[%swap3A_440, %swap3A_441, %swap3A_442], %swap3A_445 {strides = array<i32>} : memref<16x512x512xf32, #tpu.memory_space<vmem>>, vector<1x512x512xf32>,
      %reduce_min3A_446 = arith.constant dense<0x7F800000> : vector<512xf32>
      %reduce_min3A_447 = vector.multi_reduction <minimumf>, %select_n3A_439, %reduce_min3A_446 [1] : vector<512x512xf32> to vector<512xf32>
      %broadcast_in_dim3A_448 = vector.shape_cast %reduce_min3A_447 : vector<512xf32> to vector<512x1xf32>
      %eq3A_449 = vector.broadcast %broadcast_in_dim3A_448 : vector<512x1xf32> to vector<512x512xf32>
      %eq3A_450 = arith.cmpf oeq, %select_n3A_439, %eq3A_449 : vector<512x512xf32>
      %jit3A_451 = arith.constant 0x4B800000 : f32
      %broadcast_in_dim3A_452 = vector.broadcast %jit3A_451 : f32 to vector<512x512xf32>
      %select_n3A_453 = arith.select %eq3A_450, %convert_element_type3A_80, %broadcast_in_dim3A_452 : vector<512x512xi1>, vector<512x512xf32>
      %reduce_min3A_454 = arith.constant dense<0x7F800000> : vector<512xf32>
      %reduce_min3A_455 = vector.multi_reduction <minimumf>, %select_n3A_453, %reduce_min3A_454 [1] : vector<512x512xf32> to vector<512xf32>
      %broadcast_in_dim3A_456 = vector.shape_cast %reduce_min3A_455 : vector<512xf32> to vector<512x1xf32>
      %add3A_457 = vector.broadcast %convert_element_type3A_428 : f32 to vector<512x1xf32>
      %add3A_458 = arith.addf %broadcast_in_dim3A_456, %add3A_457 : vector<512x1xf32>
      %lt3A_459 = arith.cmpf olt, %broadcast_in_dim3A_448, %while3A_425 : vector<512x1xf32>
      %select_n3A_460 = arith.select %lt3A_459, %broadcast_in_dim3A_448, %while3A_425 : vector<512x1xi1>, vector<512x1xf32>
      %select_n3A_461 = arith.select %lt3A_459, %add3A_458, %while3A_426 : vector<512x1xi1>, vector<512x1xf32>
      scf.yield %select_n3A_460, %select_n3A_461 : vector<512x1xf32>, vector<512x1xf32>
    }
    %min3A_249 = arith.constant 8.191000e+03 : f32
    %min3A_250 = vector.broadcast %min3A_249 : f32 to vector<512x1xf32>
    %min3A_251 = arith.minimumf %while3A_248#1, %min3A_250 : vector<512x1xf32>
    %convert_element_type3A_252 = arith.fptosi %min3A_251 : vector<512x1xf32> to vector<512x1xi32>
    %swap3A_253 = arith.constant 0 : index
    %swap3A_254 = arith.constant 7 : index
    %swap3A_255 = vector.load %arg6[%swap3A_253, %swap3A_254] : memref<512x16xi32, #tpu.memory_space<vmem>>, vector<512x1xi32>
    tpu.vector_store %arg6[%swap3A_253, %swap3A_254], %convert_element_type3A_252 {strides = array<i32>} : memref<512x16xi32, #tpu.memory_space<vmem>>, vector<512x1xi32>,
    %broadcast_in_dim3A_256 = arith.constant 0x7F800000 : f32
    %broadcast_in_dim3A_257 = vector.broadcast %broadcast_in_dim3A_256 : f32 to vector<512x1xf32>
    %broadcast_in_dim3A_258 = arith.constant 0x4B800000 : f32
    %broadcast_in_dim3A_259 = vector.broadcast %broadcast_in_dim3A_258 : f32 to vector<512x1xf32>
    %while3A_260 = arith.subi %select_n3A_79, %select_n3A : i32
    %while3A_261 = arith.addi %select_n3A, %while3A_260 : i32
    %while3A_262 = arith.constant 1 : i32
    %while3A_263 = arith.divsi %while3A_260, %while3A_262 : i32
    %while3A_264 = arith.muli %while3A_263, %while3A_262 : i32
    %while3A_265 = arith.addi %select_n3A, %while3A_264 : i32
    %while3A_266 = arith.constant 1 : i32
    %while3A_267:2 = scf.for %while3A_424 = %select_n3A to %while3A_265 step %while3A_266 iter_args(%while3A_425 = %broadcast_in_dim3A_257, %while3A_426 = %broadcast_in_dim3A_259) -> (vector<512x1xf32>, vector<512x1xf32>)  : i32 {
      %mul3A = arith.constant 512 : i32
      %mul3A_427 = arith.muli %while3A_424, %mul3A : i32
      %convert_element_type3A_428 = arith.sitofp %mul3A_427 : i32 to f32
      %get3A_429 = arith.index_cast %while3A_424 : i32 to index
      %get3A_430 = arith.constant 0 : index
      %get3A_431 = arith.constant 0 : index
      %get3A_432 = vector.load %arg7[%get3A_429, %get3A_430, %get3A_431] : memref<16x512x512xf32, #tpu.memory_space<vmem>>, vector<1x512x512xf32>
      %get3A_433 = vector.shape_cast %get3A_432 : vector<1x512x512xf32> to vector<512x512xf32>
      %sub3A_434 = vector.broadcast %convert_element_type3A_428 : f32 to vector<512x1xf32>
      %sub3A_435 = arith.subf %while3A_248#1, %sub3A_434 : vector<512x1xf32>
      %eq3A = vector.broadcast %sub3A_435 : vector<512x1xf32> to vector<512x512xf32>
      %eq3A_436 = arith.cmpf oeq, %convert_element_type3A_80, %eq3A : vector<512x512xf32>
      %jit3A_437 = arith.constant 0x7F800000 : f32
      %broadcast_in_dim3A_438 = vector.broadcast %jit3A_437 : f32 to vector<512x512xf32>
      %select_n3A_439 = arith.select %eq3A_436, %broadcast_in_dim3A_438, %get3A_433 : vector<512x512xi1>, vector<512x512xf32>
      %swap3A_440 = arith.index_cast %while3A_424 : i32 to index
      %swap3A_441 = arith.constant 0 : index
      %swap3A_442 = arith.constant 0 : index
      %swap3A_443 = vector.load %arg7[%swap3A_440, %swap3A_441, %swap3A_442] : memref<16x512x512xf32, #tpu.memory_space<vmem>>, vector<1x512x512xf32>
      %swap3A_444 = vector.shape_cast %swap3A_443 : vector<1x512x512xf32> to vector<512x512xf32>
      %swap3A_445 = vector.shape_cast %select_n3A_439 : vector<512x512xf32> to vector<1x512x512xf32>
      tpu.vector_store %arg7[%swap3A_440, %swap3A_441, %swap3A_442], %swap3A_445 {strides = array<i32>} : memref<16x512x512xf32, #tpu.memory_space<vmem>>, vector<1x512x512xf32>,
      %reduce_min3A_446 = arith.constant dense<0x7F800000> : vector<512xf32>
      %reduce_min3A_447 = vector.multi_reduction <minimumf>, %select_n3A_439, %reduce_min3A_446 [1] : vector<512x512xf32> to vector<512xf32>
      %broadcast_in_dim3A_448 = vector.shape_cast %reduce_min3A_447 : vector<512xf32> to vector<512x1xf32>
      %eq3A_449 = vector.broadcast %broadcast_in_dim3A_448 : vector<512x1xf32> to vector<512x512xf32>
      %eq3A_450 = arith.cmpf oeq, %select_n3A_439, %eq3A_449 : vector<512x512xf32>
      %jit3A_451 = arith.constant 0x4B800000 : f32
      %broadcast_in_dim3A_452 = vector.broadcast %jit3A_451 : f32 to vector<512x512xf32>
      %select_n3A_453 = arith.select %eq3A_450, %convert_element_type3A_80, %broadcast_in_dim3A_452 : vector<512x512xi1>, vector<512x512xf32>
      %reduce_min3A_454 = arith.constant dense<0x7F800000> : vector<512xf32>
      %reduce_min3A_455 = vector.multi_reduction <minimumf>, %select_n3A_453, %reduce_min3A_454 [1] : vector<512x512xf32> to vector<512xf32>
      %broadcast_in_dim3A_456 = vector.shape_cast %reduce_min3A_455 : vector<512xf32> to vector<512x1xf32>
      %add3A_457 = vector.broadcast %convert_element_type3A_428 : f32 to vector<512x1xf32>
      %add3A_458 = arith.addf %broadcast_in_dim3A_456, %add3A_457 : vector<512x1xf32>
      %lt3A_459 = arith.cmpf olt, %broadcast_in_dim3A_448, %while3A_425 : vector<512x1xf32>
      %select_n3A_460 = arith.select %lt3A_459, %broadcast_in_dim3A_448, %while3A_425 : vector<512x1xi1>, vector<512x1xf32>
      %select_n3A_461 = arith.select %lt3A_459, %add3A_458, %while3A_426 : vector<512x1xi1>, vector<512x1xf32>
      scf.yield %select_n3A_460, %select_n3A_461 : vector<512x1xf32>, vector<512x1xf32>
    }
    %while3A_268 = arith.constant 1 : i32
    %while3A_269:2 = scf.for %while3A_424 = %while3A_265 to %while3A_261 step %while3A_268 iter_args(%while3A_425 = %while3A_267#0, %while3A_426 = %while3A_267#1) -> (vector<512x1xf32>, vector<512x1xf32>)  : i32 {
      %mul3A = arith.constant 512 : i32
      %mul3A_427 = arith.muli %while3A_424, %mul3A : i32
      %convert_element_type3A_428 = arith.sitofp %mul3A_427 : i32 to f32
      %get3A_429 = arith.index_cast %while3A_424 : i32 to index
      %get3A_430 = arith.constant 0 : index
      %get3A_431 = arith.constant 0 : index
      %get3A_432 = vector.load %arg7[%get3A_429, %get3A_430, %get3A_431] : memref<16x512x512xf32, #tpu.memory_space<vmem>>, vector<1x512x512xf32>
      %get3A_433 = vector.shape_cast %get3A_432 : vector<1x512x512xf32> to vector<512x512xf32>
      %sub3A_434 = vector.broadcast %convert_element_type3A_428 : f32 to vector<512x1xf32>
      %sub3A_435 = arith.subf %while3A_248#1, %sub3A_434 : vector<512x1xf32>
      %eq3A = vector.broadcast %sub3A_435 : vector<512x1xf32> to vector<512x512xf32>
      %eq3A_436 = arith.cmpf oeq, %convert_element_type3A_80, %eq3A : vector<512x512xf32>
      %jit3A_437 = arith.constant 0x7F800000 : f32
      %broadcast_in_dim3A_438 = vector.broadcast %jit3A_437 : f32 to vector<512x512xf32>
      %select_n3A_439 = arith.select %eq3A_436, %broadcast_in_dim3A_438, %get3A_433 : vector<512x512xi1>, vector<512x512xf32>
      %swap3A_440 = arith.index_cast %while3A_424 : i32 to index
      %swap3A_441 = arith.constant 0 : index
      %swap3A_442 = arith.constant 0 : index
      %swap3A_443 = vector.load %arg7[%swap3A_440, %swap3A_441, %swap3A_442] : memref<16x512x512xf32, #tpu.memory_space<vmem>>, vector<1x512x512xf32>
      %swap3A_444 = vector.shape_cast %swap3A_443 : vector<1x512x512xf32> to vector<512x512xf32>
      %swap3A_445 = vector.shape_cast %select_n3A_439 : vector<512x512xf32> to vector<1x512x512xf32>
      tpu.vector_store %arg7[%swap3A_440, %swap3A_441, %swap3A_442], %swap3A_445 {strides = array<i32>} : memref<16x512x512xf32, #tpu.memory_space<vmem>>, vector<1x512x512xf32>,
      %reduce_min3A_446 = arith.constant dense<0x7F800000> : vector<512xf32>
      %reduce_min3A_447 = vector.multi_reduction <minimumf>, %select_n3A_439, %reduce_min3A_446 [1] : vector<512x512xf32> to vector<512xf32>
      %broadcast_in_dim3A_448 = vector.shape_cast %reduce_min3A_447 : vector<512xf32> to vector<512x1xf32>
      %eq3A_449 = vector.broadcast %broadcast_in_dim3A_448 : vector<512x1xf32> to vector<512x512xf32>
      %eq3A_450 = arith.cmpf oeq, %select_n3A_439, %eq3A_449 : vector<512x512xf32>
      %jit3A_451 = arith.constant 0x4B800000 : f32
      %broadcast_in_dim3A_452 = vector.broadcast %jit3A_451 : f32 to vector<512x512xf32>
      %select_n3A_453 = arith.select %eq3A_450, %convert_element_type3A_80, %broadcast_in_dim3A_452 : vector<512x512xi1>, vector<512x512xf32>
      %reduce_min3A_454 = arith.constant dense<0x7F800000> : vector<512xf32>
      %reduce_min3A_455 = vector.multi_reduction <minimumf>, %select_n3A_453, %reduce_min3A_454 [1] : vector<512x512xf32> to vector<512xf32>
      %broadcast_in_dim3A_456 = vector.shape_cast %reduce_min3A_455 : vector<512xf32> to vector<512x1xf32>
      %add3A_457 = vector.broadcast %convert_element_type3A_428 : f32 to vector<512x1xf32>
      %add3A_458 = arith.addf %broadcast_in_dim3A_456, %add3A_457 : vector<512x1xf32>
      %lt3A_459 = arith.cmpf olt, %broadcast_in_dim3A_448, %while3A_425 : vector<512x1xf32>
      %select_n3A_460 = arith.select %lt3A_459, %broadcast_in_dim3A_448, %while3A_425 : vector<512x1xi1>, vector<512x1xf32>
      %select_n3A_461 = arith.select %lt3A_459, %add3A_458, %while3A_426 : vector<512x1xi1>, vector<512x1xf32>
      scf.yield %select_n3A_460, %select_n3A_461 : vector<512x1xf32>, vector<512x1xf32>
    }
    %min3A_270 = arith.constant 8.191000e+03 : f32
    %min3A_271 = vector.broadcast %min3A_270 : f32 to vector<512x1xf32>
    %min3A_272 = arith.minimumf %while3A_269#1, %min3A_271 : vector<512x1xf32>
    %convert_element_type3A_273 = arith.fptosi %min3A_272 : vector<512x1xf32> to vector<512x1xi32>
    %swap3A_274 = arith.constant 0 : index
    %swap3A_275 = arith.constant 8 : index
    %swap3A_276 = vector.load %arg6[%swap3A_274, %swap3A_275] : memref<512x16xi32, #tpu.memory_space<vmem>>, vector<512x1xi32>
    tpu.vector_store %arg6[%swap3A_274, %swap3A_275], %convert_element_type3A_273 {strides = array<i32>} : memref<512x16xi32, #tpu.memory_space<vmem>>, vector<512x1xi32>,
    %broadcast_in_dim3A_277 = arith.constant 0x7F800000 : f32
    %broadcast_in_dim3A_278 = vector.broadcast %broadcast_in_dim3A_277 : f32 to vector<512x1xf32>
    %broadcast_in_dim3A_279 = arith.constant 0x4B800000 : f32
    %broadcast_in_dim3A_280 = vector.broadcast %broadcast_in_dim3A_279 : f32 to vector<512x1xf32>
    %while3A_281 = arith.subi %select_n3A_79, %select_n3A : i32
    %while3A_282 = arith.addi %select_n3A, %while3A_281 : i32
    %while3A_283 = arith.constant 1 : i32
    %while3A_284 = arith.divsi %while3A_281, %while3A_283 : i32
    %while3A_285 = arith.muli %while3A_284, %while3A_283 : i32
    %while3A_286 = arith.addi %select_n3A, %while3A_285 : i32
    %while3A_287 = arith.constant 1 : i32
    %while3A_288:2 = scf.for %while3A_424 = %select_n3A to %while3A_286 step %while3A_287 iter_args(%while3A_425 = %broadcast_in_dim3A_278, %while3A_426 = %broadcast_in_dim3A_280) -> (vector<512x1xf32>, vector<512x1xf32>)  : i32 {
      %mul3A = arith.constant 512 : i32
      %mul3A_427 = arith.muli %while3A_424, %mul3A : i32
      %convert_element_type3A_428 = arith.sitofp %mul3A_427 : i32 to f32
      %get3A_429 = arith.index_cast %while3A_424 : i32 to index
      %get3A_430 = arith.constant 0 : index
      %get3A_431 = arith.constant 0 : index
      %get3A_432 = vector.load %arg7[%get3A_429, %get3A_430, %get3A_431] : memref<16x512x512xf32, #tpu.memory_space<vmem>>, vector<1x512x512xf32>
      %get3A_433 = vector.shape_cast %get3A_432 : vector<1x512x512xf32> to vector<512x512xf32>
      %sub3A_434 = vector.broadcast %convert_element_type3A_428 : f32 to vector<512x1xf32>
      %sub3A_435 = arith.subf %while3A_269#1, %sub3A_434 : vector<512x1xf32>
      %eq3A = vector.broadcast %sub3A_435 : vector<512x1xf32> to vector<512x512xf32>
      %eq3A_436 = arith.cmpf oeq, %convert_element_type3A_80, %eq3A : vector<512x512xf32>
      %jit3A_437 = arith.constant 0x7F800000 : f32
      %broadcast_in_dim3A_438 = vector.broadcast %jit3A_437 : f32 to vector<512x512xf32>
      %select_n3A_439 = arith.select %eq3A_436, %broadcast_in_dim3A_438, %get3A_433 : vector<512x512xi1>, vector<512x512xf32>
      %swap3A_440 = arith.index_cast %while3A_424 : i32 to index
      %swap3A_441 = arith.constant 0 : index
      %swap3A_442 = arith.constant 0 : index
      %swap3A_443 = vector.load %arg7[%swap3A_440, %swap3A_441, %swap3A_442] : memref<16x512x512xf32, #tpu.memory_space<vmem>>, vector<1x512x512xf32>
      %swap3A_444 = vector.shape_cast %swap3A_443 : vector<1x512x512xf32> to vector<512x512xf32>
      %swap3A_445 = vector.shape_cast %select_n3A_439 : vector<512x512xf32> to vector<1x512x512xf32>
      tpu.vector_store %arg7[%swap3A_440, %swap3A_441, %swap3A_442], %swap3A_445 {strides = array<i32>} : memref<16x512x512xf32, #tpu.memory_space<vmem>>, vector<1x512x512xf32>,
      %reduce_min3A_446 = arith.constant dense<0x7F800000> : vector<512xf32>
      %reduce_min3A_447 = vector.multi_reduction <minimumf>, %select_n3A_439, %reduce_min3A_446 [1] : vector<512x512xf32> to vector<512xf32>
      %broadcast_in_dim3A_448 = vector.shape_cast %reduce_min3A_447 : vector<512xf32> to vector<512x1xf32>
      %eq3A_449 = vector.broadcast %broadcast_in_dim3A_448 : vector<512x1xf32> to vector<512x512xf32>
      %eq3A_450 = arith.cmpf oeq, %select_n3A_439, %eq3A_449 : vector<512x512xf32>
      %jit3A_451 = arith.constant 0x4B800000 : f32
      %broadcast_in_dim3A_452 = vector.broadcast %jit3A_451 : f32 to vector<512x512xf32>
      %select_n3A_453 = arith.select %eq3A_450, %convert_element_type3A_80, %broadcast_in_dim3A_452 : vector<512x512xi1>, vector<512x512xf32>
      %reduce_min3A_454 = arith.constant dense<0x7F800000> : vector<512xf32>
      %reduce_min3A_455 = vector.multi_reduction <minimumf>, %select_n3A_453, %reduce_min3A_454 [1] : vector<512x512xf32> to vector<512xf32>
      %broadcast_in_dim3A_456 = vector.shape_cast %reduce_min3A_455 : vector<512xf32> to vector<512x1xf32>
      %add3A_457 = vector.broadcast %convert_element_type3A_428 : f32 to vector<512x1xf32>
      %add3A_458 = arith.addf %broadcast_in_dim3A_456, %add3A_457 : vector<512x1xf32>
      %lt3A_459 = arith.cmpf olt, %broadcast_in_dim3A_448, %while3A_425 : vector<512x1xf32>
      %select_n3A_460 = arith.select %lt3A_459, %broadcast_in_dim3A_448, %while3A_425 : vector<512x1xi1>, vector<512x1xf32>
      %select_n3A_461 = arith.select %lt3A_459, %add3A_458, %while3A_426 : vector<512x1xi1>, vector<512x1xf32>
      scf.yield %select_n3A_460, %select_n3A_461 : vector<512x1xf32>, vector<512x1xf32>
    }
    %while3A_289 = arith.constant 1 : i32
    %while3A_290:2 = scf.for %while3A_424 = %while3A_286 to %while3A_282 step %while3A_289 iter_args(%while3A_425 = %while3A_288#0, %while3A_426 = %while3A_288#1) -> (vector<512x1xf32>, vector<512x1xf32>)  : i32 {
      %mul3A = arith.constant 512 : i32
      %mul3A_427 = arith.muli %while3A_424, %mul3A : i32
      %convert_element_type3A_428 = arith.sitofp %mul3A_427 : i32 to f32
      %get3A_429 = arith.index_cast %while3A_424 : i32 to index
      %get3A_430 = arith.constant 0 : index
      %get3A_431 = arith.constant 0 : index
      %get3A_432 = vector.load %arg7[%get3A_429, %get3A_430, %get3A_431] : memref<16x512x512xf32, #tpu.memory_space<vmem>>, vector<1x512x512xf32>
      %get3A_433 = vector.shape_cast %get3A_432 : vector<1x512x512xf32> to vector<512x512xf32>
      %sub3A_434 = vector.broadcast %convert_element_type3A_428 : f32 to vector<512x1xf32>
      %sub3A_435 = arith.subf %while3A_269#1, %sub3A_434 : vector<512x1xf32>
      %eq3A = vector.broadcast %sub3A_435 : vector<512x1xf32> to vector<512x512xf32>
      %eq3A_436 = arith.cmpf oeq, %convert_element_type3A_80, %eq3A : vector<512x512xf32>
      %jit3A_437 = arith.constant 0x7F800000 : f32
      %broadcast_in_dim3A_438 = vector.broadcast %jit3A_437 : f32 to vector<512x512xf32>
      %select_n3A_439 = arith.select %eq3A_436, %broadcast_in_dim3A_438, %get3A_433 : vector<512x512xi1>, vector<512x512xf32>
      %swap3A_440 = arith.index_cast %while3A_424 : i32 to index
      %swap3A_441 = arith.constant 0 : index
      %swap3A_442 = arith.constant 0 : index
      %swap3A_443 = vector.load %arg7[%swap3A_440, %swap3A_441, %swap3A_442] : memref<16x512x512xf32, #tpu.memory_space<vmem>>, vector<1x512x512xf32>
      %swap3A_444 = vector.shape_cast %swap3A_443 : vector<1x512x512xf32> to vector<512x512xf32>
      %swap3A_445 = vector.shape_cast %select_n3A_439 : vector<512x512xf32> to vector<1x512x512xf32>
      tpu.vector_store %arg7[%swap3A_440, %swap3A_441, %swap3A_442], %swap3A_445 {strides = array<i32>} : memref<16x512x512xf32, #tpu.memory_space<vmem>>, vector<1x512x512xf32>,
      %reduce_min3A_446 = arith.constant dense<0x7F800000> : vector<512xf32>
      %reduce_min3A_447 = vector.multi_reduction <minimumf>, %select_n3A_439, %reduce_min3A_446 [1] : vector<512x512xf32> to vector<512xf32>
      %broadcast_in_dim3A_448 = vector.shape_cast %reduce_min3A_447 : vector<512xf32> to vector<512x1xf32>
      %eq3A_449 = vector.broadcast %broadcast_in_dim3A_448 : vector<512x1xf32> to vector<512x512xf32>
      %eq3A_450 = arith.cmpf oeq, %select_n3A_439, %eq3A_449 : vector<512x512xf32>
      %jit3A_451 = arith.constant 0x4B800000 : f32
      %broadcast_in_dim3A_452 = vector.broadcast %jit3A_451 : f32 to vector<512x512xf32>
      %select_n3A_453 = arith.select %eq3A_450, %convert_element_type3A_80, %broadcast_in_dim3A_452 : vector<512x512xi1>, vector<512x512xf32>
      %reduce_min3A_454 = arith.constant dense<0x7F800000> : vector<512xf32>
      %reduce_min3A_455 = vector.multi_reduction <minimumf>, %select_n3A_453, %reduce_min3A_454 [1] : vector<512x512xf32> to vector<512xf32>
      %broadcast_in_dim3A_456 = vector.shape_cast %reduce_min3A_455 : vector<512xf32> to vector<512x1xf32>
      %add3A_457 = vector.broadcast %convert_element_type3A_428 : f32 to vector<512x1xf32>
      %add3A_458 = arith.addf %broadcast_in_dim3A_456, %add3A_457 : vector<512x1xf32>
      %lt3A_459 = arith.cmpf olt, %broadcast_in_dim3A_448, %while3A_425 : vector<512x1xf32>
      %select_n3A_460 = arith.select %lt3A_459, %broadcast_in_dim3A_448, %while3A_425 : vector<512x1xi1>, vector<512x1xf32>
      %select_n3A_461 = arith.select %lt3A_459, %add3A_458, %while3A_426 : vector<512x1xi1>, vector<512x1xf32>
      scf.yield %select_n3A_460, %select_n3A_461 : vector<512x1xf32>, vector<512x1xf32>
    }
    %min3A_291 = arith.constant 8.191000e+03 : f32
    %min3A_292 = vector.broadcast %min3A_291 : f32 to vector<512x1xf32>
    %min3A_293 = arith.minimumf %while3A_290#1, %min3A_292 : vector<512x1xf32>
    %convert_element_type3A_294 = arith.fptosi %min3A_293 : vector<512x1xf32> to vector<512x1xi32>
    %swap3A_295 = arith.constant 0 : index
    %swap3A_296 = arith.constant 9 : index
    %swap3A_297 = vector.load %arg6[%swap3A_295, %swap3A_296] : memref<512x16xi32, #tpu.memory_space<vmem>>, vector<512x1xi32>
    tpu.vector_store %arg6[%swap3A_295, %swap3A_296], %convert_element_type3A_294 {strides = array<i32>} : memref<512x16xi32, #tpu.memory_space<vmem>>, vector<512x1xi32>,
    %broadcast_in_dim3A_298 = arith.constant 0x7F800000 : f32
    %broadcast_in_dim3A_299 = vector.broadcast %broadcast_in_dim3A_298 : f32 to vector<512x1xf32>
    %broadcast_in_dim3A_300 = arith.constant 0x4B800000 : f32
    %broadcast_in_dim3A_301 = vector.broadcast %broadcast_in_dim3A_300 : f32 to vector<512x1xf32>
    %while3A_302 = arith.subi %select_n3A_79, %select_n3A : i32
    %while3A_303 = arith.addi %select_n3A, %while3A_302 : i32
    %while3A_304 = arith.constant 1 : i32
    %while3A_305 = arith.divsi %while3A_302, %while3A_304 : i32
    %while3A_306 = arith.muli %while3A_305, %while3A_304 : i32
    %while3A_307 = arith.addi %select_n3A, %while3A_306 : i32
    %while3A_308 = arith.constant 1 : i32
    %while3A_309:2 = scf.for %while3A_424 = %select_n3A to %while3A_307 step %while3A_308 iter_args(%while3A_425 = %broadcast_in_dim3A_299, %while3A_426 = %broadcast_in_dim3A_301) -> (vector<512x1xf32>, vector<512x1xf32>)  : i32 {
      %mul3A = arith.constant 512 : i32
      %mul3A_427 = arith.muli %while3A_424, %mul3A : i32
      %convert_element_type3A_428 = arith.sitofp %mul3A_427 : i32 to f32
      %get3A_429 = arith.index_cast %while3A_424 : i32 to index
      %get3A_430 = arith.constant 0 : index
      %get3A_431 = arith.constant 0 : index
      %get3A_432 = vector.load %arg7[%get3A_429, %get3A_430, %get3A_431] : memref<16x512x512xf32, #tpu.memory_space<vmem>>, vector<1x512x512xf32>
      %get3A_433 = vector.shape_cast %get3A_432 : vector<1x512x512xf32> to vector<512x512xf32>
      %sub3A_434 = vector.broadcast %convert_element_type3A_428 : f32 to vector<512x1xf32>
      %sub3A_435 = arith.subf %while3A_290#1, %sub3A_434 : vector<512x1xf32>
      %eq3A = vector.broadcast %sub3A_435 : vector<512x1xf32> to vector<512x512xf32>
      %eq3A_436 = arith.cmpf oeq, %convert_element_type3A_80, %eq3A : vector<512x512xf32>
      %jit3A_437 = arith.constant 0x7F800000 : f32
      %broadcast_in_dim3A_438 = vector.broadcast %jit3A_437 : f32 to vector<512x512xf32>
      %select_n3A_439 = arith.select %eq3A_436, %broadcast_in_dim3A_438, %get3A_433 : vector<512x512xi1>, vector<512x512xf32>
      %swap3A_440 = arith.index_cast %while3A_424 : i32 to index
      %swap3A_441 = arith.constant 0 : index
      %swap3A_442 = arith.constant 0 : index
      %swap3A_443 = vector.load %arg7[%swap3A_440, %swap3A_441, %swap3A_442] : memref<16x512x512xf32, #tpu.memory_space<vmem>>, vector<1x512x512xf32>
      %swap3A_444 = vector.shape_cast %swap3A_443 : vector<1x512x512xf32> to vector<512x512xf32>
      %swap3A_445 = vector.shape_cast %select_n3A_439 : vector<512x512xf32> to vector<1x512x512xf32>
      tpu.vector_store %arg7[%swap3A_440, %swap3A_441, %swap3A_442], %swap3A_445 {strides = array<i32>} : memref<16x512x512xf32, #tpu.memory_space<vmem>>, vector<1x512x512xf32>,
      %reduce_min3A_446 = arith.constant dense<0x7F800000> : vector<512xf32>
      %reduce_min3A_447 = vector.multi_reduction <minimumf>, %select_n3A_439, %reduce_min3A_446 [1] : vector<512x512xf32> to vector<512xf32>
      %broadcast_in_dim3A_448 = vector.shape_cast %reduce_min3A_447 : vector<512xf32> to vector<512x1xf32>
      %eq3A_449 = vector.broadcast %broadcast_in_dim3A_448 : vector<512x1xf32> to vector<512x512xf32>
      %eq3A_450 = arith.cmpf oeq, %select_n3A_439, %eq3A_449 : vector<512x512xf32>
      %jit3A_451 = arith.constant 0x4B800000 : f32
      %broadcast_in_dim3A_452 = vector.broadcast %jit3A_451 : f32 to vector<512x512xf32>
      %select_n3A_453 = arith.select %eq3A_450, %convert_element_type3A_80, %broadcast_in_dim3A_452 : vector<512x512xi1>, vector<512x512xf32>
      %reduce_min3A_454 = arith.constant dense<0x7F800000> : vector<512xf32>
      %reduce_min3A_455 = vector.multi_reduction <minimumf>, %select_n3A_453, %reduce_min3A_454 [1] : vector<512x512xf32> to vector<512xf32>
      %broadcast_in_dim3A_456 = vector.shape_cast %reduce_min3A_455 : vector<512xf32> to vector<512x1xf32>
      %add3A_457 = vector.broadcast %convert_element_type3A_428 : f32 to vector<512x1xf32>
      %add3A_458 = arith.addf %broadcast_in_dim3A_456, %add3A_457 : vector<512x1xf32>
      %lt3A_459 = arith.cmpf olt, %broadcast_in_dim3A_448, %while3A_425 : vector<512x1xf32>
      %select_n3A_460 = arith.select %lt3A_459, %broadcast_in_dim3A_448, %while3A_425 : vector<512x1xi1>, vector<512x1xf32>
      %select_n3A_461 = arith.select %lt3A_459, %add3A_458, %while3A_426 : vector<512x1xi1>, vector<512x1xf32>
      scf.yield %select_n3A_460, %select_n3A_461 : vector<512x1xf32>, vector<512x1xf32>
    }
    %while3A_310 = arith.constant 1 : i32
    %while3A_311:2 = scf.for %while3A_424 = %while3A_307 to %while3A_303 step %while3A_310 iter_args(%while3A_425 = %while3A_309#0, %while3A_426 = %while3A_309#1) -> (vector<512x1xf32>, vector<512x1xf32>)  : i32 {
      %mul3A = arith.constant 512 : i32
      %mul3A_427 = arith.muli %while3A_424, %mul3A : i32
      %convert_element_type3A_428 = arith.sitofp %mul3A_427 : i32 to f32
      %get3A_429 = arith.index_cast %while3A_424 : i32 to index
      %get3A_430 = arith.constant 0 : index
      %get3A_431 = arith.constant 0 : index
      %get3A_432 = vector.load %arg7[%get3A_429, %get3A_430, %get3A_431] : memref<16x512x512xf32, #tpu.memory_space<vmem>>, vector<1x512x512xf32>
      %get3A_433 = vector.shape_cast %get3A_432 : vector<1x512x512xf32> to vector<512x512xf32>
      %sub3A_434 = vector.broadcast %convert_element_type3A_428 : f32 to vector<512x1xf32>
      %sub3A_435 = arith.subf %while3A_290#1, %sub3A_434 : vector<512x1xf32>
      %eq3A = vector.broadcast %sub3A_435 : vector<512x1xf32> to vector<512x512xf32>
      %eq3A_436 = arith.cmpf oeq, %convert_element_type3A_80, %eq3A : vector<512x512xf32>
      %jit3A_437 = arith.constant 0x7F800000 : f32
      %broadcast_in_dim3A_438 = vector.broadcast %jit3A_437 : f32 to vector<512x512xf32>
      %select_n3A_439 = arith.select %eq3A_436, %broadcast_in_dim3A_438, %get3A_433 : vector<512x512xi1>, vector<512x512xf32>
      %swap3A_440 = arith.index_cast %while3A_424 : i32 to index
      %swap3A_441 = arith.constant 0 : index
      %swap3A_442 = arith.constant 0 : index
      %swap3A_443 = vector.load %arg7[%swap3A_440, %swap3A_441, %swap3A_442] : memref<16x512x512xf32, #tpu.memory_space<vmem>>, vector<1x512x512xf32>
      %swap3A_444 = vector.shape_cast %swap3A_443 : vector<1x512x512xf32> to vector<512x512xf32>
      %swap3A_445 = vector.shape_cast %select_n3A_439 : vector<512x512xf32> to vector<1x512x512xf32>
      tpu.vector_store %arg7[%swap3A_440, %swap3A_441, %swap3A_442], %swap3A_445 {strides = array<i32>} : memref<16x512x512xf32, #tpu.memory_space<vmem>>, vector<1x512x512xf32>,
      %reduce_min3A_446 = arith.constant dense<0x7F800000> : vector<512xf32>
      %reduce_min3A_447 = vector.multi_reduction <minimumf>, %select_n3A_439, %reduce_min3A_446 [1] : vector<512x512xf32> to vector<512xf32>
      %broadcast_in_dim3A_448 = vector.shape_cast %reduce_min3A_447 : vector<512xf32> to vector<512x1xf32>
      %eq3A_449 = vector.broadcast %broadcast_in_dim3A_448 : vector<512x1xf32> to vector<512x512xf32>
      %eq3A_450 = arith.cmpf oeq, %select_n3A_439, %eq3A_449 : vector<512x512xf32>
      %jit3A_451 = arith.constant 0x4B800000 : f32
      %broadcast_in_dim3A_452 = vector.broadcast %jit3A_451 : f32 to vector<512x512xf32>
      %select_n3A_453 = arith.select %eq3A_450, %convert_element_type3A_80, %broadcast_in_dim3A_452 : vector<512x512xi1>, vector<512x512xf32>
      %reduce_min3A_454 = arith.constant dense<0x7F800000> : vector<512xf32>
      %reduce_min3A_455 = vector.multi_reduction <minimumf>, %select_n3A_453, %reduce_min3A_454 [1] : vector<512x512xf32> to vector<512xf32>
      %broadcast_in_dim3A_456 = vector.shape_cast %reduce_min3A_455 : vector<512xf32> to vector<512x1xf32>
      %add3A_457 = vector.broadcast %convert_element_type3A_428 : f32 to vector<512x1xf32>
      %add3A_458 = arith.addf %broadcast_in_dim3A_456, %add3A_457 : vector<512x1xf32>
      %lt3A_459 = arith.cmpf olt, %broadcast_in_dim3A_448, %while3A_425 : vector<512x1xf32>
      %select_n3A_460 = arith.select %lt3A_459, %broadcast_in_dim3A_448, %while3A_425 : vector<512x1xi1>, vector<512x1xf32>
      %select_n3A_461 = arith.select %lt3A_459, %add3A_458, %while3A_426 : vector<512x1xi1>, vector<512x1xf32>
      scf.yield %select_n3A_460, %select_n3A_461 : vector<512x1xf32>, vector<512x1xf32>
    }
    %min3A_312 = arith.constant 8.191000e+03 : f32
    %min3A_313 = vector.broadcast %min3A_312 : f32 to vector<512x1xf32>
    %min3A_314 = arith.minimumf %while3A_311#1, %min3A_313 : vector<512x1xf32>
    %convert_element_type3A_315 = arith.fptosi %min3A_314 : vector<512x1xf32> to vector<512x1xi32>
    %swap3A_316 = arith.constant 0 : index
    %swap3A_317 = arith.constant 10 : index
    %swap3A_318 = vector.load %arg6[%swap3A_316, %swap3A_317] : memref<512x16xi32, #tpu.memory_space<vmem>>, vector<512x1xi32>
    tpu.vector_store %arg6[%swap3A_316, %swap3A_317], %convert_element_type3A_315 {strides = array<i32>} : memref<512x16xi32, #tpu.memory_space<vmem>>, vector<512x1xi32>,
    %broadcast_in_dim3A_319 = arith.constant 0x7F800000 : f32
    %broadcast_in_dim3A_320 = vector.broadcast %broadcast_in_dim3A_319 : f32 to vector<512x1xf32>
    %broadcast_in_dim3A_321 = arith.constant 0x4B800000 : f32
    %broadcast_in_dim3A_322 = vector.broadcast %broadcast_in_dim3A_321 : f32 to vector<512x1xf32>
    %while3A_323 = arith.subi %select_n3A_79, %select_n3A : i32
    %while3A_324 = arith.addi %select_n3A, %while3A_323 : i32
    %while3A_325 = arith.constant 1 : i32
    %while3A_326 = arith.divsi %while3A_323, %while3A_325 : i32
    %while3A_327 = arith.muli %while3A_326, %while3A_325 : i32
    %while3A_328 = arith.addi %select_n3A, %while3A_327 : i32
    %while3A_329 = arith.constant 1 : i32
    %while3A_330:2 = scf.for %while3A_424 = %select_n3A to %while3A_328 step %while3A_329 iter_args(%while3A_425 = %broadcast_in_dim3A_320, %while3A_426 = %broadcast_in_dim3A_322) -> (vector<512x1xf32>, vector<512x1xf32>)  : i32 {
      %mul3A = arith.constant 512 : i32
      %mul3A_427 = arith.muli %while3A_424, %mul3A : i32
      %convert_element_type3A_428 = arith.sitofp %mul3A_427 : i32 to f32
      %get3A_429 = arith.index_cast %while3A_424 : i32 to index
      %get3A_430 = arith.constant 0 : index
      %get3A_431 = arith.constant 0 : index
      %get3A_432 = vector.load %arg7[%get3A_429, %get3A_430, %get3A_431] : memref<16x512x512xf32, #tpu.memory_space<vmem>>, vector<1x512x512xf32>
      %get3A_433 = vector.shape_cast %get3A_432 : vector<1x512x512xf32> to vector<512x512xf32>
      %sub3A_434 = vector.broadcast %convert_element_type3A_428 : f32 to vector<512x1xf32>
      %sub3A_435 = arith.subf %while3A_311#1, %sub3A_434 : vector<512x1xf32>
      %eq3A = vector.broadcast %sub3A_435 : vector<512x1xf32> to vector<512x512xf32>
      %eq3A_436 = arith.cmpf oeq, %convert_element_type3A_80, %eq3A : vector<512x512xf32>
      %jit3A_437 = arith.constant 0x7F800000 : f32
      %broadcast_in_dim3A_438 = vector.broadcast %jit3A_437 : f32 to vector<512x512xf32>
      %select_n3A_439 = arith.select %eq3A_436, %broadcast_in_dim3A_438, %get3A_433 : vector<512x512xi1>, vector<512x512xf32>
      %swap3A_440 = arith.index_cast %while3A_424 : i32 to index
      %swap3A_441 = arith.constant 0 : index
      %swap3A_442 = arith.constant 0 : index
      %swap3A_443 = vector.load %arg7[%swap3A_440, %swap3A_441, %swap3A_442] : memref<16x512x512xf32, #tpu.memory_space<vmem>>, vector<1x512x512xf32>
      %swap3A_444 = vector.shape_cast %swap3A_443 : vector<1x512x512xf32> to vector<512x512xf32>
      %swap3A_445 = vector.shape_cast %select_n3A_439 : vector<512x512xf32> to vector<1x512x512xf32>
      tpu.vector_store %arg7[%swap3A_440, %swap3A_441, %swap3A_442], %swap3A_445 {strides = array<i32>} : memref<16x512x512xf32, #tpu.memory_space<vmem>>, vector<1x512x512xf32>,
      %reduce_min3A_446 = arith.constant dense<0x7F800000> : vector<512xf32>
      %reduce_min3A_447 = vector.multi_reduction <minimumf>, %select_n3A_439, %reduce_min3A_446 [1] : vector<512x512xf32> to vector<512xf32>
      %broadcast_in_dim3A_448 = vector.shape_cast %reduce_min3A_447 : vector<512xf32> to vector<512x1xf32>
      %eq3A_449 = vector.broadcast %broadcast_in_dim3A_448 : vector<512x1xf32> to vector<512x512xf32>
      %eq3A_450 = arith.cmpf oeq, %select_n3A_439, %eq3A_449 : vector<512x512xf32>
      %jit3A_451 = arith.constant 0x4B800000 : f32
      %broadcast_in_dim3A_452 = vector.broadcast %jit3A_451 : f32 to vector<512x512xf32>
      %select_n3A_453 = arith.select %eq3A_450, %convert_element_type3A_80, %broadcast_in_dim3A_452 : vector<512x512xi1>, vector<512x512xf32>
      %reduce_min3A_454 = arith.constant dense<0x7F800000> : vector<512xf32>
      %reduce_min3A_455 = vector.multi_reduction <minimumf>, %select_n3A_453, %reduce_min3A_454 [1] : vector<512x512xf32> to vector<512xf32>
      %broadcast_in_dim3A_456 = vector.shape_cast %reduce_min3A_455 : vector<512xf32> to vector<512x1xf32>
      %add3A_457 = vector.broadcast %convert_element_type3A_428 : f32 to vector<512x1xf32>
      %add3A_458 = arith.addf %broadcast_in_dim3A_456, %add3A_457 : vector<512x1xf32>
      %lt3A_459 = arith.cmpf olt, %broadcast_in_dim3A_448, %while3A_425 : vector<512x1xf32>
      %select_n3A_460 = arith.select %lt3A_459, %broadcast_in_dim3A_448, %while3A_425 : vector<512x1xi1>, vector<512x1xf32>
      %select_n3A_461 = arith.select %lt3A_459, %add3A_458, %while3A_426 : vector<512x1xi1>, vector<512x1xf32>
      scf.yield %select_n3A_460, %select_n3A_461 : vector<512x1xf32>, vector<512x1xf32>
    }
    %while3A_331 = arith.constant 1 : i32
    %while3A_332:2 = scf.for %while3A_424 = %while3A_328 to %while3A_324 step %while3A_331 iter_args(%while3A_425 = %while3A_330#0, %while3A_426 = %while3A_330#1) -> (vector<512x1xf32>, vector<512x1xf32>)  : i32 {
      %mul3A = arith.constant 512 : i32
      %mul3A_427 = arith.muli %while3A_424, %mul3A : i32
      %convert_element_type3A_428 = arith.sitofp %mul3A_427 : i32 to f32
      %get3A_429 = arith.index_cast %while3A_424 : i32 to index
      %get3A_430 = arith.constant 0 : index
      %get3A_431 = arith.constant 0 : index
      %get3A_432 = vector.load %arg7[%get3A_429, %get3A_430, %get3A_431] : memref<16x512x512xf32, #tpu.memory_space<vmem>>, vector<1x512x512xf32>
      %get3A_433 = vector.shape_cast %get3A_432 : vector<1x512x512xf32> to vector<512x512xf32>
      %sub3A_434 = vector.broadcast %convert_element_type3A_428 : f32 to vector<512x1xf32>
      %sub3A_435 = arith.subf %while3A_311#1, %sub3A_434 : vector<512x1xf32>
      %eq3A = vector.broadcast %sub3A_435 : vector<512x1xf32> to vector<512x512xf32>
      %eq3A_436 = arith.cmpf oeq, %convert_element_type3A_80, %eq3A : vector<512x512xf32>
      %jit3A_437 = arith.constant 0x7F800000 : f32
      %broadcast_in_dim3A_438 = vector.broadcast %jit3A_437 : f32 to vector<512x512xf32>
      %select_n3A_439 = arith.select %eq3A_436, %broadcast_in_dim3A_438, %get3A_433 : vector<512x512xi1>, vector<512x512xf32>
      %swap3A_440 = arith.index_cast %while3A_424 : i32 to index
      %swap3A_441 = arith.constant 0 : index
      %swap3A_442 = arith.constant 0 : index
      %swap3A_443 = vector.load %arg7[%swap3A_440, %swap3A_441, %swap3A_442] : memref<16x512x512xf32, #tpu.memory_space<vmem>>, vector<1x512x512xf32>
      %swap3A_444 = vector.shape_cast %swap3A_443 : vector<1x512x512xf32> to vector<512x512xf32>
      %swap3A_445 = vector.shape_cast %select_n3A_439 : vector<512x512xf32> to vector<1x512x512xf32>
      tpu.vector_store %arg7[%swap3A_440, %swap3A_441, %swap3A_442], %swap3A_445 {strides = array<i32>} : memref<16x512x512xf32, #tpu.memory_space<vmem>>, vector<1x512x512xf32>,
      %reduce_min3A_446 = arith.constant dense<0x7F800000> : vector<512xf32>
      %reduce_min3A_447 = vector.multi_reduction <minimumf>, %select_n3A_439, %reduce_min3A_446 [1] : vector<512x512xf32> to vector<512xf32>
      %broadcast_in_dim3A_448 = vector.shape_cast %reduce_min3A_447 : vector<512xf32> to vector<512x1xf32>
      %eq3A_449 = vector.broadcast %broadcast_in_dim3A_448 : vector<512x1xf32> to vector<512x512xf32>
      %eq3A_450 = arith.cmpf oeq, %select_n3A_439, %eq3A_449 : vector<512x512xf32>
      %jit3A_451 = arith.constant 0x4B800000 : f32
      %broadcast_in_dim3A_452 = vector.broadcast %jit3A_451 : f32 to vector<512x512xf32>
      %select_n3A_453 = arith.select %eq3A_450, %convert_element_type3A_80, %broadcast_in_dim3A_452 : vector<512x512xi1>, vector<512x512xf32>
      %reduce_min3A_454 = arith.constant dense<0x7F800000> : vector<512xf32>
      %reduce_min3A_455 = vector.multi_reduction <minimumf>, %select_n3A_453, %reduce_min3A_454 [1] : vector<512x512xf32> to vector<512xf32>
      %broadcast_in_dim3A_456 = vector.shape_cast %reduce_min3A_455 : vector<512xf32> to vector<512x1xf32>
      %add3A_457 = vector.broadcast %convert_element_type3A_428 : f32 to vector<512x1xf32>
      %add3A_458 = arith.addf %broadcast_in_dim3A_456, %add3A_457 : vector<512x1xf32>
      %lt3A_459 = arith.cmpf olt, %broadcast_in_dim3A_448, %while3A_425 : vector<512x1xf32>
      %select_n3A_460 = arith.select %lt3A_459, %broadcast_in_dim3A_448, %while3A_425 : vector<512x1xi1>, vector<512x1xf32>
      %select_n3A_461 = arith.select %lt3A_459, %add3A_458, %while3A_426 : vector<512x1xi1>, vector<512x1xf32>
      scf.yield %select_n3A_460, %select_n3A_461 : vector<512x1xf32>, vector<512x1xf32>
    }
    %min3A_333 = arith.constant 8.191000e+03 : f32
    %min3A_334 = vector.broadcast %min3A_333 : f32 to vector<512x1xf32>
    %min3A_335 = arith.minimumf %while3A_332#1, %min3A_334 : vector<512x1xf32>
    %convert_element_type3A_336 = arith.fptosi %min3A_335 : vector<512x1xf32> to vector<512x1xi32>
    %swap3A_337 = arith.constant 0 : index
    %swap3A_338 = arith.constant 11 : index
    %swap3A_339 = vector.load %arg6[%swap3A_337, %swap3A_338] : memref<512x16xi32, #tpu.memory_space<vmem>>, vector<512x1xi32>
    tpu.vector_store %arg6[%swap3A_337, %swap3A_338], %convert_element_type3A_336 {strides = array<i32>} : memref<512x16xi32, #tpu.memory_space<vmem>>, vector<512x1xi32>,
    %broadcast_in_dim3A_340 = arith.constant 0x7F800000 : f32
    %broadcast_in_dim3A_341 = vector.broadcast %broadcast_in_dim3A_340 : f32 to vector<512x1xf32>
    %broadcast_in_dim3A_342 = arith.constant 0x4B800000 : f32
    %broadcast_in_dim3A_343 = vector.broadcast %broadcast_in_dim3A_342 : f32 to vector<512x1xf32>
    %while3A_344 = arith.subi %select_n3A_79, %select_n3A : i32
    %while3A_345 = arith.addi %select_n3A, %while3A_344 : i32
    %while3A_346 = arith.constant 1 : i32
    %while3A_347 = arith.divsi %while3A_344, %while3A_346 : i32
    %while3A_348 = arith.muli %while3A_347, %while3A_346 : i32
    %while3A_349 = arith.addi %select_n3A, %while3A_348 : i32
    %while3A_350 = arith.constant 1 : i32
    %while3A_351:2 = scf.for %while3A_424 = %select_n3A to %while3A_349 step %while3A_350 iter_args(%while3A_425 = %broadcast_in_dim3A_341, %while3A_426 = %broadcast_in_dim3A_343) -> (vector<512x1xf32>, vector<512x1xf32>)  : i32 {
      %mul3A = arith.constant 512 : i32
      %mul3A_427 = arith.muli %while3A_424, %mul3A : i32
      %convert_element_type3A_428 = arith.sitofp %mul3A_427 : i32 to f32
      %get3A_429 = arith.index_cast %while3A_424 : i32 to index
      %get3A_430 = arith.constant 0 : index
      %get3A_431 = arith.constant 0 : index
      %get3A_432 = vector.load %arg7[%get3A_429, %get3A_430, %get3A_431] : memref<16x512x512xf32, #tpu.memory_space<vmem>>, vector<1x512x512xf32>
      %get3A_433 = vector.shape_cast %get3A_432 : vector<1x512x512xf32> to vector<512x512xf32>
      %sub3A_434 = vector.broadcast %convert_element_type3A_428 : f32 to vector<512x1xf32>
      %sub3A_435 = arith.subf %while3A_332#1, %sub3A_434 : vector<512x1xf32>
      %eq3A = vector.broadcast %sub3A_435 : vector<512x1xf32> to vector<512x512xf32>
      %eq3A_436 = arith.cmpf oeq, %convert_element_type3A_80, %eq3A : vector<512x512xf32>
      %jit3A_437 = arith.constant 0x7F800000 : f32
      %broadcast_in_dim3A_438 = vector.broadcast %jit3A_437 : f32 to vector<512x512xf32>
      %select_n3A_439 = arith.select %eq3A_436, %broadcast_in_dim3A_438, %get3A_433 : vector<512x512xi1>, vector<512x512xf32>
      %swap3A_440 = arith.index_cast %while3A_424 : i32 to index
      %swap3A_441 = arith.constant 0 : index
      %swap3A_442 = arith.constant 0 : index
      %swap3A_443 = vector.load %arg7[%swap3A_440, %swap3A_441, %swap3A_442] : memref<16x512x512xf32, #tpu.memory_space<vmem>>, vector<1x512x512xf32>
      %swap3A_444 = vector.shape_cast %swap3A_443 : vector<1x512x512xf32> to vector<512x512xf32>
      %swap3A_445 = vector.shape_cast %select_n3A_439 : vector<512x512xf32> to vector<1x512x512xf32>
      tpu.vector_store %arg7[%swap3A_440, %swap3A_441, %swap3A_442], %swap3A_445 {strides = array<i32>} : memref<16x512x512xf32, #tpu.memory_space<vmem>>, vector<1x512x512xf32>,
      %reduce_min3A_446 = arith.constant dense<0x7F800000> : vector<512xf32>
      %reduce_min3A_447 = vector.multi_reduction <minimumf>, %select_n3A_439, %reduce_min3A_446 [1] : vector<512x512xf32> to vector<512xf32>
      %broadcast_in_dim3A_448 = vector.shape_cast %reduce_min3A_447 : vector<512xf32> to vector<512x1xf32>
      %eq3A_449 = vector.broadcast %broadcast_in_dim3A_448 : vector<512x1xf32> to vector<512x512xf32>
      %eq3A_450 = arith.cmpf oeq, %select_n3A_439, %eq3A_449 : vector<512x512xf32>
      %jit3A_451 = arith.constant 0x4B800000 : f32
      %broadcast_in_dim3A_452 = vector.broadcast %jit3A_451 : f32 to vector<512x512xf32>
      %select_n3A_453 = arith.select %eq3A_450, %convert_element_type3A_80, %broadcast_in_dim3A_452 : vector<512x512xi1>, vector<512x512xf32>
      %reduce_min3A_454 = arith.constant dense<0x7F800000> : vector<512xf32>
      %reduce_min3A_455 = vector.multi_reduction <minimumf>, %select_n3A_453, %reduce_min3A_454 [1] : vector<512x512xf32> to vector<512xf32>
      %broadcast_in_dim3A_456 = vector.shape_cast %reduce_min3A_455 : vector<512xf32> to vector<512x1xf32>
      %add3A_457 = vector.broadcast %convert_element_type3A_428 : f32 to vector<512x1xf32>
      %add3A_458 = arith.addf %broadcast_in_dim3A_456, %add3A_457 : vector<512x1xf32>
      %lt3A_459 = arith.cmpf olt, %broadcast_in_dim3A_448, %while3A_425 : vector<512x1xf32>
      %select_n3A_460 = arith.select %lt3A_459, %broadcast_in_dim3A_448, %while3A_425 : vector<512x1xi1>, vector<512x1xf32>
      %select_n3A_461 = arith.select %lt3A_459, %add3A_458, %while3A_426 : vector<512x1xi1>, vector<512x1xf32>
      scf.yield %select_n3A_460, %select_n3A_461 : vector<512x1xf32>, vector<512x1xf32>
    }
    %while3A_352 = arith.constant 1 : i32
    %while3A_353:2 = scf.for %while3A_424 = %while3A_349 to %while3A_345 step %while3A_352 iter_args(%while3A_425 = %while3A_351#0, %while3A_426 = %while3A_351#1) -> (vector<512x1xf32>, vector<512x1xf32>)  : i32 {
      %mul3A = arith.constant 512 : i32
      %mul3A_427 = arith.muli %while3A_424, %mul3A : i32
      %convert_element_type3A_428 = arith.sitofp %mul3A_427 : i32 to f32
      %get3A_429 = arith.index_cast %while3A_424 : i32 to index
      %get3A_430 = arith.constant 0 : index
      %get3A_431 = arith.constant 0 : index
      %get3A_432 = vector.load %arg7[%get3A_429, %get3A_430, %get3A_431] : memref<16x512x512xf32, #tpu.memory_space<vmem>>, vector<1x512x512xf32>
      %get3A_433 = vector.shape_cast %get3A_432 : vector<1x512x512xf32> to vector<512x512xf32>
      %sub3A_434 = vector.broadcast %convert_element_type3A_428 : f32 to vector<512x1xf32>
      %sub3A_435 = arith.subf %while3A_332#1, %sub3A_434 : vector<512x1xf32>
      %eq3A = vector.broadcast %sub3A_435 : vector<512x1xf32> to vector<512x512xf32>
      %eq3A_436 = arith.cmpf oeq, %convert_element_type3A_80, %eq3A : vector<512x512xf32>
      %jit3A_437 = arith.constant 0x7F800000 : f32
      %broadcast_in_dim3A_438 = vector.broadcast %jit3A_437 : f32 to vector<512x512xf32>
      %select_n3A_439 = arith.select %eq3A_436, %broadcast_in_dim3A_438, %get3A_433 : vector<512x512xi1>, vector<512x512xf32>
      %swap3A_440 = arith.index_cast %while3A_424 : i32 to index
      %swap3A_441 = arith.constant 0 : index
      %swap3A_442 = arith.constant 0 : index
      %swap3A_443 = vector.load %arg7[%swap3A_440, %swap3A_441, %swap3A_442] : memref<16x512x512xf32, #tpu.memory_space<vmem>>, vector<1x512x512xf32>
      %swap3A_444 = vector.shape_cast %swap3A_443 : vector<1x512x512xf32> to vector<512x512xf32>
      %swap3A_445 = vector.shape_cast %select_n3A_439 : vector<512x512xf32> to vector<1x512x512xf32>
      tpu.vector_store %arg7[%swap3A_440, %swap3A_441, %swap3A_442], %swap3A_445 {strides = array<i32>} : memref<16x512x512xf32, #tpu.memory_space<vmem>>, vector<1x512x512xf32>,
      %reduce_min3A_446 = arith.constant dense<0x7F800000> : vector<512xf32>
      %reduce_min3A_447 = vector.multi_reduction <minimumf>, %select_n3A_439, %reduce_min3A_446 [1] : vector<512x512xf32> to vector<512xf32>
      %broadcast_in_dim3A_448 = vector.shape_cast %reduce_min3A_447 : vector<512xf32> to vector<512x1xf32>
      %eq3A_449 = vector.broadcast %broadcast_in_dim3A_448 : vector<512x1xf32> to vector<512x512xf32>
      %eq3A_450 = arith.cmpf oeq, %select_n3A_439, %eq3A_449 : vector<512x512xf32>
      %jit3A_451 = arith.constant 0x4B800000 : f32
      %broadcast_in_dim3A_452 = vector.broadcast %jit3A_451 : f32 to vector<512x512xf32>
      %select_n3A_453 = arith.select %eq3A_450, %convert_element_type3A_80, %broadcast_in_dim3A_452 : vector<512x512xi1>, vector<512x512xf32>
      %reduce_min3A_454 = arith.constant dense<0x7F800000> : vector<512xf32>
      %reduce_min3A_455 = vector.multi_reduction <minimumf>, %select_n3A_453, %reduce_min3A_454 [1] : vector<512x512xf32> to vector<512xf32>
      %broadcast_in_dim3A_456 = vector.shape_cast %reduce_min3A_455 : vector<512xf32> to vector<512x1xf32>
      %add3A_457 = vector.broadcast %convert_element_type3A_428 : f32 to vector<512x1xf32>
      %add3A_458 = arith.addf %broadcast_in_dim3A_456, %add3A_457 : vector<512x1xf32>
      %lt3A_459 = arith.cmpf olt, %broadcast_in_dim3A_448, %while3A_425 : vector<512x1xf32>
      %select_n3A_460 = arith.select %lt3A_459, %broadcast_in_dim3A_448, %while3A_425 : vector<512x1xi1>, vector<512x1xf32>
      %select_n3A_461 = arith.select %lt3A_459, %add3A_458, %while3A_426 : vector<512x1xi1>, vector<512x1xf32>
      scf.yield %select_n3A_460, %select_n3A_461 : vector<512x1xf32>, vector<512x1xf32>
    }
    %min3A_354 = arith.constant 8.191000e+03 : f32
    %min3A_355 = vector.broadcast %min3A_354 : f32 to vector<512x1xf32>
    %min3A_356 = arith.minimumf %while3A_353#1, %min3A_355 : vector<512x1xf32>
    %convert_element_type3A_357 = arith.fptosi %min3A_356 : vector<512x1xf32> to vector<512x1xi32>
    %swap3A_358 = arith.constant 0 : index
    %swap3A_359 = arith.constant 12 : index
    %swap3A_360 = vector.load %arg6[%swap3A_358, %swap3A_359] : memref<512x16xi32, #tpu.memory_space<vmem>>, vector<512x1xi32>
    tpu.vector_store %arg6[%swap3A_358, %swap3A_359], %convert_element_type3A_357 {strides = array<i32>} : memref<512x16xi32, #tpu.memory_space<vmem>>, vector<512x1xi32>,
    %broadcast_in_dim3A_361 = arith.constant 0x7F800000 : f32
    %broadcast_in_dim3A_362 = vector.broadcast %broadcast_in_dim3A_361 : f32 to vector<512x1xf32>
    %broadcast_in_dim3A_363 = arith.constant 0x4B800000 : f32
    %broadcast_in_dim3A_364 = vector.broadcast %broadcast_in_dim3A_363 : f32 to vector<512x1xf32>
    %while3A_365 = arith.subi %select_n3A_79, %select_n3A : i32
    %while3A_366 = arith.addi %select_n3A, %while3A_365 : i32
    %while3A_367 = arith.constant 1 : i32
    %while3A_368 = arith.divsi %while3A_365, %while3A_367 : i32
    %while3A_369 = arith.muli %while3A_368, %while3A_367 : i32
    %while3A_370 = arith.addi %select_n3A, %while3A_369 : i32
    %while3A_371 = arith.constant 1 : i32
    %while3A_372:2 = scf.for %while3A_424 = %select_n3A to %while3A_370 step %while3A_371 iter_args(%while3A_425 = %broadcast_in_dim3A_362, %while3A_426 = %broadcast_in_dim3A_364) -> (vector<512x1xf32>, vector<512x1xf32>)  : i32 {
      %mul3A = arith.constant 512 : i32
      %mul3A_427 = arith.muli %while3A_424, %mul3A : i32
      %convert_element_type3A_428 = arith.sitofp %mul3A_427 : i32 to f32
      %get3A_429 = arith.index_cast %while3A_424 : i32 to index
      %get3A_430 = arith.constant 0 : index
      %get3A_431 = arith.constant 0 : index
      %get3A_432 = vector.load %arg7[%get3A_429, %get3A_430, %get3A_431] : memref<16x512x512xf32, #tpu.memory_space<vmem>>, vector<1x512x512xf32>
      %get3A_433 = vector.shape_cast %get3A_432 : vector<1x512x512xf32> to vector<512x512xf32>
      %sub3A_434 = vector.broadcast %convert_element_type3A_428 : f32 to vector<512x1xf32>
      %sub3A_435 = arith.subf %while3A_353#1, %sub3A_434 : vector<512x1xf32>
      %eq3A = vector.broadcast %sub3A_435 : vector<512x1xf32> to vector<512x512xf32>
      %eq3A_436 = arith.cmpf oeq, %convert_element_type3A_80, %eq3A : vector<512x512xf32>
      %jit3A_437 = arith.constant 0x7F800000 : f32
      %broadcast_in_dim3A_438 = vector.broadcast %jit3A_437 : f32 to vector<512x512xf32>
      %select_n3A_439 = arith.select %eq3A_436, %broadcast_in_dim3A_438, %get3A_433 : vector<512x512xi1>, vector<512x512xf32>
      %swap3A_440 = arith.index_cast %while3A_424 : i32 to index
      %swap3A_441 = arith.constant 0 : index
      %swap3A_442 = arith.constant 0 : index
      %swap3A_443 = vector.load %arg7[%swap3A_440, %swap3A_441, %swap3A_442] : memref<16x512x512xf32, #tpu.memory_space<vmem>>, vector<1x512x512xf32>
      %swap3A_444 = vector.shape_cast %swap3A_443 : vector<1x512x512xf32> to vector<512x512xf32>
      %swap3A_445 = vector.shape_cast %select_n3A_439 : vector<512x512xf32> to vector<1x512x512xf32>
      tpu.vector_store %arg7[%swap3A_440, %swap3A_441, %swap3A_442], %swap3A_445 {strides = array<i32>} : memref<16x512x512xf32, #tpu.memory_space<vmem>>, vector<1x512x512xf32>,
      %reduce_min3A_446 = arith.constant dense<0x7F800000> : vector<512xf32>
      %reduce_min3A_447 = vector.multi_reduction <minimumf>, %select_n3A_439, %reduce_min3A_446 [1] : vector<512x512xf32> to vector<512xf32>
      %broadcast_in_dim3A_448 = vector.shape_cast %reduce_min3A_447 : vector<512xf32> to vector<512x1xf32>
      %eq3A_449 = vector.broadcast %broadcast_in_dim3A_448 : vector<512x1xf32> to vector<512x512xf32>
      %eq3A_450 = arith.cmpf oeq, %select_n3A_439, %eq3A_449 : vector<512x512xf32>
      %jit3A_451 = arith.constant 0x4B800000 : f32
      %broadcast_in_dim3A_452 = vector.broadcast %jit3A_451 : f32 to vector<512x512xf32>
      %select_n3A_453 = arith.select %eq3A_450, %convert_element_type3A_80, %broadcast_in_dim3A_452 : vector<512x512xi1>, vector<512x512xf32>
      %reduce_min3A_454 = arith.constant dense<0x7F800000> : vector<512xf32>
      %reduce_min3A_455 = vector.multi_reduction <minimumf>, %select_n3A_453, %reduce_min3A_454 [1] : vector<512x512xf32> to vector<512xf32>
      %broadcast_in_dim3A_456 = vector.shape_cast %reduce_min3A_455 : vector<512xf32> to vector<512x1xf32>
      %add3A_457 = vector.broadcast %convert_element_type3A_428 : f32 to vector<512x1xf32>
      %add3A_458 = arith.addf %broadcast_in_dim3A_456, %add3A_457 : vector<512x1xf32>
      %lt3A_459 = arith.cmpf olt, %broadcast_in_dim3A_448, %while3A_425 : vector<512x1xf32>
      %select_n3A_460 = arith.select %lt3A_459, %broadcast_in_dim3A_448, %while3A_425 : vector<512x1xi1>, vector<512x1xf32>
      %select_n3A_461 = arith.select %lt3A_459, %add3A_458, %while3A_426 : vector<512x1xi1>, vector<512x1xf32>
      scf.yield %select_n3A_460, %select_n3A_461 : vector<512x1xf32>, vector<512x1xf32>
    }
    %while3A_373 = arith.constant 1 : i32
    %while3A_374:2 = scf.for %while3A_424 = %while3A_370 to %while3A_366 step %while3A_373 iter_args(%while3A_425 = %while3A_372#0, %while3A_426 = %while3A_372#1) -> (vector<512x1xf32>, vector<512x1xf32>)  : i32 {
      %mul3A = arith.constant 512 : i32
      %mul3A_427 = arith.muli %while3A_424, %mul3A : i32
      %convert_element_type3A_428 = arith.sitofp %mul3A_427 : i32 to f32
      %get3A_429 = arith.index_cast %while3A_424 : i32 to index
      %get3A_430 = arith.constant 0 : index
      %get3A_431 = arith.constant 0 : index
      %get3A_432 = vector.load %arg7[%get3A_429, %get3A_430, %get3A_431] : memref<16x512x512xf32, #tpu.memory_space<vmem>>, vector<1x512x512xf32>
      %get3A_433 = vector.shape_cast %get3A_432 : vector<1x512x512xf32> to vector<512x512xf32>
      %sub3A_434 = vector.broadcast %convert_element_type3A_428 : f32 to vector<512x1xf32>
      %sub3A_435 = arith.subf %while3A_353#1, %sub3A_434 : vector<512x1xf32>
      %eq3A = vector.broadcast %sub3A_435 : vector<512x1xf32> to vector<512x512xf32>
      %eq3A_436 = arith.cmpf oeq, %convert_element_type3A_80, %eq3A : vector<512x512xf32>
      %jit3A_437 = arith.constant 0x7F800000 : f32
      %broadcast_in_dim3A_438 = vector.broadcast %jit3A_437 : f32 to vector<512x512xf32>
      %select_n3A_439 = arith.select %eq3A_436, %broadcast_in_dim3A_438, %get3A_433 : vector<512x512xi1>, vector<512x512xf32>
      %swap3A_440 = arith.index_cast %while3A_424 : i32 to index
      %swap3A_441 = arith.constant 0 : index
      %swap3A_442 = arith.constant 0 : index
      %swap3A_443 = vector.load %arg7[%swap3A_440, %swap3A_441, %swap3A_442] : memref<16x512x512xf32, #tpu.memory_space<vmem>>, vector<1x512x512xf32>
      %swap3A_444 = vector.shape_cast %swap3A_443 : vector<1x512x512xf32> to vector<512x512xf32>
      %swap3A_445 = vector.shape_cast %select_n3A_439 : vector<512x512xf32> to vector<1x512x512xf32>
      tpu.vector_store %arg7[%swap3A_440, %swap3A_441, %swap3A_442], %swap3A_445 {strides = array<i32>} : memref<16x512x512xf32, #tpu.memory_space<vmem>>, vector<1x512x512xf32>,
      %reduce_min3A_446 = arith.constant dense<0x7F800000> : vector<512xf32>
      %reduce_min3A_447 = vector.multi_reduction <minimumf>, %select_n3A_439, %reduce_min3A_446 [1] : vector<512x512xf32> to vector<512xf32>
      %broadcast_in_dim3A_448 = vector.shape_cast %reduce_min3A_447 : vector<512xf32> to vector<512x1xf32>
      %eq3A_449 = vector.broadcast %broadcast_in_dim3A_448 : vector<512x1xf32> to vector<512x512xf32>
      %eq3A_450 = arith.cmpf oeq, %select_n3A_439, %eq3A_449 : vector<512x512xf32>
      %jit3A_451 = arith.constant 0x4B800000 : f32
      %broadcast_in_dim3A_452 = vector.broadcast %jit3A_451 : f32 to vector<512x512xf32>
      %select_n3A_453 = arith.select %eq3A_450, %convert_element_type3A_80, %broadcast_in_dim3A_452 : vector<512x512xi1>, vector<512x512xf32>
      %reduce_min3A_454 = arith.constant dense<0x7F800000> : vector<512xf32>
      %reduce_min3A_455 = vector.multi_reduction <minimumf>, %select_n3A_453, %reduce_min3A_454 [1] : vector<512x512xf32> to vector<512xf32>
      %broadcast_in_dim3A_456 = vector.shape_cast %reduce_min3A_455 : vector<512xf32> to vector<512x1xf32>
      %add3A_457 = vector.broadcast %convert_element_type3A_428 : f32 to vector<512x1xf32>
      %add3A_458 = arith.addf %broadcast_in_dim3A_456, %add3A_457 : vector<512x1xf32>
      %lt3A_459 = arith.cmpf olt, %broadcast_in_dim3A_448, %while3A_425 : vector<512x1xf32>
      %select_n3A_460 = arith.select %lt3A_459, %broadcast_in_dim3A_448, %while3A_425 : vector<512x1xi1>, vector<512x1xf32>
      %select_n3A_461 = arith.select %lt3A_459, %add3A_458, %while3A_426 : vector<512x1xi1>, vector<512x1xf32>
      scf.yield %select_n3A_460, %select_n3A_461 : vector<512x1xf32>, vector<512x1xf32>
    }
    %min3A_375 = arith.constant 8.191000e+03 : f32
    %min3A_376 = vector.broadcast %min3A_375 : f32 to vector<512x1xf32>
    %min3A_377 = arith.minimumf %while3A_374#1, %min3A_376 : vector<512x1xf32>
    %convert_element_type3A_378 = arith.fptosi %min3A_377 : vector<512x1xf32> to vector<512x1xi32>
    %swap3A_379 = arith.constant 0 : index
    %swap3A_380 = arith.constant 13 : index
    %swap3A_381 = vector.load %arg6[%swap3A_379, %swap3A_380] : memref<512x16xi32, #tpu.memory_space<vmem>>, vector<512x1xi32>
    tpu.vector_store %arg6[%swap3A_379, %swap3A_380], %convert_element_type3A_378 {strides = array<i32>} : memref<512x16xi32, #tpu.memory_space<vmem>>, vector<512x1xi32>,
    %broadcast_in_dim3A_382 = arith.constant 0x7F800000 : f32
    %broadcast_in_dim3A_383 = vector.broadcast %broadcast_in_dim3A_382 : f32 to vector<512x1xf32>
    %broadcast_in_dim3A_384 = arith.constant 0x4B800000 : f32
    %broadcast_in_dim3A_385 = vector.broadcast %broadcast_in_dim3A_384 : f32 to vector<512x1xf32>
    %while3A_386 = arith.subi %select_n3A_79, %select_n3A : i32
    %while3A_387 = arith.addi %select_n3A, %while3A_386 : i32
    %while3A_388 = arith.constant 1 : i32
    %while3A_389 = arith.divsi %while3A_386, %while3A_388 : i32
    %while3A_390 = arith.muli %while3A_389, %while3A_388 : i32
    %while3A_391 = arith.addi %select_n3A, %while3A_390 : i32
    %while3A_392 = arith.constant 1 : i32
    %while3A_393:2 = scf.for %while3A_424 = %select_n3A to %while3A_391 step %while3A_392 iter_args(%while3A_425 = %broadcast_in_dim3A_383, %while3A_426 = %broadcast_in_dim3A_385) -> (vector<512x1xf32>, vector<512x1xf32>)  : i32 {
      %mul3A = arith.constant 512 : i32
      %mul3A_427 = arith.muli %while3A_424, %mul3A : i32
      %convert_element_type3A_428 = arith.sitofp %mul3A_427 : i32 to f32
      %get3A_429 = arith.index_cast %while3A_424 : i32 to index
      %get3A_430 = arith.constant 0 : index
      %get3A_431 = arith.constant 0 : index
      %get3A_432 = vector.load %arg7[%get3A_429, %get3A_430, %get3A_431] : memref<16x512x512xf32, #tpu.memory_space<vmem>>, vector<1x512x512xf32>
      %get3A_433 = vector.shape_cast %get3A_432 : vector<1x512x512xf32> to vector<512x512xf32>
      %sub3A_434 = vector.broadcast %convert_element_type3A_428 : f32 to vector<512x1xf32>
      %sub3A_435 = arith.subf %while3A_374#1, %sub3A_434 : vector<512x1xf32>
      %eq3A = vector.broadcast %sub3A_435 : vector<512x1xf32> to vector<512x512xf32>
      %eq3A_436 = arith.cmpf oeq, %convert_element_type3A_80, %eq3A : vector<512x512xf32>
      %jit3A_437 = arith.constant 0x7F800000 : f32
      %broadcast_in_dim3A_438 = vector.broadcast %jit3A_437 : f32 to vector<512x512xf32>
      %select_n3A_439 = arith.select %eq3A_436, %broadcast_in_dim3A_438, %get3A_433 : vector<512x512xi1>, vector<512x512xf32>
      %swap3A_440 = arith.index_cast %while3A_424 : i32 to index
      %swap3A_441 = arith.constant 0 : index
      %swap3A_442 = arith.constant 0 : index
      %swap3A_443 = vector.load %arg7[%swap3A_440, %swap3A_441, %swap3A_442] : memref<16x512x512xf32, #tpu.memory_space<vmem>>, vector<1x512x512xf32>
      %swap3A_444 = vector.shape_cast %swap3A_443 : vector<1x512x512xf32> to vector<512x512xf32>
      %swap3A_445 = vector.shape_cast %select_n3A_439 : vector<512x512xf32> to vector<1x512x512xf32>
      tpu.vector_store %arg7[%swap3A_440, %swap3A_441, %swap3A_442], %swap3A_445 {strides = array<i32>} : memref<16x512x512xf32, #tpu.memory_space<vmem>>, vector<1x512x512xf32>,
      %reduce_min3A_446 = arith.constant dense<0x7F800000> : vector<512xf32>
      %reduce_min3A_447 = vector.multi_reduction <minimumf>, %select_n3A_439, %reduce_min3A_446 [1] : vector<512x512xf32> to vector<512xf32>
      %broadcast_in_dim3A_448 = vector.shape_cast %reduce_min3A_447 : vector<512xf32> to vector<512x1xf32>
      %eq3A_449 = vector.broadcast %broadcast_in_dim3A_448 : vector<512x1xf32> to vector<512x512xf32>
      %eq3A_450 = arith.cmpf oeq, %select_n3A_439, %eq3A_449 : vector<512x512xf32>
      %jit3A_451 = arith.constant 0x4B800000 : f32
      %broadcast_in_dim3A_452 = vector.broadcast %jit3A_451 : f32 to vector<512x512xf32>
      %select_n3A_453 = arith.select %eq3A_450, %convert_element_type3A_80, %broadcast_in_dim3A_452 : vector<512x512xi1>, vector<512x512xf32>
      %reduce_min3A_454 = arith.constant dense<0x7F800000> : vector<512xf32>
      %reduce_min3A_455 = vector.multi_reduction <minimumf>, %select_n3A_453, %reduce_min3A_454 [1] : vector<512x512xf32> to vector<512xf32>
      %broadcast_in_dim3A_456 = vector.shape_cast %reduce_min3A_455 : vector<512xf32> to vector<512x1xf32>
      %add3A_457 = vector.broadcast %convert_element_type3A_428 : f32 to vector<512x1xf32>
      %add3A_458 = arith.addf %broadcast_in_dim3A_456, %add3A_457 : vector<512x1xf32>
      %lt3A_459 = arith.cmpf olt, %broadcast_in_dim3A_448, %while3A_425 : vector<512x1xf32>
      %select_n3A_460 = arith.select %lt3A_459, %broadcast_in_dim3A_448, %while3A_425 : vector<512x1xi1>, vector<512x1xf32>
      %select_n3A_461 = arith.select %lt3A_459, %add3A_458, %while3A_426 : vector<512x1xi1>, vector<512x1xf32>
      scf.yield %select_n3A_460, %select_n3A_461 : vector<512x1xf32>, vector<512x1xf32>
    }
    %while3A_394 = arith.constant 1 : i32
    %while3A_395:2 = scf.for %while3A_424 = %while3A_391 to %while3A_387 step %while3A_394 iter_args(%while3A_425 = %while3A_393#0, %while3A_426 = %while3A_393#1) -> (vector<512x1xf32>, vector<512x1xf32>)  : i32 {
      %mul3A = arith.constant 512 : i32
      %mul3A_427 = arith.muli %while3A_424, %mul3A : i32
      %convert_element_type3A_428 = arith.sitofp %mul3A_427 : i32 to f32
      %get3A_429 = arith.index_cast %while3A_424 : i32 to index
      %get3A_430 = arith.constant 0 : index
      %get3A_431 = arith.constant 0 : index
      %get3A_432 = vector.load %arg7[%get3A_429, %get3A_430, %get3A_431] : memref<16x512x512xf32, #tpu.memory_space<vmem>>, vector<1x512x512xf32>
      %get3A_433 = vector.shape_cast %get3A_432 : vector<1x512x512xf32> to vector<512x512xf32>
      %sub3A_434 = vector.broadcast %convert_element_type3A_428 : f32 to vector<512x1xf32>
      %sub3A_435 = arith.subf %while3A_374#1, %sub3A_434 : vector<512x1xf32>
      %eq3A = vector.broadcast %sub3A_435 : vector<512x1xf32> to vector<512x512xf32>
      %eq3A_436 = arith.cmpf oeq, %convert_element_type3A_80, %eq3A : vector<512x512xf32>
      %jit3A_437 = arith.constant 0x7F800000 : f32
      %broadcast_in_dim3A_438 = vector.broadcast %jit3A_437 : f32 to vector<512x512xf32>
      %select_n3A_439 = arith.select %eq3A_436, %broadcast_in_dim3A_438, %get3A_433 : vector<512x512xi1>, vector<512x512xf32>
      %swap3A_440 = arith.index_cast %while3A_424 : i32 to index
      %swap3A_441 = arith.constant 0 : index
      %swap3A_442 = arith.constant 0 : index
      %swap3A_443 = vector.load %arg7[%swap3A_440, %swap3A_441, %swap3A_442] : memref<16x512x512xf32, #tpu.memory_space<vmem>>, vector<1x512x512xf32>
      %swap3A_444 = vector.shape_cast %swap3A_443 : vector<1x512x512xf32> to vector<512x512xf32>
      %swap3A_445 = vector.shape_cast %select_n3A_439 : vector<512x512xf32> to vector<1x512x512xf32>
      tpu.vector_store %arg7[%swap3A_440, %swap3A_441, %swap3A_442], %swap3A_445 {strides = array<i32>} : memref<16x512x512xf32, #tpu.memory_space<vmem>>, vector<1x512x512xf32>,
      %reduce_min3A_446 = arith.constant dense<0x7F800000> : vector<512xf32>
      %reduce_min3A_447 = vector.multi_reduction <minimumf>, %select_n3A_439, %reduce_min3A_446 [1] : vector<512x512xf32> to vector<512xf32>
      %broadcast_in_dim3A_448 = vector.shape_cast %reduce_min3A_447 : vector<512xf32> to vector<512x1xf32>
      %eq3A_449 = vector.broadcast %broadcast_in_dim3A_448 : vector<512x1xf32> to vector<512x512xf32>
      %eq3A_450 = arith.cmpf oeq, %select_n3A_439, %eq3A_449 : vector<512x512xf32>
      %jit3A_451 = arith.constant 0x4B800000 : f32
      %broadcast_in_dim3A_452 = vector.broadcast %jit3A_451 : f32 to vector<512x512xf32>
      %select_n3A_453 = arith.select %eq3A_450, %convert_element_type3A_80, %broadcast_in_dim3A_452 : vector<512x512xi1>, vector<512x512xf32>
      %reduce_min3A_454 = arith.constant dense<0x7F800000> : vector<512xf32>
      %reduce_min3A_455 = vector.multi_reduction <minimumf>, %select_n3A_453, %reduce_min3A_454 [1] : vector<512x512xf32> to vector<512xf32>
      %broadcast_in_dim3A_456 = vector.shape_cast %reduce_min3A_455 : vector<512xf32> to vector<512x1xf32>
      %add3A_457 = vector.broadcast %convert_element_type3A_428 : f32 to vector<512x1xf32>
      %add3A_458 = arith.addf %broadcast_in_dim3A_456, %add3A_457 : vector<512x1xf32>
      %lt3A_459 = arith.cmpf olt, %broadcast_in_dim3A_448, %while3A_425 : vector<512x1xf32>
      %select_n3A_460 = arith.select %lt3A_459, %broadcast_in_dim3A_448, %while3A_425 : vector<512x1xi1>, vector<512x1xf32>
      %select_n3A_461 = arith.select %lt3A_459, %add3A_458, %while3A_426 : vector<512x1xi1>, vector<512x1xf32>
      scf.yield %select_n3A_460, %select_n3A_461 : vector<512x1xf32>, vector<512x1xf32>
    }
    %min3A_396 = arith.constant 8.191000e+03 : f32
    %min3A_397 = vector.broadcast %min3A_396 : f32 to vector<512x1xf32>
    %min3A_398 = arith.minimumf %while3A_395#1, %min3A_397 : vector<512x1xf32>
    %convert_element_type3A_399 = arith.fptosi %min3A_398 : vector<512x1xf32> to vector<512x1xi32>
    %swap3A_400 = arith.constant 0 : index
    %swap3A_401 = arith.constant 14 : index
    %swap3A_402 = vector.load %arg6[%swap3A_400, %swap3A_401] : memref<512x16xi32, #tpu.memory_space<vmem>>, vector<512x1xi32>
    tpu.vector_store %arg6[%swap3A_400, %swap3A_401], %convert_element_type3A_399 {strides = array<i32>} : memref<512x16xi32, #tpu.memory_space<vmem>>, vector<512x1xi32>,
    %broadcast_in_dim3A_403 = arith.constant 0x7F800000 : f32
    %broadcast_in_dim3A_404 = vector.broadcast %broadcast_in_dim3A_403 : f32 to vector<512x1xf32>
    %broadcast_in_dim3A_405 = arith.constant 0x4B800000 : f32
    %broadcast_in_dim3A_406 = vector.broadcast %broadcast_in_dim3A_405 : f32 to vector<512x1xf32>
    %while3A_407 = arith.subi %select_n3A_79, %select_n3A : i32
    %while3A_408 = arith.addi %select_n3A, %while3A_407 : i32
    %while3A_409 = arith.constant 1 : i32
    %while3A_410 = arith.divsi %while3A_407, %while3A_409 : i32
    %while3A_411 = arith.muli %while3A_410, %while3A_409 : i32
    %while3A_412 = arith.addi %select_n3A, %while3A_411 : i32
    %while3A_413 = arith.constant 1 : i32
    %while3A_414:2 = scf.for %while3A_424 = %select_n3A to %while3A_412 step %while3A_413 iter_args(%while3A_425 = %broadcast_in_dim3A_404, %while3A_426 = %broadcast_in_dim3A_406) -> (vector<512x1xf32>, vector<512x1xf32>)  : i32 {
      %mul3A = arith.constant 512 : i32
      %mul3A_427 = arith.muli %while3A_424, %mul3A : i32
      %convert_element_type3A_428 = arith.sitofp %mul3A_427 : i32 to f32
      %get3A_429 = arith.index_cast %while3A_424 : i32 to index
      %get3A_430 = arith.constant 0 : index
      %get3A_431 = arith.constant 0 : index
      %get3A_432 = vector.load %arg7[%get3A_429, %get3A_430, %get3A_431] : memref<16x512x512xf32, #tpu.memory_space<vmem>>, vector<1x512x512xf32>
      %get3A_433 = vector.shape_cast %get3A_432 : vector<1x512x512xf32> to vector<512x512xf32>
      %sub3A_434 = vector.broadcast %convert_element_type3A_428 : f32 to vector<512x1xf32>
      %sub3A_435 = arith.subf %while3A_395#1, %sub3A_434 : vector<512x1xf32>
      %eq3A = vector.broadcast %sub3A_435 : vector<512x1xf32> to vector<512x512xf32>
      %eq3A_436 = arith.cmpf oeq, %convert_element_type3A_80, %eq3A : vector<512x512xf32>
      %jit3A_437 = arith.constant 0x7F800000 : f32
      %broadcast_in_dim3A_438 = vector.broadcast %jit3A_437 : f32 to vector<512x512xf32>
      %select_n3A_439 = arith.select %eq3A_436, %broadcast_in_dim3A_438, %get3A_433 : vector<512x512xi1>, vector<512x512xf32>
      %swap3A_440 = arith.index_cast %while3A_424 : i32 to index
      %swap3A_441 = arith.constant 0 : index
      %swap3A_442 = arith.constant 0 : index
      %swap3A_443 = vector.load %arg7[%swap3A_440, %swap3A_441, %swap3A_442] : memref<16x512x512xf32, #tpu.memory_space<vmem>>, vector<1x512x512xf32>
      %swap3A_444 = vector.shape_cast %swap3A_443 : vector<1x512x512xf32> to vector<512x512xf32>
      %swap3A_445 = vector.shape_cast %select_n3A_439 : vector<512x512xf32> to vector<1x512x512xf32>
      tpu.vector_store %arg7[%swap3A_440, %swap3A_441, %swap3A_442], %swap3A_445 {strides = array<i32>} : memref<16x512x512xf32, #tpu.memory_space<vmem>>, vector<1x512x512xf32>,
      %reduce_min3A_446 = arith.constant dense<0x7F800000> : vector<512xf32>
      %reduce_min3A_447 = vector.multi_reduction <minimumf>, %select_n3A_439, %reduce_min3A_446 [1] : vector<512x512xf32> to vector<512xf32>
      %broadcast_in_dim3A_448 = vector.shape_cast %reduce_min3A_447 : vector<512xf32> to vector<512x1xf32>
      %eq3A_449 = vector.broadcast %broadcast_in_dim3A_448 : vector<512x1xf32> to vector<512x512xf32>
      %eq3A_450 = arith.cmpf oeq, %select_n3A_439, %eq3A_449 : vector<512x512xf32>
      %jit3A_451 = arith.constant 0x4B800000 : f32
      %broadcast_in_dim3A_452 = vector.broadcast %jit3A_451 : f32 to vector<512x512xf32>
      %select_n3A_453 = arith.select %eq3A_450, %convert_element_type3A_80, %broadcast_in_dim3A_452 : vector<512x512xi1>, vector<512x512xf32>
      %reduce_min3A_454 = arith.constant dense<0x7F800000> : vector<512xf32>
      %reduce_min3A_455 = vector.multi_reduction <minimumf>, %select_n3A_453, %reduce_min3A_454 [1] : vector<512x512xf32> to vector<512xf32>
      %broadcast_in_dim3A_456 = vector.shape_cast %reduce_min3A_455 : vector<512xf32> to vector<512x1xf32>
      %add3A_457 = vector.broadcast %convert_element_type3A_428 : f32 to vector<512x1xf32>
      %add3A_458 = arith.addf %broadcast_in_dim3A_456, %add3A_457 : vector<512x1xf32>
      %lt3A_459 = arith.cmpf olt, %broadcast_in_dim3A_448, %while3A_425 : vector<512x1xf32>
      %select_n3A_460 = arith.select %lt3A_459, %broadcast_in_dim3A_448, %while3A_425 : vector<512x1xi1>, vector<512x1xf32>
      %select_n3A_461 = arith.select %lt3A_459, %add3A_458, %while3A_426 : vector<512x1xi1>, vector<512x1xf32>
      scf.yield %select_n3A_460, %select_n3A_461 : vector<512x1xf32>, vector<512x1xf32>
    }
    %while3A_415 = arith.constant 1 : i32
    %while3A_416:2 = scf.for %while3A_424 = %while3A_412 to %while3A_408 step %while3A_415 iter_args(%while3A_425 = %while3A_414#0, %while3A_426 = %while3A_414#1) -> (vector<512x1xf32>, vector<512x1xf32>)  : i32 {
      %mul3A = arith.constant 512 : i32
      %mul3A_427 = arith.muli %while3A_424, %mul3A : i32
      %convert_element_type3A_428 = arith.sitofp %mul3A_427 : i32 to f32
      %get3A_429 = arith.index_cast %while3A_424 : i32 to index
      %get3A_430 = arith.constant 0 : index
      %get3A_431 = arith.constant 0 : index
      %get3A_432 = vector.load %arg7[%get3A_429, %get3A_430, %get3A_431] : memref<16x512x512xf32, #tpu.memory_space<vmem>>, vector<1x512x512xf32>
      %get3A_433 = vector.shape_cast %get3A_432 : vector<1x512x512xf32> to vector<512x512xf32>
      %sub3A_434 = vector.broadcast %convert_element_type3A_428 : f32 to vector<512x1xf32>
      %sub3A_435 = arith.subf %while3A_395#1, %sub3A_434 : vector<512x1xf32>
      %eq3A = vector.broadcast %sub3A_435 : vector<512x1xf32> to vector<512x512xf32>
      %eq3A_436 = arith.cmpf oeq, %convert_element_type3A_80, %eq3A : vector<512x512xf32>
      %jit3A_437 = arith.constant 0x7F800000 : f32
      %broadcast_in_dim3A_438 = vector.broadcast %jit3A_437 : f32 to vector<512x512xf32>
      %select_n3A_439 = arith.select %eq3A_436, %broadcast_in_dim3A_438, %get3A_433 : vector<512x512xi1>, vector<512x512xf32>
      %swap3A_440 = arith.index_cast %while3A_424 : i32 to index
      %swap3A_441 = arith.constant 0 : index
      %swap3A_442 = arith.constant 0 : index
      %swap3A_443 = vector.load %arg7[%swap3A_440, %swap3A_441, %swap3A_442] : memref<16x512x512xf32, #tpu.memory_space<vmem>>, vector<1x512x512xf32>
      %swap3A_444 = vector.shape_cast %swap3A_443 : vector<1x512x512xf32> to vector<512x512xf32>
      %swap3A_445 = vector.shape_cast %select_n3A_439 : vector<512x512xf32> to vector<1x512x512xf32>
      tpu.vector_store %arg7[%swap3A_440, %swap3A_441, %swap3A_442], %swap3A_445 {strides = array<i32>} : memref<16x512x512xf32, #tpu.memory_space<vmem>>, vector<1x512x512xf32>,
      %reduce_min3A_446 = arith.constant dense<0x7F800000> : vector<512xf32>
      %reduce_min3A_447 = vector.multi_reduction <minimumf>, %select_n3A_439, %reduce_min3A_446 [1] : vector<512x512xf32> to vector<512xf32>
      %broadcast_in_dim3A_448 = vector.shape_cast %reduce_min3A_447 : vector<512xf32> to vector<512x1xf32>
      %eq3A_449 = vector.broadcast %broadcast_in_dim3A_448 : vector<512x1xf32> to vector<512x512xf32>
      %eq3A_450 = arith.cmpf oeq, %select_n3A_439, %eq3A_449 : vector<512x512xf32>
      %jit3A_451 = arith.constant 0x4B800000 : f32
      %broadcast_in_dim3A_452 = vector.broadcast %jit3A_451 : f32 to vector<512x512xf32>
      %select_n3A_453 = arith.select %eq3A_450, %convert_element_type3A_80, %broadcast_in_dim3A_452 : vector<512x512xi1>, vector<512x512xf32>
      %reduce_min3A_454 = arith.constant dense<0x7F800000> : vector<512xf32>
      %reduce_min3A_455 = vector.multi_reduction <minimumf>, %select_n3A_453, %reduce_min3A_454 [1] : vector<512x512xf32> to vector<512xf32>
      %broadcast_in_dim3A_456 = vector.shape_cast %reduce_min3A_455 : vector<512xf32> to vector<512x1xf32>
      %add3A_457 = vector.broadcast %convert_element_type3A_428 : f32 to vector<512x1xf32>
      %add3A_458 = arith.addf %broadcast_in_dim3A_456, %add3A_457 : vector<512x1xf32>
      %lt3A_459 = arith.cmpf olt, %broadcast_in_dim3A_448, %while3A_425 : vector<512x1xf32>
      %select_n3A_460 = arith.select %lt3A_459, %broadcast_in_dim3A_448, %while3A_425 : vector<512x1xi1>, vector<512x1xf32>
      %select_n3A_461 = arith.select %lt3A_459, %add3A_458, %while3A_426 : vector<512x1xi1>, vector<512x1xf32>
      scf.yield %select_n3A_460, %select_n3A_461 : vector<512x1xf32>, vector<512x1xf32>
    }
    %min3A_417 = arith.constant 8.191000e+03 : f32
    %min3A_418 = vector.broadcast %min3A_417 : f32 to vector<512x1xf32>
    %min3A_419 = arith.minimumf %while3A_416#1, %min3A_418 : vector<512x1xf32>
    %convert_element_type3A_420 = arith.fptosi %min3A_419 : vector<512x1xf32> to vector<512x1xi32>
    %swap3A_421 = arith.constant 0 : index
    %swap3A_422 = arith.constant 15 : index
    %swap3A_423 = vector.load %arg6[%swap3A_421, %swap3A_422] : memref<512x16xi32, #tpu.memory_space<vmem>>, vector<512x1xi32>
    tpu.vector_store %arg6[%swap3A_421, %swap3A_422], %convert_element_type3A_420 {strides = array<i32>} : memref<512x16xi32, #tpu.memory_space<vmem>>, vector<512x1xi32>,
    return
  }
  func.func @transform_0(%arg0: i32) -> (i32, i32) {
    %c0_i32 = arith.constant 0 : i32
    %c0_i32_0 = arith.constant 0 : i32
    return %arg0, %c0_i32 : i32, i32
  }
  func.func @transform_1(%arg0: i32) -> (i32, i32) {
    %c0_i32 = arith.constant 0 : i32
    %c0_i32_0 = arith.constant 0 : i32
    return %arg0, %c0_i32 : i32, i32
  }
  func.func @transform_2(%arg0: i32) -> (i32, i32, i32) {
    %c0_i32 = arith.constant 0 : i32
    %c0_i32_0 = arith.constant 0 : i32
    %c0_i32_1 = arith.constant 0 : i32
    %c0_i32_2 = arith.constant 0 : i32
    return %c0_i32, %c0_i32_0, %c0_i32_1 : i32, i32, i32
  }
  func.func @transform_3(%arg0: i32) -> (i32, i32, i32) {
    %c0_i32 = arith.constant 0 : i32
    %c0_i32_0 = arith.constant 0 : i32
    %c0_i32_1 = arith.constant 0 : i32
    %c0_i32_2 = arith.constant 0 : i32
    return %c0_i32, %c0_i32_0, %c0_i32_1 : i32, i32, i32
  }
  func.func @transform_4(%arg0: i32) -> (i32, i32) {
    %c0_i32 = arith.constant 0 : i32
    %c0_i32_0 = arith.constant 0 : i32
    %c0_i32_1 = arith.constant 0 : i32
    return %c0_i32, %c0_i32_0 : i32, i32
  }
  func.func @transform_5(%arg0: i32) -> (i32, i32) {
    %c0_i32 = arith.constant 0 : i32
    %c0_i32_0 = arith.constant 0 : i32
    return %arg0, %c0_i32 : i32, i32
  }
}

module attributes {stable_mosaic.version = 14 : i64} {
  func.func @_mlp_kernel(%arg0: i32, %arg1: memref<512x8xf32, #tpu.memory_space<vmem>>, %arg2: memref<512x1xi32, #tpu.memory_space<vmem>>, %arg3: memref<48x512xf32, #tpu.memory_space<vmem>>, %arg4: memref<8x1024xf32, #tpu.memory_space<vmem>>, %arg5: memref<48x1024xf32, #tpu.memory_space<vmem>>, %arg6: memref<1x1024xf32, #tpu.memory_space<vmem>>, %arg7: memref<1024x256xf32, #tpu.memory_space<vmem>>, %arg8: memref<1x256xf32, #tpu.memory_space<vmem>>, %arg9: memref<256x128xf32, #tpu.memory_space<vmem>>, %arg10: memref<1x128xf32, #tpu.memory_space<vmem>>, %arg11: memref<8x128xf32, #tpu.memory_space<vmem>>) attributes {dimension_semantics = [#tpu.dimension_semantics<arbitrary>], iteration_bounds = array<i64: 16>, scalar_prefetch = 0 : i64, scratch_operands = 0 : i64, tpu.core_type = #tpu.core_type<tc>, window_params = [{transform_indices = @transform_0, window_bounds = array<i64: 512, 8>}, {transform_indices = @transform_1, window_bounds = array<i64: 512, 1>}, {transform_indices = @transform_2, window_bounds = array<i64: 48, 512>}, {pipeline_mode = #tpu.pipeline_mode<synchronous>, transform_indices = @transform_3, window_bounds = array<i64: 8, 1024>}, {pipeline_mode = #tpu.pipeline_mode<synchronous>, transform_indices = @transform_4, window_bounds = array<i64: 48, 1024>}, {pipeline_mode = #tpu.pipeline_mode<synchronous>, transform_indices = @transform_5, window_bounds = array<i64: 1, 1024>}, {pipeline_mode = #tpu.pipeline_mode<synchronous>, transform_indices = @transform_6, window_bounds = array<i64: 1024, 256>}, {pipeline_mode = #tpu.pipeline_mode<synchronous>, transform_indices = @transform_7, window_bounds = array<i64: 1, 256>}, {pipeline_mode = #tpu.pipeline_mode<synchronous>, transform_indices = @transform_8, window_bounds = array<i64: 256, 128>}, {pipeline_mode = #tpu.pipeline_mode<synchronous>, transform_indices = @transform_9, window_bounds = array<i64: 1, 128>}, {pipeline_mode = #tpu.pipeline_mode<synchronous>, transform_indices = @transform_10, window_bounds = array<i64: 8, 128>}]} {
    %get3A = arith.constant 0 : index
    %get3A_0 = arith.constant 0 : index
    %get3A_1 = vector.load %arg2[%get3A, %get3A_0] : memref<512x1xi32, #tpu.memory_space<vmem>>, vector<512x1xi32>
    %get3A_2 = arith.constant 0 : index
    %get3A_3 = arith.constant 0 : index
    %get3A_4 = vector.load %arg1[%get3A_2, %get3A_3] : memref<512x8xf32, #tpu.memory_space<vmem>>, vector<512x8xf32>
    %get3A_5 = arith.constant 0 : index
    %get3A_6 = arith.constant 0 : index
    %get3A_7 = vector.load %arg4[%get3A_5, %get3A_6] : memref<8x1024xf32, #tpu.memory_space<vmem>>, vector<8x1024xf32>
    %dot_general3A = arith.constant dense<0.000000e+00> : vector<512x1024xf32>
    %dot_general3A_8 = tpu.matmul %get3A_4, %get3A_7, %dot_general3A {dimension_numbers = #tpu.dot_dimension_numbers<[1], [0], [0], [1], [0, 0, 1, 1], [], []>, transpose_lhs_hint = false} : vector<512x8xf32>, vector<8x1024xf32>, vector<512x1024xf32> -> vector<512x1024xf32>
    %get3A_9 = arith.constant 0 : index
    %get3A_10 = arith.constant 0 : index
    %get3A_11 = vector.load %arg3[%get3A_9, %get3A_10] : memref<48x512xf32, #tpu.memory_space<vmem>>, vector<48x512xf32>
    %get3A_12 = arith.constant 0 : index
    %get3A_13 = arith.constant 0 : index
    %get3A_14 = vector.load %arg5[%get3A_12, %get3A_13] : memref<48x1024xf32, #tpu.memory_space<vmem>>, vector<48x1024xf32>
    %dot_general3A_15 = arith.constant dense<0.000000e+00> : vector<512x1024xf32>
    %dot_general3A_16 = tpu.matmul %get3A_11, %get3A_14, %dot_general3A_15 {dimension_numbers = #tpu.dot_dimension_numbers<[0], [0], [1], [1], [0, 1, 1, 1], [], []>, transpose_lhs_hint = false} : vector<48x512xf32>, vector<48x1024xf32>, vector<512x1024xf32> -> vector<512x1024xf32>
    %add3A = arith.addf %dot_general3A_8, %dot_general3A_16 : vector<512x1024xf32>
    %get3A_17 = arith.constant 0 : index
    %get3A_18 = arith.constant 0 : index
    %get3A_19 = vector.load %arg6[%get3A_17, %get3A_18] : memref<1x1024xf32, #tpu.memory_space<vmem>>, vector<1x1024xf32>
    %add3A_20 = vector.broadcast %get3A_19 : vector<1x1024xf32> to vector<512x1024xf32>
    %add3A_21 = arith.addf %add3A, %add3A_20 : vector<512x1024xf32>
    %max3A = arith.constant 0.000000e+00 : f32
    %max3A_22 = vector.broadcast %max3A : f32 to vector<512x1024xf32>
    %max3A_23 = arith.maximumf %add3A_21, %max3A_22 : vector<512x1024xf32>
    %get3A_24 = arith.constant 0 : index
    %get3A_25 = arith.constant 0 : index
    %get3A_26 = vector.load %arg7[%get3A_24, %get3A_25] : memref<1024x256xf32, #tpu.memory_space<vmem>>, vector<1024x256xf32>
    %dot_general3A_27 = arith.constant dense<0.000000e+00> : vector<512x256xf32>
    %dot_general3A_28 = tpu.matmul %max3A_23, %get3A_26, %dot_general3A_27 {dimension_numbers = #tpu.dot_dimension_numbers<[1], [0], [0], [1], [0, 0, 1, 1], [], []>, transpose_lhs_hint = false} : vector<512x1024xf32>, vector<1024x256xf32>, vector<512x256xf32> -> vector<512x256xf32>
    %get3A_29 = arith.constant 0 : index
    %get3A_30 = arith.constant 0 : index
    %get3A_31 = vector.load %arg8[%get3A_29, %get3A_30] : memref<1x256xf32, #tpu.memory_space<vmem>>, vector<1x256xf32>
    %add3A_32 = vector.broadcast %get3A_31 : vector<1x256xf32> to vector<512x256xf32>
    %add3A_33 = arith.addf %dot_general3A_28, %add3A_32 : vector<512x256xf32>
    %max3A_34 = arith.constant 0.000000e+00 : f32
    %max3A_35 = vector.broadcast %max3A_34 : f32 to vector<512x256xf32>
    %max3A_36 = arith.maximumf %add3A_33, %max3A_35 : vector<512x256xf32>
    %get3A_37 = arith.constant 0 : index
    %get3A_38 = arith.constant 0 : index
    %get3A_39 = vector.load %arg9[%get3A_37, %get3A_38] : memref<256x128xf32, #tpu.memory_space<vmem>>, vector<256x128xf32>
    %dot_general3A_40 = arith.constant dense<0.000000e+00> : vector<512x128xf32>
    %dot_general3A_41 = tpu.matmul %max3A_36, %get3A_39, %dot_general3A_40 {dimension_numbers = #tpu.dot_dimension_numbers<[1], [0], [0], [1], [0, 0, 1, 1], [], []>, transpose_lhs_hint = false} : vector<512x256xf32>, vector<256x128xf32>, vector<512x128xf32> -> vector<512x128xf32>
    %get3A_42 = arith.constant 0 : index
    %get3A_43 = arith.constant 0 : index
    %get3A_44 = vector.load %arg10[%get3A_42, %get3A_43] : memref<1x128xf32, #tpu.memory_space<vmem>>, vector<1x128xf32>
    %add3A_45 = vector.broadcast %get3A_44 : vector<1x128xf32> to vector<512x128xf32>
    %add3A_46 = arith.addf %dot_general3A_41, %add3A_45 : vector<512x128xf32>
    %iota3A = tpu.iota {dimensions = array<i32: 1>} : vector<512x128xi32>
    %eq3A = arith.constant 9 : i32
    %eq3A_47 = vector.broadcast %eq3A : i32 to vector<512x128xi32>
    %eq3A_48 = arith.cmpi eq, %iota3A, %eq3A_47 : vector<512x128xi32>
    %jit3A = arith.constant 1.000000e+00 : f32
    %broadcast_in_dim3A = vector.broadcast %jit3A : f32 to vector<512x128xf32>
    %select_n3A = arith.select %eq3A_48, %broadcast_in_dim3A, %add3A_46 : vector<512x128xi1>, vector<512x128xf32>
    %iota3A_49 = tpu.iota {dimensions = array<i32: 1>} : vector<1x8xi32>
    %eq3A_50 = vector.broadcast %get3A_1 : vector<512x1xi32> to vector<512x8xi32>
    %eq3A_51 = vector.broadcast %iota3A_49 : vector<1x8xi32> to vector<512x8xi32>
    %eq3A_52 = arith.cmpi eq, %eq3A_50, %eq3A_51 : vector<512x8xi32>
    %convert_element_type3A = arith.extui %eq3A_52 : vector<512x8xi1> to vector<512x8xi32>
    %convert_element_type3A_53 = arith.sitofp %convert_element_type3A : vector<512x8xi32> to vector<512x8xf32>
    %dot_general3A_54 = arith.constant dense<0.000000e+00> : vector<8x128xf32>
    %dot_general3A_55 = tpu.matmul %convert_element_type3A_53, %select_n3A, %dot_general3A_54 {dimension_numbers = #tpu.dot_dimension_numbers<[0], [0], [1], [1], [0, 1, 1, 1], [], []>, transpose_lhs_hint = false} : vector<512x8xf32>, vector<512x128xf32>, vector<8x128xf32> -> vector<8x128xf32>
    %eq3A_56 = arith.constant 0 : i32
    %eq3A_57 = arith.cmpi eq, %arg0, %eq3A_56 : i32
    %convert_element_type3A_58 = arith.extui %eq3A_57 : i1 to i32
    %cond3A = arith.constant 0 : i32
    %cond3A_59 = arith.cmpi ne, %convert_element_type3A_58, %cond3A : i32
    scf.if %cond3A_59 {
      %broadcast_in_dim3A_66 = arith.constant 0.000000e+00 : f32
      %broadcast_in_dim3A_67 = vector.broadcast %broadcast_in_dim3A_66 : f32 to vector<8x128xf32>
      %swap3A_68 = arith.constant 0 : index
      %swap3A_69 = arith.constant 0 : index
      %swap3A_70 = vector.load %arg11[%swap3A_68, %swap3A_69] : memref<8x128xf32, #tpu.memory_space<vmem>>, vector<8x128xf32>
      tpu.vector_store %arg11[%swap3A_68, %swap3A_69], %broadcast_in_dim3A_67 {strides = array<i32>} : memref<8x128xf32, #tpu.memory_space<vmem>>, vector<8x128xf32>,
    } else {
    }
    %get3A_60 = arith.constant 0 : index
    %get3A_61 = arith.constant 0 : index
    %get3A_62 = vector.load %arg11[%get3A_60, %get3A_61] : memref<8x128xf32, #tpu.memory_space<vmem>>, vector<8x128xf32>
    %add3A_63 = arith.addf %get3A_62, %dot_general3A_55 : vector<8x128xf32>
    %swap3A = arith.constant 0 : index
    %swap3A_64 = arith.constant 0 : index
    %swap3A_65 = vector.load %arg11[%swap3A, %swap3A_64] : memref<8x128xf32, #tpu.memory_space<vmem>>, vector<8x128xf32>
    tpu.vector_store %arg11[%swap3A, %swap3A_64], %add3A_63 {strides = array<i32>} : memref<8x128xf32, #tpu.memory_space<vmem>>, vector<8x128xf32>,
    return
  }
  func.func @transform_0(%arg0: i32) -> (i32, i32) {
    %c0_i32 = arith.constant 0 : i32
    %c0_i32_0 = arith.constant 0 : i32
    return %arg0, %c0_i32 : i32, i32
  }
  func.func @transform_1(%arg0: i32) -> (i32, i32) {
    %c0_i32 = arith.constant 0 : i32
    %c0_i32_0 = arith.constant 0 : i32
    return %arg0, %c0_i32 : i32, i32
  }
  func.func @transform_2(%arg0: i32) -> (i32, i32) {
    %c0_i32 = arith.constant 0 : i32
    %c0_i32_0 = arith.constant 0 : i32
    return %c0_i32, %arg0 : i32, i32
  }
  func.func @transform_3(%arg0: i32) -> (i32, i32) {
    %c0_i32 = arith.constant 0 : i32
    %c0_i32_0 = arith.constant 0 : i32
    %c0_i32_1 = arith.constant 0 : i32
    return %c0_i32, %c0_i32_0 : i32, i32
  }
  func.func @transform_4(%arg0: i32) -> (i32, i32) {
    %c0_i32 = arith.constant 0 : i32
    %c0_i32_0 = arith.constant 0 : i32
    %c0_i32_1 = arith.constant 0 : i32
    return %c0_i32, %c0_i32_0 : i32, i32
  }
  func.func @transform_5(%arg0: i32) -> (i32, i32) {
    %c0_i32 = arith.constant 0 : i32
    %c0_i32_0 = arith.constant 0 : i32
    %c0_i32_1 = arith.constant 0 : i32
    return %c0_i32, %c0_i32_0 : i32, i32
  }
  func.func @transform_6(%arg0: i32) -> (i32, i32) {
    %c0_i32 = arith.constant 0 : i32
    %c0_i32_0 = arith.constant 0 : i32
    %c0_i32_1 = arith.constant 0 : i32
    return %c0_i32, %c0_i32_0 : i32, i32
  }
  func.func @transform_7(%arg0: i32) -> (i32, i32) {
    %c0_i32 = arith.constant 0 : i32
    %c0_i32_0 = arith.constant 0 : i32
    %c0_i32_1 = arith.constant 0 : i32
    return %c0_i32, %c0_i32_0 : i32, i32
  }
  func.func @transform_8(%arg0: i32) -> (i32, i32) {
    %c0_i32 = arith.constant 0 : i32
    %c0_i32_0 = arith.constant 0 : i32
    %c0_i32_1 = arith.constant 0 : i32
    return %c0_i32, %c0_i32_0 : i32, i32
  }
  func.func @transform_9(%arg0: i32) -> (i32, i32) {
    %c0_i32 = arith.constant 0 : i32
    %c0_i32_0 = arith.constant 0 : i32
    %c0_i32_1 = arith.constant 0 : i32
    return %c0_i32, %c0_i32_0 : i32, i32
  }
  func.func @transform_10(%arg0: i32) -> (i32, i32) {
    %c0_i32 = arith.constant 0 : i32
    %c0_i32_0 = arith.constant 0 : i32
    %c0_i32_1 = arith.constant 0 : i32
    return %c0_i32, %c0_i32_0 : i32, i32
  }
}

module attributes {stable_mosaic.version = 14 : i64} {
  func.func @_xform_kernel(%arg0: memref<8192x3xf32, #tpu.memory_space<vmem>>, %arg1: memref<8192x1xi32, #tpu.memory_space<vmem>>, %arg2: memref<8x128xf32, #tpu.memory_space<vmem>>, %arg3: memref<8192x3xf32, #tpu.memory_space<vmem>>) attributes {dimension_semantics = [], scalar_prefetch = 0 : i64, scratch_operands = 0 : i64, tpu.core_type = #tpu.core_type<tc>} {
    %get3A = arith.constant 0 : index
    %get3A_0 = arith.constant 9 : index
    %get3A_1 = vector.load %arg2[%get3A, %get3A_0] : memref<8x128xf32, #tpu.memory_space<vmem>>, vector<8x1xf32>
    %max3A = arith.constant 1.000000e+00 : f32
    %max3A_2 = vector.broadcast %max3A : f32 to vector<8x1xf32>
    %max3A_3 = arith.maximumf %get3A_1, %max3A_2 : vector<8x1xf32>
    %get3A_4 = arith.constant 0 : index
    %get3A_5 = arith.constant 0 : index
    %get3A_6 = vector.load %arg2[%get3A_4, %get3A_5] : memref<8x128xf32, #tpu.memory_space<vmem>>, vector<8x9xf32>
    %div3A = vector.broadcast %max3A_3 : vector<8x1xf32> to vector<8x9xf32>
    %div3A_7 = arith.divf %get3A_6, %div3A : vector<8x9xf32>
    %get3A_8 = arith.constant 0 : index
    %get3A_9 = arith.constant 0 : index
    %get3A_10 = vector.load %arg1[%get3A_8, %get3A_9] : memref<8192x1xi32, #tpu.memory_space<vmem>>, vector<8192x1xi32>
    %broadcast_in_dim3A = arith.constant 0.000000e+00 : f32
    %broadcast_in_dim3A_11 = vector.broadcast %broadcast_in_dim3A : f32 to vector<8192x9xf32>
    %eq3A = arith.constant 0 : i32
    %eq3A_12 = vector.broadcast %eq3A : i32 to vector<8192x1xi32>
    %eq3A_13 = arith.cmpi eq, %get3A_10, %eq3A_12 : vector<8192x1xi32>
    %slice3A = vector.extract_strided_slice %div3A_7 {offsets = [0, 0], sizes = [1, 9], strides = [1, 1]} : vector<8x9xf32> to vector<1x9xf32>
    %broadcast_in_dim3A_14 = vector.shape_cast %eq3A_13 : vector<8192x1xi1> to vector<8192x1xi1>
    %broadcast_in_dim3A_15 = vector.broadcast %broadcast_in_dim3A_14 : vector<8192x1xi1> to vector<8192x9xi1>
    %broadcast_in_dim3A_16 = vector.shape_cast %slice3A : vector<1x9xf32> to vector<1x9xf32>
    %broadcast_in_dim3A_17 = vector.broadcast %broadcast_in_dim3A_16 : vector<1x9xf32> to vector<8192x9xf32>
    %select_n3A = arith.select %broadcast_in_dim3A_15, %broadcast_in_dim3A_17, %broadcast_in_dim3A_11 : vector<8192x9xi1>, vector<8192x9xf32>
    %eq3A_18 = arith.constant 1 : i32
    %eq3A_19 = vector.broadcast %eq3A_18 : i32 to vector<8192x1xi32>
    %eq3A_20 = arith.cmpi eq, %get3A_10, %eq3A_19 : vector<8192x1xi32>
    %slice3A_21 = vector.extract_strided_slice %div3A_7 {offsets = [1, 0], sizes = [1, 9], strides = [1, 1]} : vector<8x9xf32> to vector<1x9xf32>
    %broadcast_in_dim3A_22 = vector.shape_cast %eq3A_20 : vector<8192x1xi1> to vector<8192x1xi1>
    %broadcast_in_dim3A_23 = vector.broadcast %broadcast_in_dim3A_22 : vector<8192x1xi1> to vector<8192x9xi1>
    %broadcast_in_dim3A_24 = vector.shape_cast %slice3A_21 : vector<1x9xf32> to vector<1x9xf32>
    %broadcast_in_dim3A_25 = vector.broadcast %broadcast_in_dim3A_24 : vector<1x9xf32> to vector<8192x9xf32>
    %select_n3A_26 = arith.select %broadcast_in_dim3A_23, %broadcast_in_dim3A_25, %select_n3A : vector<8192x9xi1>, vector<8192x9xf32>
    %eq3A_27 = arith.constant 2 : i32
    %eq3A_28 = vector.broadcast %eq3A_27 : i32 to vector<8192x1xi32>
    %eq3A_29 = arith.cmpi eq, %get3A_10, %eq3A_28 : vector<8192x1xi32>
    %slice3A_30 = vector.extract_strided_slice %div3A_7 {offsets = [2, 0], sizes = [1, 9], strides = [1, 1]} : vector<8x9xf32> to vector<1x9xf32>
    %broadcast_in_dim3A_31 = vector.shape_cast %eq3A_29 : vector<8192x1xi1> to vector<8192x1xi1>
    %broadcast_in_dim3A_32 = vector.broadcast %broadcast_in_dim3A_31 : vector<8192x1xi1> to vector<8192x9xi1>
    %broadcast_in_dim3A_33 = vector.shape_cast %slice3A_30 : vector<1x9xf32> to vector<1x9xf32>
    %broadcast_in_dim3A_34 = vector.broadcast %broadcast_in_dim3A_33 : vector<1x9xf32> to vector<8192x9xf32>
    %select_n3A_35 = arith.select %broadcast_in_dim3A_32, %broadcast_in_dim3A_34, %select_n3A_26 : vector<8192x9xi1>, vector<8192x9xf32>
    %eq3A_36 = arith.constant 3 : i32
    %eq3A_37 = vector.broadcast %eq3A_36 : i32 to vector<8192x1xi32>
    %eq3A_38 = arith.cmpi eq, %get3A_10, %eq3A_37 : vector<8192x1xi32>
    %slice3A_39 = vector.extract_strided_slice %div3A_7 {offsets = [3, 0], sizes = [1, 9], strides = [1, 1]} : vector<8x9xf32> to vector<1x9xf32>
    %broadcast_in_dim3A_40 = vector.shape_cast %eq3A_38 : vector<8192x1xi1> to vector<8192x1xi1>
    %broadcast_in_dim3A_41 = vector.broadcast %broadcast_in_dim3A_40 : vector<8192x1xi1> to vector<8192x9xi1>
    %broadcast_in_dim3A_42 = vector.shape_cast %slice3A_39 : vector<1x9xf32> to vector<1x9xf32>
    %broadcast_in_dim3A_43 = vector.broadcast %broadcast_in_dim3A_42 : vector<1x9xf32> to vector<8192x9xf32>
    %select_n3A_44 = arith.select %broadcast_in_dim3A_41, %broadcast_in_dim3A_43, %select_n3A_35 : vector<8192x9xi1>, vector<8192x9xf32>
    %eq3A_45 = arith.constant 4 : i32
    %eq3A_46 = vector.broadcast %eq3A_45 : i32 to vector<8192x1xi32>
    %eq3A_47 = arith.cmpi eq, %get3A_10, %eq3A_46 : vector<8192x1xi32>
    %slice3A_48 = vector.extract_strided_slice %div3A_7 {offsets = [4, 0], sizes = [1, 9], strides = [1, 1]} : vector<8x9xf32> to vector<1x9xf32>
    %broadcast_in_dim3A_49 = vector.shape_cast %eq3A_47 : vector<8192x1xi1> to vector<8192x1xi1>
    %broadcast_in_dim3A_50 = vector.broadcast %broadcast_in_dim3A_49 : vector<8192x1xi1> to vector<8192x9xi1>
    %broadcast_in_dim3A_51 = vector.shape_cast %slice3A_48 : vector<1x9xf32> to vector<1x9xf32>
    %broadcast_in_dim3A_52 = vector.broadcast %broadcast_in_dim3A_51 : vector<1x9xf32> to vector<8192x9xf32>
    %select_n3A_53 = arith.select %broadcast_in_dim3A_50, %broadcast_in_dim3A_52, %select_n3A_44 : vector<8192x9xi1>, vector<8192x9xf32>
    %eq3A_54 = arith.constant 5 : i32
    %eq3A_55 = vector.broadcast %eq3A_54 : i32 to vector<8192x1xi32>
    %eq3A_56 = arith.cmpi eq, %get3A_10, %eq3A_55 : vector<8192x1xi32>
    %slice3A_57 = vector.extract_strided_slice %div3A_7 {offsets = [5, 0], sizes = [1, 9], strides = [1, 1]} : vector<8x9xf32> to vector<1x9xf32>
    %broadcast_in_dim3A_58 = vector.shape_cast %eq3A_56 : vector<8192x1xi1> to vector<8192x1xi1>
    %broadcast_in_dim3A_59 = vector.broadcast %broadcast_in_dim3A_58 : vector<8192x1xi1> to vector<8192x9xi1>
    %broadcast_in_dim3A_60 = vector.shape_cast %slice3A_57 : vector<1x9xf32> to vector<1x9xf32>
    %broadcast_in_dim3A_61 = vector.broadcast %broadcast_in_dim3A_60 : vector<1x9xf32> to vector<8192x9xf32>
    %select_n3A_62 = arith.select %broadcast_in_dim3A_59, %broadcast_in_dim3A_61, %select_n3A_53 : vector<8192x9xi1>, vector<8192x9xf32>
    %eq3A_63 = arith.constant 6 : i32
    %eq3A_64 = vector.broadcast %eq3A_63 : i32 to vector<8192x1xi32>
    %eq3A_65 = arith.cmpi eq, %get3A_10, %eq3A_64 : vector<8192x1xi32>
    %slice3A_66 = vector.extract_strided_slice %div3A_7 {offsets = [6, 0], sizes = [1, 9], strides = [1, 1]} : vector<8x9xf32> to vector<1x9xf32>
    %broadcast_in_dim3A_67 = vector.shape_cast %eq3A_65 : vector<8192x1xi1> to vector<8192x1xi1>
    %broadcast_in_dim3A_68 = vector.broadcast %broadcast_in_dim3A_67 : vector<8192x1xi1> to vector<8192x9xi1>
    %broadcast_in_dim3A_69 = vector.shape_cast %slice3A_66 : vector<1x9xf32> to vector<1x9xf32>
    %broadcast_in_dim3A_70 = vector.broadcast %broadcast_in_dim3A_69 : vector<1x9xf32> to vector<8192x9xf32>
    %select_n3A_71 = arith.select %broadcast_in_dim3A_68, %broadcast_in_dim3A_70, %select_n3A_62 : vector<8192x9xi1>, vector<8192x9xf32>
    %eq3A_72 = arith.constant 7 : i32
    %eq3A_73 = vector.broadcast %eq3A_72 : i32 to vector<8192x1xi32>
    %eq3A_74 = arith.cmpi eq, %get3A_10, %eq3A_73 : vector<8192x1xi32>
    %slice3A_75 = vector.extract_strided_slice %div3A_7 {offsets = [7, 0], sizes = [1, 9], strides = [1, 1]} : vector<8x9xf32> to vector<1x9xf32>
    %broadcast_in_dim3A_76 = vector.shape_cast %eq3A_74 : vector<8192x1xi1> to vector<8192x1xi1>
    %broadcast_in_dim3A_77 = vector.broadcast %broadcast_in_dim3A_76 : vector<8192x1xi1> to vector<8192x9xi1>
    %broadcast_in_dim3A_78 = vector.shape_cast %slice3A_75 : vector<1x9xf32> to vector<1x9xf32>
    %broadcast_in_dim3A_79 = vector.broadcast %broadcast_in_dim3A_78 : vector<1x9xf32> to vector<8192x9xf32>
    %select_n3A_80 = arith.select %broadcast_in_dim3A_77, %broadcast_in_dim3A_79, %select_n3A_71 : vector<8192x9xi1>, vector<8192x9xf32>
    %get3A_81 = arith.constant 0 : index
    %get3A_82 = arith.constant 0 : index
    %get3A_83 = vector.load %arg0[%get3A_81, %get3A_82] : memref<8192x3xf32, #tpu.memory_space<vmem>>, vector<8192x1xf32>
    %get3A_84 = arith.constant 0 : index
    %get3A_85 = arith.constant 1 : index
    %get3A_86 = vector.load %arg0[%get3A_84, %get3A_85] : memref<8192x3xf32, #tpu.memory_space<vmem>>, vector<8192x1xf32>
    %get3A_87 = arith.constant 0 : index
    %get3A_88 = arith.constant 2 : index
    %get3A_89 = vector.load %arg0[%get3A_87, %get3A_88] : memref<8192x3xf32, #tpu.memory_space<vmem>>, vector<8192x1xf32>
    %slice3A_90 = vector.extract_strided_slice %select_n3A_80 {offsets = [0, 0], sizes = [8192, 1], strides = [1, 1]} : vector<8192x9xf32> to vector<8192x1xf32>
    %mul3A = arith.mulf %get3A_83, %slice3A_90 : vector<8192x1xf32>
    %slice3A_91 = vector.extract_strided_slice %select_n3A_80 {offsets = [0, 3], sizes = [8192, 1], strides = [1, 1]} : vector<8192x9xf32> to vector<8192x1xf32>
    %mul3A_92 = arith.mulf %get3A_86, %slice3A_91 : vector<8192x1xf32>
    %add3A = arith.addf %mul3A, %mul3A_92 : vector<8192x1xf32>
    %slice3A_93 = vector.extract_strided_slice %select_n3A_80 {offsets = [0, 6], sizes = [8192, 1], strides = [1, 1]} : vector<8192x9xf32> to vector<8192x1xf32>
    %mul3A_94 = arith.mulf %get3A_89, %slice3A_93 : vector<8192x1xf32>
    %add3A_95 = arith.addf %add3A, %mul3A_94 : vector<8192x1xf32>
    %swap3A = arith.constant 0 : index
    %swap3A_96 = arith.constant 0 : index
    %swap3A_97 = vector.load %arg3[%swap3A, %swap3A_96] : memref<8192x3xf32, #tpu.memory_space<vmem>>, vector<8192x1xf32>
    tpu.vector_store %arg3[%swap3A, %swap3A_96], %add3A_95 {strides = array<i32>} : memref<8192x3xf32, #tpu.memory_space<vmem>>, vector<8192x1xf32>,
    %slice3A_98 = vector.extract_strided_slice %select_n3A_80 {offsets = [0, 1], sizes = [8192, 1], strides = [1, 1]} : vector<8192x9xf32> to vector<8192x1xf32>
    %mul3A_99 = arith.mulf %get3A_83, %slice3A_98 : vector<8192x1xf32>
    %slice3A_100 = vector.extract_strided_slice %select_n3A_80 {offsets = [0, 4], sizes = [8192, 1], strides = [1, 1]} : vector<8192x9xf32> to vector<8192x1xf32>
    %mul3A_101 = arith.mulf %get3A_86, %slice3A_100 : vector<8192x1xf32>
    %add3A_102 = arith.addf %mul3A_99, %mul3A_101 : vector<8192x1xf32>
    %slice3A_103 = vector.extract_strided_slice %select_n3A_80 {offsets = [0, 7], sizes = [8192, 1], strides = [1, 1]} : vector<8192x9xf32> to vector<8192x1xf32>
    %mul3A_104 = arith.mulf %get3A_89, %slice3A_103 : vector<8192x1xf32>
    %add3A_105 = arith.addf %add3A_102, %mul3A_104 : vector<8192x1xf32>
    %swap3A_106 = arith.constant 0 : index
    %swap3A_107 = arith.constant 1 : index
    %swap3A_108 = vector.load %arg3[%swap3A_106, %swap3A_107] : memref<8192x3xf32, #tpu.memory_space<vmem>>, vector<8192x1xf32>
    tpu.vector_store %arg3[%swap3A_106, %swap3A_107], %add3A_105 {strides = array<i32>} : memref<8192x3xf32, #tpu.memory_space<vmem>>, vector<8192x1xf32>,
    %slice3A_109 = vector.extract_strided_slice %select_n3A_80 {offsets = [0, 2], sizes = [8192, 1], strides = [1, 1]} : vector<8192x9xf32> to vector<8192x1xf32>
    %mul3A_110 = arith.mulf %get3A_83, %slice3A_109 : vector<8192x1xf32>
    %slice3A_111 = vector.extract_strided_slice %select_n3A_80 {offsets = [0, 5], sizes = [8192, 1], strides = [1, 1]} : vector<8192x9xf32> to vector<8192x1xf32>
    %mul3A_112 = arith.mulf %get3A_86, %slice3A_111 : vector<8192x1xf32>
    %add3A_113 = arith.addf %mul3A_110, %mul3A_112 : vector<8192x1xf32>
    %slice3A_114 = vector.extract_strided_slice %select_n3A_80 {offsets = [0, 8], sizes = [8192, 1], strides = [1, 1]} : vector<8192x9xf32> to vector<8192x1xf32>
    %mul3A_115 = arith.mulf %get3A_89, %slice3A_114 : vector<8192x1xf32>
    %add3A_116 = arith.addf %add3A_113, %mul3A_115 : vector<8192x1xf32>
    %swap3A_117 = arith.constant 0 : index
    %swap3A_118 = arith.constant 2 : index
    %swap3A_119 = vector.load %arg3[%swap3A_117, %swap3A_118] : memref<8192x3xf32, #tpu.memory_space<vmem>>, vector<8192x1xf32>
    tpu.vector_store %arg3[%swap3A_117, %swap3A_118], %add3A_116 {strides = array<i32>} : memref<8192x3xf32, #tpu.memory_space<vmem>>, vector<8192x1xf32>,
    return
  }
}

</mosaic_0001>

<sc_bundles>
// kernel: _run.6.cloned.1.call-start
scs
__scs_entry_jumppad:
0x0: {  	(pc) =	sbr.rel $0x88, $3  }
0x1: {  	(tag) =	ssettag $0x0;
	lr =	simm.s32 $0x1  }
0x2: {  	[smem:$0x3F99] =	sst lr;
	_ =	strace $0xD0000000  }
0x3: {  	_ = 	snop  }
0x4: {  	_ = 	snop  }
0x5: {  	_ = 	snop  }
0x6: {  	_ = 	snop  }
0x7: {  	_ = 	snop  }
__scs_overlays_trampoline_lowered:
0x8: {  	[smem:$0x3FA8] =	sst s0  }
0x9: {  	[smem:$0x3FA9] =	sst s1  }
0xa: {  	[smem:$0x3FAA] =	sst s2  }
0xb: {  	[smem:$0x3FAB] =	sst s3  }
0xc: {  	[smem:$0x3FAC] =	sst s4  }
0xd: {  	[smem:$0x3FAD] =	sst s5  }
0xe: {  	[smem:$0x3FAE] =	sst s6  }
0xf: {  	[smem:$0x3FAF] =	sst s7  }
0x10: {  	[smem:$0x3FB0] =	sst s8  }
0x11: {  	[smem:$0x3FB1] =	sst s9;
	s0 =	simm.s32 @!p0 $0x0  }
0x12: {  	s1 =	sld [smem:$0x3F97];
	s0 =	simm.s32 @p0 $0x1  }
0x13: {  	[smem:$0x3FB2] =	sst s0;
	s0 =	simm.s32 @!p1 $0x0  }
0x14: {  	s2 =	sld [smem:$0x3F96];
	s0 =	simm.s32 @p1 $0x1  }
0x15: {  	[smem:$0x3FB3] =	sst s0;
	s0 =	simm.s32 @!p2 $0x0  }
0x16: {  	s3 =	sld [smem:$0x3FDB];
	s0 =	simm.s32 @p2 $0x1  }
0x17: {  	s4 =	simm.s32 $0x1BF5;
	[smem:$0x3FB5] =	sst s0  }
0x18: {  	s0 =	sld [smem:$0x3F98];
	_ =	swait.ge [sflag:s4], $0x0  }
0x19: {  	s7 =	sld [smem:$0x3F99]  }
0x1a: {  	s8 =	sadd.s32 $0xFFFFE003, lr  }
0x1b: {  	s9 =	sadd.s32 $0xFFFFFEF7, lr;
	s5 =	simm.s32 $0xFFFFFFFF;
	p2 =	slt.u32 s8, $0xFFFFF086  }
0x1c: {  	p1 =	slt.u32 s9, $0xF7A;
	s5 =	simm.s32 @!p2 $0x0  }
0x1d: {  	s5 =	simm.s32 @p1 $0x1;
	p0 =	seq.s32 s7, s2  }
0x1e: {  	s7 =	smul.u32 @!p0 $0xF7A, s2;
	p2 =	seq.s32 @!p0 s5, $0x0  }
0x1f: {  	s9 =	smul.u32 $0xF7A, s1;
	s8 =	simm.s32 @!p0 $0x1BF5;
	p2 =	por !p2, p0  }
0x20: {  	[sflag:s8] =	ssyncset.s32 @!p0 $0xFFFFF086;
	s6 =	sadd.s32 @!p0 s3, s7;
	s7 =	simm.s32 @!p0 $0x108  }
0x21: {  	s3 =	sadd.s32 s3, s9;
	s6 =	sadd.s32 @!p0 $0x88, s6;
	s7 =	simm.s32 @p2 $0x1082  }
0x22: {  	[simem:s7], [sflag:s8] =	dma.local @!p0 [hbm:s6], $0xF7A  }
0x23: {  	s9 =	sor.u32 $0xD0000000, s2;
	s6 =	simm.s32 $0x108;
	_ =	swait.ge @!p0 [sflag:s8], $0x0  }
0x24: {  	s3 =	sadd.s32 $0x88, s3;
	s6 =	simm.s32 @!p1 $0x1082;
	[sflag:s4] =	ssyncset.s32 $0xFFFFF086  }
0x25: {  	[simem:s6], [sflag:s4] =	dma.local [hbm:s3], $0xF7A  }
0x26: {  	[smem:$0x3F99] =	sst s1;
	(tag) =	ssettag s2;
	_ =	strace s9  }
0x27: {  	s1 =	sld [smem:$0x3FA9]  }
0x28: {  	s2 =	sld [smem:$0x3FAA]  }
0x29: {  	s4 =	sld [smem:$0x3FAC]  }
0x2a: {  	p0 =	seq.s32 s5, $0x0;
	s5 =	sld [smem:$0x3FAD]  }
0x2b: {  	s6 =	sld [smem:$0x3FAE]  }
0x2c: {  	s7 =	sld [smem:$0x3FAF]  }
0x2d: {  	s3 =	simm.s32 $0x108;
	s8 =	sld [smem:$0x3FB0]  }
0x2e: {  	s3 =	simm.s32 @!p0 $0x1082;
	s9 =	sld [smem:$0x3FB1]  }
0x2f: {  	lr =	sadd.s32 s0, s3;
	s0 =	sld [smem:$0x3FA8]  }
0x30: {  	s3 =	sld [smem:$0x3FAB]  }
0x31: {  	[smem:$0x3FB4] =	sst s10  }
0x32: {  	s10 =	sld [smem:$0x3FB2];
	_ =	sdelay $0x3  }
0x33: {  	p0 =	seq.s32 s10, $0x1;
	s10 =	sld [smem:$0x3FB4];
	_ =	sdelay $0x3  }
0x34: {  	[smem:$0x3FB4] =	sst s10  }
0x35: {  	s10 =	sld [smem:$0x3FB3];
	_ =	sdelay $0x3  }
0x36: {  	p1 =	seq.s32 s10, $0x1;
	s10 =	sld [smem:$0x3FB4];
	_ =	sdelay $0x3  }
0x37: {  	[smem:$0x3FB4] =	sst s10  }
0x38: {  	s10 =	sld [smem:$0x3FB5]  }
0x39: {  	_ = 	snop;
	(pc) =	sbr.ind lr, $3  }
0x3a: {  	_ = 	snop  }
0x3b: {  	_ = 	snop  }
0x3c: {  	p2 =	seq.s32 s10, $0x1;
	s10 =	sld [smem:$0x3FB4]  }
0x3d: {  	_ =	shalt  }
0x3e: {  	_ =	shalt  }
0x3f: {  	_ =	shalt  }
0x40: {  	_ =	shalt  }
0x41: {  	_ =	shalt  }
0x42: {  	_ =	shalt  }
0x43: {  	_ =	shalt  }
0x44: {  	_ =	shalt  }
0x45: {  	_ =	shalt  }
0x46: {  	_ =	shalt  }
0x47: {  	_ =	shalt  }
0x48: {  	_ =	shalt  }
0x49: {  	_ =	shalt  }
0x4a: {  	_ =	shalt  }
0x4b: {  	_ =	shalt  }
0x4c: {  	_ =	shalt  }
0x4d: {  	_ =	shalt  }
0x4e: {  	_ =	shalt  }
0x4f: {  	_ =	shalt  }
0x50: {  	_ =	shalt  }
0x51: {  	_ =	shalt  }
0x52: {  	_ =	shalt  }
0x53: {  	_ =	shalt  }
0x54: {  	_ =	shalt  }
0x55: {  	_ =	shalt  }
0x56: {  	_ =	shalt  }
0x57: {  	_ =	shalt  }
0x58: {  	_ =	shalt  }
0x59: {  	_ =	shalt  }
0x5a: {  	_ =	shalt  }
0x5b: {  	_ =	shalt  }
0x5c: {  	_ =	shalt  }
0x5d: {  	_ =	shalt  }
0x5e: {  	_ =	shalt  }
0x5f: {  	_ =	shalt  }
0x60: {  	_ =	shalt  }
0x61: {  	_ =	shalt  }
0x62: {  	_ =	shalt  }
0x63: {  	_ =	shalt  }
0x64: {  	_ =	shalt  }
0x65: {  	_ =	shalt  }
0x66: {  	_ =	shalt  }
0x67: {  	_ =	shalt  }
0x68: {  	_ =	shalt  }
0x69: {  	_ =	shalt  }
0x6a: {  	_ =	shalt  }
0x6b: {  	_ =	shalt  }
0x6c: {  	_ =	shalt  }
0x6d: {  	_ =	shalt  }
0x6e: {  	_ =	shalt  }
0x6f: {  	_ =	shalt  }
0x70: {  	_ =	shalt  }
0x71: {  	_ =	shalt  }
0x72: {  	_ =	shalt  }
0x73: {  	_ =	shalt  }
0x74: {  	_ =	shalt  }
0x75: {  	_ =	shalt  }
0x76: {  	_ =	shalt  }
0x77: {  	_ =	shalt  }
0x78: {  	_ =	shalt  }
0x79: {  	_ =	shalt  }
0x7a: {  	_ =	shalt  }
0x7b: {  	_ =	shalt  }
0x7c: {  	_ =	shalt  }
0x7d: {  	_ =	shalt  }
0x7e: {  	_ =	shalt  }
0x7f: {  	_ =	shalt  }
0x80: {  	_ =	shalt  }
0x81: {  	_ =	shalt  }
0x82: {  	_ =	shalt  }
0x83: {  	_ =	shalt  }
0x84: {  	_ =	shalt  }
0x85: {  	_ =	shalt  }
0x86: {  	_ =	shalt  }
0x87: {  	_ =	shalt  }
.Lfunc_end0:
.L_simem_size_0:
called_computation_lowered:
.L_overlay_start_0:
0x88: {  	s2 =	sld [smem:$0x3FD9]  }
0x89: {  	s3 =	sld [smem:$0x3FFE];
	_ =	sdelay $0x1  }
0x8a: {  	s1 =	srdreg.scid  }
0x8b: {  	s0 =	sand.u32 $0x1, s1  }
0x8c: {  	s17 =	sshll.u32 s0, $0xA;
	s2 =	sadd.s32 s3, s2  }
0x8d: {  	s2 =	sadd.s32 s2, s17  }
0x8e: {  	[smem:$0x3FC0] =	sst s2  }
0x8f: {  	_ = 	snop  }
0x90: {  	s2 =	sld [smem:$0x3FD0];
	(tm) =	ssettm $0x1  }
0x91: {  	s18 =	sld [smem:$0x3FFB];
	_ =	sdelay $0x3  }
0x92: {  	_ =	strace s18  }
0x93: {  	s3 =	sld [smem:$0x3FFC];
	_ =	sdelay $0x3  }
0x94: {  	_ =	strace s3  }
0x95: {  	s3 =	sld [smem:$0x3FFD];
	_ =	sdelay $0x3  }
0x96: {  	_ =	strace s3  }
0x97: {  	_ =	strace $0x8FFFFFFF  }
0x98: {  	s19 =	sld [smem:$0x3FDB];
	_ =	sdelay $0x1  }
0x99: {  	s4 =	simm.s32 $_scs_section_size  }
0x9a: {  	s5 =	simm.s32 $_size__tile_overlayer_lowered;
	s6 =	simm.s32 $_tile_overlayer_lowered  }
0x9b: {  	s22 =	simm.s32 $0x1BFF;
	s21 =	sshll.u32 s6, $0x1;
	s3 =	sadd.s32 s4, s19  }
0x9c: {  	s7 =	simm.s32 $0x0;
	s20 =	sshll.u32 s5, $0x1;
	s5 =	sadd.s32 s21, s3  }
0x9d: {  	[timem:s7], [sflag:s22] =	dma.local [hbm:s5], s20  }
0x9e: {  	_ =	swait.ge [sflag:s22], s20  }
0x9f: {  	s4 =	ssub.s32 $0x0, s20;
	[sflag:s22] =	ssyncset.done $0x0  }
0xa0: {  	[sflag:s22] =	ssyncadd.s32 s4;
	_ =	sdelay $0x1  }
0xa1: {  	s23 =	simm.s32 $0x1B8B  }
0xa2: {  	_ =	swait.ge [sflag:s23], $0x1  }
0xa3: {  	[sflag:s23] =	ssyncset.done $0x0  }
0xa4: {  	s25 =	simm.s32 $0x1B8E;
	s24 =	sld [smem:$0x3FFE];
	[sflag:s23] =	ssyncadd.s32 $0xFFFFFFFF  }
0xa5: {  	s26 =	simm.s32 $execute0_lowered;
	[smem:$0x3FD2] =	sst s25  }
0xa6: {  	s5 =	sshll.u32 s26, $0x1;
	_ =	strace $0x80000046;
	[dreg:$0x1] =	wrdreg $0xFFFFFFFF  }
0xa7: {  	s28 =	simm.s32 $_size_execute0_lowered;
	s3 =	sadd.s32 s3, s5;
	[dreg:$0x0] =	wrdreg $0x0  }
0xa8: {  	s5 =	sshll.u32 s28, $0x1;
	[dreg:$0x2] =	wrdreg s3  }
0xa9: {  	[dreg:$0x3] =	wrdreg s5  }
0xaa: {  	[dreg:$0x4] =	wrdreg $0xC0  }
0xab: {  	_ =	task [dreg:s7], $0x5FFFF  }
0xac: {  	[dreg:$0x1] =	wrdreg $0xFFFFFFFF  }
0xad: {  	[dreg:$0x0] =	wrdreg $0x60  }
0xae: {  	[dreg:$0x2] =	wrdreg s24  }
0xaf: {  	[dreg:$0x3] =	wrdreg s2  }
0xb0: {  	[dreg:$0x4] =	wrdreg $0x9  }
0xb1: {  	_ =	task.clear_ibuf [dreg:s7], $0x5FFFF;
	_ =	strace $0x90000046  }
0xb2: {  	s29 =	simm.s32 $0x9;
	_ =	strace $0x80000048  }
0xb3: {  	_ =	swait.ge [sflag:s29], $0x1  }
0xb4: {  	[sflag:s29] =	ssyncadd.s32 $0xFFFFFFFF  }
0xb5: {  	_ =	strace $0x90000048  }
0xb6: {  	_ =	sfence  }
0xb7: {  	s30 =	sld [smem:$0x0];
	_ =	sdelay $0x2  }
0xb8: {  	s31 =	sshll.u32 s1, $0xD;
	s1 =	sshrl.u32 s1, $0x2  }
0xb9: {  	s3 =	sand.u32 $0x4000, s31;
	s1 =	sadd.s32 s1, s30  }
0xba: {  	s0 =	sor.u32 s3, s0;
	s1 =	sshll.u32 s1, $0x11  }
0xbb: {  	s0 =	sor.u32 s1, s0  }
0xbc: {  	s0 =	sadd.s32 $0x8F2B, s0  }
0xbd: {  	[sflag:s0] =	ssyncadd.remote.s32 $0x1  }
0xbe: {  	_ =	sfence.sel $0xFFFF  }
0xbf: {  	[dreg:$0x0] =	wrdreg $0xFFFFFFFF;
	(pc) =	sbr.abs _section_cstart, $3  }
0xc0: {  	[dreg:$0x1] =	wrdreg $0xFFFFFFFF  }
0xc1: {  	_ =	task.clear_ibuf [dreg:s7], $0x2FFFF;
	_ =	strace $0x9FFFFFFF  }
0xc2: {  	(tm) =	ssettm $0x7FFFFFFF  }
0xc3: {  	_ =	shalt  }
tec
execute0_lowered:
.L_overlay_start_1:
0x0: {  	(tag) =	ssettag $0x1  }
0x1: {  	s1 =	srdreg.scid;
	s8 =	rddreg [dreg:$0x0]  }
0x2: {  	s0 =	stileid.u32;
	s2 =	rddreg [dreg:$0x1];
	s3 =	simm.s32 $0x0  }
0x3: {  	s4 =	simm.s32 $0x1;
	s6 =	simm.s32 $0x1;
	s7 =	sand.u32 $0x1, s1  }
0x4: {  	s14 =	simm.s32 $0x6000;
	s15 =	simm.s32 $0x7000;
	s1 =	sor.u32 s7, s0  }
0x5: {  	s16 =	simm.s32 $0x8000;
	p1 =	seq.s32 s7, $0x1;
	p0 =	seq.s32 s1, $0x0  }
0x6: {  	s17 =	simm.s32 $0x9000;
	[smem:$0x7FF] =	sst s3;
	p0 =	por !p0, !p1  }
0x7: {  	s5 =	sadd.s32 $0x800, s8;
	s11 =	sadd.s32 $0x5000, s8;
	p0 =	por !p0, !p0  }
0x8: {  	s18 =	sshll.u32 s7, $0xC;
	s7 =	ssub.s32 $0x2, s7;
	s4 =	simm.s32 @!p0 $0x0  }
0x9: {  	s1 =	rddreg [dreg:$0x2];
	_ =	strace $0x80000047;
	s9 =	ssub.s32 s0, s4  }
0xa: {  	s26 =	sshrl.u32 s7, $0x1;
	s19 =	sor.u32 $0x4000, s18;
	s10 =	sshll.u32 s9, $0xD  }
0xb: {  	s20 =	sor.u32 $0x2000, s18;
	s9 =	smul.u32 $0x6000, s9;
	s10 =	sor.u32 s18, s10  }
0xc: {  	s12 =	ssub.s32 s7, s26;
	s4 =	sadd.s32 $0xC00, s8;
	s10 =	sshrl.u32 s10, $0x3  }
0xd: {  	v0 =	vmov s18;
	s28 =	sor.u32 s18, s9;
	s18 =	simm.s32 $0x0;
	s10 =	sadd.s32 s10, s8  }
0xe: {  	s9 =	sshrl.u32 s28, $0x3;
	s29 =	sadd.s32 $0x2000, s28;
	s13 =	sadd.s32 $0x4000, s28  }
0xf: {  	s7 =	sadd.s32 $0x1000, s10;
	s8 =	sadd.s32 s11, s9;
	s30 =	sshrl.u32 s29, $0x3  }
0x10: {  	s31 =	sshrl.u32 s13, $0x3;
	s13 =	simm.s32 $0x4000;
	s9 =	sadd.s32 s11, s30  }
0x11: {  	v1 =	vmov s20;
	v2 =	vmov s19;
	s10 =	sadd.s32 s11, s31;
	s11 =	smax.u32 s12, $0x1;
	s12 =	simm.s32 $0x2000  }
.LBB2_1:
0x12: {  	[tilespmem:s3], [sflag:$0x1] =	stream.linear.gather [hbm4b:s4+s3], $0x2000, $0x38;
	[tilespmem:$0xA000] =	vst v63  }
0x13: {  	_ =	swait.ge [sflag:s6], $0x2000  }
0x14: {  	[sflag:s6] =	ssyncset.done $0x0  }
0x15: {  	[sflag:s6] =	ssyncadd.s32 $0xFFFFE000  }
0x16: {  	[tilespmem:s12], [sflag:$0x1] =	stream.linear.gather [hbm4b:s5+s3], $0x2000, $0x38;
	[tilespmem:$0xA000] =	vst v63  }
0x17: {  	_ =	swait.ge [sflag:s6], $0x2000  }
0x18: {  	[sflag:s6] =	ssyncset.done $0x0  }
0x19: {  	[sflag:s6] =	ssyncadd.s32 $0xFFFFE000  }
0x1a: {  	[tilespmem:s13], [sflag:$0x1] =	stream.linear.gather [hbm4b:s2+s3], $0x2000, $0x38;
	[tilespmem:$0xA000] =	vst v63  }
0x1b: {  	_ =	swait.ge [sflag:s6], $0x2000  }
0x1c: {  	[sflag:s6] =	ssyncset.done $0x0  }
0x1d: {  	[sflag:s6] =	ssyncadd.s32 $0xFFFFE000  }
0x1e: {  	[tilespmem:s14], [sflag:$0x1] =	stream.linear.gather [hbm4b:s7+s3], $0x1000, $0x38;
	[tilespmem:$0xA000] =	vst v63  }
0x1f: {  	_ =	swait.ge [sflag:s6], $0x1000  }
0x20: {  	[sflag:s6] =	ssyncset.done $0x0  }
0x21: {  	s19 =	simm.s32 $0x0;
	[sflag:s6] =	ssyncadd.s32 $0xFFFFF000  }
0x22: {  	v4 =	vld [tilespmem:s19+$0x6000];
	_ =	sdelay $0x6  }
0x23: {  	v6 =	vld.idx.msk [tilespmem:v0+s19+$0x0 ss:$0x1], $0xffff  }
0x24: {  	v5 =	vld.idx.msk [tilespmem:v4+s3+$0x0], $0xffff;
	_ =	sdelay $0x4  }
0x25: {  	v5 =	vsub.f32 v6, v5  }
0x26: {  	v3 =	vld.idx.msk [tilespmem:v4+s13+$0x0], $0xffff  }
0x27: {  	v4 =	vld.idx.msk [tilespmem:v4+s12+$0x0], $0xffff;
	[tilespmem:s19+$0x7000] =	vst v5  }
0x28: {  	v5 =	vld.idx.msk [tilespmem:v1+s19+$0x0 ss:$0x1], $0xffff;
	_ =	sdelay $0x4  }
0x29: {  	v4 =	vsub.f32 v5, v4;
	_ =	sdelay $0x1  }
0x2a: {  	[tilespmem:s19+$0x8000] =	vst v4  }
0x2b: {  	s21 =	simm.s32 $0x10;
	v5 =	vld.idx.msk [tilespmem:v2+s19+$0x0 ss:$0x1], $0xffff  }
0x2c: {  	s20 =	simm.s32 $0x80;
	v4 =	vld [tilespmem:s21+$0x6000]  }
.LBB2_2:
0x2d: {  	p0 =	sne.s32 s20, $0x3FC0;
	_ =	sdelay $0x3  }
0x2e: {  	v3 =	vsub.f32 v5, v3;
	_ =	sdelay $0x1  }
0x2f: {  	[tilespmem:s19+$0x9000] =	vst v3;
	s19 =	smov.u32 s21  }
0x30: {  	v5 =	vld.idx.msk [tilespmem:v4+s3+$0x0], $0xffff  }
0x31: {  	v6 =	vld.idx.msk [tilespmem:v0+s19+$0x0 ss:$0x1], $0xffff  }
0x32: {  	v3 =	vld.idx.msk [tilespmem:v4+s13+$0x0], $0xffff  }
0x33: {  	v4 =	vld.idx.msk [tilespmem:v4+s12+$0x0], $0xffff;
	_ =	sdelay $0x3  }
0x34: {  	v5 =	vsub.f32 v6, v5;
	_ =	sdelay $0x1  }
0x35: {  	[tilespmem:s19+$0x7000] =	vst v5  }
0x36: {  	v5 =	vld.idx.msk [tilespmem:v1+s19+$0x0 ss:$0x1], $0xffff;
	_ =	sdelay $0x5  }
.Ltmp0:
0x37: {  	v4 =	vsub.f32 v5, v4;
	(pc) =	sbr.rel @p0 .LBB2_2-.Ltmp0, $4  }
0x38: {  	_ = 	snop  }
0x39: {  	[tilespmem:s19+$0x8000] =	vst v4  }
0x3a: {  	s21 =	sshra.s32 s20, $0x2;
	v5 =	vld.idx.msk [tilespmem:v2+s19+$0x0 ss:$0x1], $0xffff  }
0x3b: {  	s20 =	sadd.s32 $0x40, s20;
	v4 =	vld [tilespmem:s21+$0x6000]  }
0x3c: {  	_ =	sdelay $0x4  }
0x3d: {  	v3 =	vsub.f32 v5, v3;
	_ =	sdelay $0x1  }
0x3e: {  	[tilespmem:s19+$0x9000] =	vst v3  }
0x3f: {  	v3 =	vld.idx.msk [tilespmem:v4+s3+$0x0], $0xffff  }
0x40: {  	v62 =	vld.idx.msk [tilespmem:v0+s21+$0x0 ss:$0x1], $0xffff;
	_ =	sdelay $0x4  }
0x41: {  	v3 =	vsub.f32 v62, v3  }
0x42: {  	v6 =	vld.idx.msk [tilespmem:v4+s13+$0x0], $0xffff  }
0x43: {  	v63 =	vld.idx.msk [tilespmem:v4+s12+$0x0], $0xffff;
	[tilespmem:s21+$0x7000] =	vst v3  }
0x44: {  	v3 =	vld.idx.msk [tilespmem:v1+s21+$0x0 ss:$0x1], $0xffff;
	_ =	sdelay $0x4  }
0x45: {  	v3 =	vsub.f32 v3, v63;
	_ =	sdelay $0x1  }
0x46: {  	[tilespmem:s21+$0x8000] =	vst v3  }
0x47: {  	v3 =	vld.idx.msk [tilespmem:v2+s21+$0x0 ss:$0x1], $0xffff;
	_ =	sdelay $0x4  }
0x48: {  	v3 =	vsub.f32 v3, v6;
	_ =	sdelay $0x1  }
0x49: {  	[tilespmem:s21+$0x9000] =	vst v3  }
0x4a: {  	[hbm4b:s8+s3] =	stream.linear.scatter [tilespmem:s15], [sflag:$0x1], $0x1000, $0x38;
	[tilespmem:$0xA000] =	vst v63  }
0x4b: {  	_ =	swait.ge [sflag:s6], $0x1000  }
0x4c: {  	[sflag:s6] =	ssyncset.done $0x0  }
0x4d: {  	[sflag:s6] =	ssyncadd.s32 $0xFFFFF000  }
0x4e: {  	[hbm4b:s9+s3] =	stream.linear.scatter [tilespmem:s16], [sflag:$0x1], $0x1000, $0x38;
	[tilespmem:$0xA000] =	vst v63  }
0x4f: {  	s18 =	sadd.s32 $0x1, s18;
	_ =	swait.ge [sflag:s6], $0x1000  }
0x50: {  	p0 =	sne.s32 s18, s11;
	[sflag:s6] =	ssyncset.done $0x0  }
.Ltmp1:
0x51: {  	[sflag:s6] =	ssyncadd.s32 $0xFFFFF000;
	(pc) =	sbr.rel @p0 .LBB2_1-.Ltmp1, $4  }
0x52: {  	[hbm4b:s10+s3] =	stream.linear.scatter [tilespmem:s17], [sflag:$0x1], $0x1000, $0x38;
	[tilespmem:$0xA000] =	vst v63  }
0x53: {  	_ =	swait.ge [sflag:s6], $0x1000  }
0x54: {  	[sflag:s6] =	ssyncset.done $0x0  }
0x55: {  	[sflag:s6] =	ssyncadd.s32 $0xFFFFF000  }
0x56: {  	_ =	sfence.sel $0x180000  }
0x57: {  	[bflag:$0x0] =	sbarrier.arrive $0xFFFF  }
0x58: {  	p0 =	sne.s32 s0, $0x0;
	_ =	strace $0x90000047  }
0x59: {  	s0 =	sadd.s32 @!p0 $0x100000, s1;
	[bflag:$0x2] =	sbarrier.arrive $0xFFFF  }
0x5a: {  	[sflag:s0] =	ssyncadd.tile.s32 @!p0 $0x1;
	_ =	shalt  }
.Lfunc_end2:
_tile_overlayer_lowered:
.L_overlay_start_2:
0x5b: {  	(tag) =	ssettag $0x2  }
0x5c: {  	s0 =	rddreg [dreg:$0x0];
	s2 =	stileid.u32  }
0x5d: {  	s1 =	rddreg [dreg:$0x1];
	p0 =	sne.s32 s2, $0x0  }
0x5e: {  	s3 =	rddreg [dreg:$0x2];
	[bflag:$0x3] =	sbarrier.arrive $0xFFFF;
	s2 =	simm.s32 @!p0 $0x1C01  }
0x5f: {  	[timem:s3], [sflag:s2] =	dma.local @!p0 [hbm:s0], s1  }
0x60: {  	s0 =	simm.s32 @!p0 $0x1  }
0x61: {  	_ =	swait.ge @!p0 [sflag:s0], s1  }
0x62: {  	s1 =	ssub.s32 @!p0 $0x0, s1;
	[sflag:s0] =	ssyncset.done @!p0 $0x0  }
0x63: {  	[sflag:s0] =	ssyncadd.s32 @!p0 s1  }
0x64: {  	[bflag:$0x3] =	sbarrier.arrive $0xFFFF  }
0x65: {  	_ =	shalt  }

</sc_bundles>
